<compile_context>
chip_gen: v7x
topology: tpu7x:2x2x1
jax: 0.10.2.dev20260603
libtpu: 0.0.44.dev20260713+nightly
codegen_flags: <defaults>
</compile_context>

<pallas_src>
import functools

import jax
import jax.numpy as jnp
from jax import lax
from jax.experimental import pallas as pl
from jax.experimental.pallas import tpu as pltpu
from jax.experimental.pallas import tpu_sc as plsc

N = 10000
E = 320000
D = 128

NC = 2
NS = 16
NW = NC * NS
EPW = E // NW
C = 80
NCHUNK = EPW // C
STRIPE = 624
DSUB = D // 16


def _sc_body(x_hbm, row_hbm, col_hbm, val_hbm, out_hbm,
             colv, rowv, valv, rows_v, acc, sem):
    cid = lax.axis_index("c")
    sid = lax.axis_index("s")
    wid = sid * NC + cid

    zvec = jnp.zeros((16,), jnp.float32)

    def zrow(i, carry):
        for j in range(DSUB):
            rows_v[i, pl.ds(j * 16, 16)] = zvec
        return carry

    lax.fori_loop(0, C, zrow, 0)
    row0 = sid * STRIPE
    for k in range(640 // C):
        pltpu.sync_copy(rows_v, acc.at[pl.ds(row0 + k * C, C)])
    plsc.subcore_barrier()

    ebase = wid * EPW

    def chunk(ci, carry):
        base = ebase + ci * C
        pltpu.sync_copy(col_hbm.at[pl.ds(base, C)], colv)
        pltpu.sync_copy(row_hbm.at[pl.ds(base, C)], rowv)
        pltpu.sync_copy(val_hbm.at[pl.ds(base, C)], valv)
        pltpu.async_copy(x_hbm.at[colv], rows_v, sem).wait()

        def scale(g, c2):
            v16 = valv[pl.ds(g * 16, 16)]
            for k in range(16):
                e = g * 16 + k
                v = v16[k]
                for j in range(DSUB):
                    sl = pl.ds(j * 16, 16)
                    rows_v[e, sl] = rows_v[e, sl] * v
            return c2

        lax.fori_loop(0, C // 16, scale, 0)
        pltpu.sync_copy(rows_v, acc.at[rowv], add=True)
        return carry

    lax.fori_loop(0, NCHUNK, chunk, 0)
    plsc.subcore_barrier()

    pltpu.sync_copy(acc.at[pl.ds(row0, STRIPE)],
                    out_hbm.at[cid, pl.ds(row0, STRIPE)])

    @pl.when(sid == NS - 1)
    def _tail():
        pltpu.sync_copy(acc.at[pl.ds(NS * STRIPE, N - NS * STRIPE)],
                        out_hbm.at[cid, pl.ds(NS * STRIPE, N - NS * STRIPE)])


_sc_call = functools.partial(
    pl.kernel,
    out_type=jax.ShapeDtypeStruct((NC, N, D), jnp.float32),
    mesh=plsc.VectorSubcoreMesh(core_axis_name="c", subcore_axis_name="s"),
    scratch_types=[
        pltpu.VMEM((C,), jnp.int32),
        pltpu.VMEM((C,), jnp.int32),
        pltpu.VMEM((C,), jnp.float32),
        pltpu.VMEM((C, D), jnp.float32),
        pltpu.VMEM_SHARED((N, D), jnp.float32),
        pltpu.SemaphoreType.DMA,
    ],
)(_sc_body)


def _combine_body(a_ref, b_ref, o_ref):
    o_ref[...] = a_ref[...] + b_ref[...]


def _combine(partials):
    blk = 1000
    return pl.pallas_call(
        _combine_body,
        grid=(N // blk,),
        in_specs=[pl.BlockSpec((blk, D), lambda i: (i, 0)),
                  pl.BlockSpec((blk, D), lambda i: (i, 0))],
        out_specs=pl.BlockSpec((blk, D), lambda i: (i, 0)),
        out_shape=jax.ShapeDtypeStruct((N, D), jnp.float32),
    )(partials[0], partials[1])


def kernel(spot_x, A_row, A_col, A_vals):
    partials = _sc_call(spot_x,
                        A_row.astype(jnp.int32),
                        A_col.astype(jnp.int32),
                        A_vals)
    return _combine(partials)

# --- scband reference (transcript-rebuilt; emitter-appended) ---
"""Pipeline reference for scband-station-influence-59854664237700 (READ-ONLY COPY).

The authoritative reference and input builder live on the scoring server;
editing this copy changes nothing except your own understanding.
"""

import jax, jax.numpy as jnp
import numpy as np

N = 10000   # number of spots (rows/cols of sparse A)
E = 320000  # nnz of A (avg_degree=32)
D = 128     # feature dim of spot_x

def setup_inputs(seed: int = 0) -> dict:
    key = jax.random.key(seed)
    k1, k2, k3, k4 = jax.random.split(key, 4)
    spot_x = jax.random.normal(k1, (N, D), dtype=jnp.float32)
    # Sparse adjacency A in COO form (stands in for the spot_station_spot_A.pt buffer).
    A_row = jax.random.randint(k2, (E,), 0, N)
    A_col = jax.random.randint(k3, (E,), 0, N)
    A_vals = jax.random.uniform(k4, (E,), dtype=jnp.float32)
    return {"spot_x": spot_x, "A_row": A_row, "A_col": A_col, "A_vals": A_vals}

def reference(spot_x, A_row, A_col, A_vals):
    # torch.sparse.mm(A, spot_x):
    # out[r, :] = sum over nnz (r, c, v) of v * spot_x[c, :]
    gathered = A_vals[:, None] * jnp.take(spot_x, A_col, axis=0)  # [E, D] gather
    out = jax.ops.segment_sum(gathered, A_row, num_segments=N)     # [N, D] scatter-add
    return out

if __name__ == "__main__":
    import jax
    _d = setup_inputs()
    print(jax.jit(kernel)(*tuple(_d.values())))

</pallas_src>

<mosaic_0001>
#map = affine_map<(d0, d1) -> (0, 0)>
#map1 = affine_map<(d0, d1) -> (0)>
#map2 = affine_map<(d0, d1) -> (0, 0, 0)>
module attributes {stable_mosaic.version = 14 : i64} {
  func.func @_sc_body(%arg0: i32, %arg1: i32, %arg2: memref<10000x128xf32, #tpu.memory_space<hbm>>, %arg3: memref<320000xi32, #tpu.memory_space<hbm>>, %arg4: memref<320000xi32, #tpu.memory_space<hbm>>, %arg5: memref<320000xf32, #tpu.memory_space<hbm>>, %arg6: memref<2x10000x128xf32, #tpu.memory_space<hbm>>, %arg7: memref<80xi32, #tpu.memory_space<vmem>>, %arg8: memref<80xi32, #tpu.memory_space<vmem>>, %arg9: memref<80xf32, #tpu.memory_space<vmem>>, %arg10: memref<80x128xf32, #tpu.memory_space<vmem>>, %arg11: memref<10000x128xf32, #tpu.memory_space<vmem_shared>>, %arg12: memref<!tpu.dma_semaphore, #tpu.memory_space<semaphore_mem>>) attributes {dimension_semantics = [#tpu.dimension_semantics<core_parallel>, #tpu.dimension_semantics<subcore_parallel>], iteration_bounds = array<i64: 2, 16>, scalar_prefetch = 0 : i64, scratch_operands = 6 : i64, tpu.core_type = #tpu.core_type<sc_vector_subcore>, window_params = [{transform_indices = #map}, {transform_indices = #map1}, {transform_indices = #map1}, {transform_indices = #map1}, {transform_indices = #map2}]} {
    %mul3A = arith.constant 2 : i32
    %mul3A_0 = arith.muli %arg1, %mul3A : i32
    %add3A = arith.addi %mul3A_0, %arg0 : i32
    %broadcast_in_dim3A = arith.constant 0.000000e+00 : f32
    %broadcast_in_dim3A_1 = vector.broadcast %broadcast_in_dim3A : f32 to vector<16xf32>
    %scan3A = arith.constant 0 : i32
    %scan3A_2 = arith.constant 0 : i32
    %scan3A_3 = arith.constant 80 : i32
    %scan3A_4 = arith.addi %scan3A_2, %scan3A_3 : i32
    %scan3A_5 = arith.constant 1 : i32
    scf.for %scan3A_36 = %scan3A_2 to %scan3A_4 step %scan3A_5  : i32 {
      %swap3A = arith.index_cast %scan3A_36 : i32 to index
      %swap3A_37 = arith.constant 0 : index
      %swap3A_38 = tpu.vector_load %arg10[%swap3A, %swap3A_37] {strides = array<i32>} : memref<80x128xf32, #tpu.memory_space<vmem>>, vector<1x16xf32>,
      %swap3A_39 = vector.shape_cast %swap3A_38 : vector<1x16xf32> to vector<16xf32>
      %swap3A_40 = vector.shape_cast %broadcast_in_dim3A_1 : vector<16xf32> to vector<1x16xf32>
      tpu.vector_store %arg10[%swap3A, %swap3A_37], %swap3A_40 {strides = array<i32>} : memref<80x128xf32, #tpu.memory_space<vmem>>, vector<1x16xf32>,
      %swap3A_41 = arith.index_cast %scan3A_36 : i32 to index
      %swap3A_42 = arith.constant 16 : index
      %swap3A_43 = tpu.vector_load %arg10[%swap3A_41, %swap3A_42] {strides = array<i32>} : memref<80x128xf32, #tpu.memory_space<vmem>>, vector<1x16xf32>,
      %swap3A_44 = vector.shape_cast %swap3A_43 : vector<1x16xf32> to vector<16xf32>
      %swap3A_45 = vector.shape_cast %broadcast_in_dim3A_1 : vector<16xf32> to vector<1x16xf32>
      tpu.vector_store %arg10[%swap3A_41, %swap3A_42], %swap3A_45 {strides = array<i32>} : memref<80x128xf32, #tpu.memory_space<vmem>>, vector<1x16xf32>,
      %swap3A_46 = arith.index_cast %scan3A_36 : i32 to index
      %swap3A_47 = arith.constant 32 : index
      %swap3A_48 = tpu.vector_load %arg10[%swap3A_46, %swap3A_47] {strides = array<i32>} : memref<80x128xf32, #tpu.memory_space<vmem>>, vector<1x16xf32>,
      %swap3A_49 = vector.shape_cast %swap3A_48 : vector<1x16xf32> to vector<16xf32>
      %swap3A_50 = vector.shape_cast %broadcast_in_dim3A_1 : vector<16xf32> to vector<1x16xf32>
      tpu.vector_store %arg10[%swap3A_46, %swap3A_47], %swap3A_50 {strides = array<i32>} : memref<80x128xf32, #tpu.memory_space<vmem>>, vector<1x16xf32>,
      %swap3A_51 = arith.index_cast %scan3A_36 : i32 to index
      %swap3A_52 = arith.constant 48 : index
      %swap3A_53 = tpu.vector_load %arg10[%swap3A_51, %swap3A_52] {strides = array<i32>} : memref<80x128xf32, #tpu.memory_space<vmem>>, vector<1x16xf32>,
      %swap3A_54 = vector.shape_cast %swap3A_53 : vector<1x16xf32> to vector<16xf32>
      %swap3A_55 = vector.shape_cast %broadcast_in_dim3A_1 : vector<16xf32> to vector<1x16xf32>
      tpu.vector_store %arg10[%swap3A_51, %swap3A_52], %swap3A_55 {strides = array<i32>} : memref<80x128xf32, #tpu.memory_space<vmem>>, vector<1x16xf32>,
      %swap3A_56 = arith.index_cast %scan3A_36 : i32 to index
      %swap3A_57 = arith.constant 64 : index
      %swap3A_58 = tpu.vector_load %arg10[%swap3A_56, %swap3A_57] {strides = array<i32>} : memref<80x128xf32, #tpu.memory_space<vmem>>, vector<1x16xf32>,
      %swap3A_59 = vector.shape_cast %swap3A_58 : vector<1x16xf32> to vector<16xf32>
      %swap3A_60 = vector.shape_cast %broadcast_in_dim3A_1 : vector<16xf32> to vector<1x16xf32>
      tpu.vector_store %arg10[%swap3A_56, %swap3A_57], %swap3A_60 {strides = array<i32>} : memref<80x128xf32, #tpu.memory_space<vmem>>, vector<1x16xf32>,
      %swap3A_61 = arith.index_cast %scan3A_36 : i32 to index
      %swap3A_62 = arith.constant 80 : index
      %swap3A_63 = tpu.vector_load %arg10[%swap3A_61, %swap3A_62] {strides = array<i32>} : memref<80x128xf32, #tpu.memory_space<vmem>>, vector<1x16xf32>,
      %swap3A_64 = vector.shape_cast %swap3A_63 : vector<1x16xf32> to vector<16xf32>
      %swap3A_65 = vector.shape_cast %broadcast_in_dim3A_1 : vector<16xf32> to vector<1x16xf32>
      tpu.vector_store %arg10[%swap3A_61, %swap3A_62], %swap3A_65 {strides = array<i32>} : memref<80x128xf32, #tpu.memory_space<vmem>>, vector<1x16xf32>,
      %swap3A_66 = arith.index_cast %scan3A_36 : i32 to index
      %swap3A_67 = arith.constant 96 : index
      %swap3A_68 = tpu.vector_load %arg10[%swap3A_66, %swap3A_67] {strides = array<i32>} : memref<80x128xf32, #tpu.memory_space<vmem>>, vector<1x16xf32>,
      %swap3A_69 = vector.shape_cast %swap3A_68 : vector<1x16xf32> to vector<16xf32>
      %swap3A_70 = vector.shape_cast %broadcast_in_dim3A_1 : vector<16xf32> to vector<1x16xf32>
      tpu.vector_store %arg10[%swap3A_66, %swap3A_67], %swap3A_70 {strides = array<i32>} : memref<80x128xf32, #tpu.memory_space<vmem>>, vector<1x16xf32>,
      %swap3A_71 = arith.index_cast %scan3A_36 : i32 to index
      %swap3A_72 = arith.constant 112 : index
      %swap3A_73 = tpu.vector_load %arg10[%swap3A_71, %swap3A_72] {strides = array<i32>} : memref<80x128xf32, #tpu.memory_space<vmem>>, vector<1x16xf32>,
      %swap3A_74 = vector.shape_cast %swap3A_73 : vector<1x16xf32> to vector<16xf32>
      %swap3A_75 = vector.shape_cast %broadcast_in_dim3A_1 : vector<16xf32> to vector<1x16xf32>
      tpu.vector_store %arg10[%swap3A_71, %swap3A_72], %swap3A_75 {strides = array<i32>} : memref<80x128xf32, #tpu.memory_space<vmem>>, vector<1x16xf32>,
    }
    %scan3A_6 = arith.constant 80 : i32
    %mul3A_7 = arith.constant 624 : i32
    %mul3A_8 = arith.muli %arg1, %mul3A_7 : i32
    %add3A_9 = arith.constant 0 : i32
    %add3A_10 = arith.addi %mul3A_8, %add3A_9 : i32
    "tpu.region"() ({
      %run_scoped3A = tpu.sem_alloc : memref<!tpu.dma_semaphore, #tpu.memory_space<semaphore_mem>>
      %dma_start3A = arith.constant 0 : i32
      %dma_start3A_36 = tpu.memref_slice %arg11[%add3A_10, %dma_start3A] : memref<10000x128xf32, #tpu.memory_space<vmem_shared>> -> memref<80x128xf32, #tpu.memory_space<vmem_shared>>
      %dma_start3A_37 = arith.constant 0 : i32
      %dma_start3A_38 = tpu.memref_slice %arg11[%add3A_10, %dma_start3A_37] : memref<10000x128xf32, #tpu.memory_space<vmem_shared>> -> memref<80x128xf32, #tpu.memory_space<vmem_shared>>
      tpu.enqueue_dma source(%arg10 : memref<80x128xf32, #tpu.memory_space<vmem>>) target(%dma_start3A_38 : memref<80x128xf32, #tpu.memory_space<vmem_shared>>) target_semaphore(%run_scoped3A : memref<!tpu.dma_semaphore, #tpu.memory_space<semaphore_mem>>)
      %dma_wait3A = arith.constant 0 : i32
      %dma_wait3A_39 = tpu.memref_slice %arg11[%add3A_10, %dma_wait3A] : memref<10000x128xf32, #tpu.memory_space<vmem_shared>> -> memref<80x128xf32, #tpu.memory_space<vmem_shared>>
      %dma_wait3A_40 = arith.constant 0 : i32
      %dma_wait3A_41 = tpu.memref_slice %arg11[%add3A_10, %dma_wait3A_40] : memref<10000x128xf32, #tpu.memory_space<vmem_shared>> -> memref<80x128xf32, #tpu.memory_space<vmem_shared>>
      tpu.wait_dma2 semaphore(%run_scoped3A : memref<!tpu.dma_semaphore, #tpu.memory_space<semaphore_mem>>) src(%arg10 : memref<80x128xf32, #tpu.memory_space<vmem>>) dst(%dma_wait3A_41 : memref<80x128xf32, #tpu.memory_space<vmem_shared>>)
      tpu.yield
    }) : () -> ()
    %add3A_11 = arith.constant 80 : i32
    %add3A_12 = arith.addi %mul3A_8, %add3A_11 : i32
    "tpu.region"() ({
      %run_scoped3A = tpu.sem_alloc : memref<!tpu.dma_semaphore, #tpu.memory_space<semaphore_mem>>
      %dma_start3A = arith.constant 0 : i32
      %dma_start3A_36 = tpu.memref_slice %arg11[%add3A_12, %dma_start3A] : memref<10000x128xf32, #tpu.memory_space<vmem_shared>> -> memref<80x128xf32, #tpu.memory_space<vmem_shared>>
      %dma_start3A_37 = arith.constant 0 : i32
      %dma_start3A_38 = tpu.memref_slice %arg11[%add3A_12, %dma_start3A_37] : memref<10000x128xf32, #tpu.memory_space<vmem_shared>> -> memref<80x128xf32, #tpu.memory_space<vmem_shared>>
      tpu.enqueue_dma source(%arg10 : memref<80x128xf32, #tpu.memory_space<vmem>>) target(%dma_start3A_38 : memref<80x128xf32, #tpu.memory_space<vmem_shared>>) target_semaphore(%run_scoped3A : memref<!tpu.dma_semaphore, #tpu.memory_space<semaphore_mem>>)
      %dma_wait3A = arith.constant 0 : i32
      %dma_wait3A_39 = tpu.memref_slice %arg11[%add3A_12, %dma_wait3A] : memref<10000x128xf32, #tpu.memory_space<vmem_shared>> -> memref<80x128xf32, #tpu.memory_space<vmem_shared>>
      %dma_wait3A_40 = arith.constant 0 : i32
      %dma_wait3A_41 = tpu.memref_slice %arg11[%add3A_12, %dma_wait3A_40] : memref<10000x128xf32, #tpu.memory_space<vmem_shared>> -> memref<80x128xf32, #tpu.memory_space<vmem_shared>>
      tpu.wait_dma2 semaphore(%run_scoped3A : memref<!tpu.dma_semaphore, #tpu.memory_space<semaphore_mem>>) src(%arg10 : memref<80x128xf32, #tpu.memory_space<vmem>>) dst(%dma_wait3A_41 : memref<80x128xf32, #tpu.memory_space<vmem_shared>>)
      tpu.yield
    }) : () -> ()
    %add3A_13 = arith.constant 160 : i32
    %add3A_14 = arith.addi %mul3A_8, %add3A_13 : i32
    "tpu.region"() ({
      %run_scoped3A = tpu.sem_alloc : memref<!tpu.dma_semaphore, #tpu.memory_space<semaphore_mem>>
      %dma_start3A = arith.constant 0 : i32
      %dma_start3A_36 = tpu.memref_slice %arg11[%add3A_14, %dma_start3A] : memref<10000x128xf32, #tpu.memory_space<vmem_shared>> -> memref<80x128xf32, #tpu.memory_space<vmem_shared>>
      %dma_start3A_37 = arith.constant 0 : i32
      %dma_start3A_38 = tpu.memref_slice %arg11[%add3A_14, %dma_start3A_37] : memref<10000x128xf32, #tpu.memory_space<vmem_shared>> -> memref<80x128xf32, #tpu.memory_space<vmem_shared>>
      tpu.enqueue_dma source(%arg10 : memref<80x128xf32, #tpu.memory_space<vmem>>) target(%dma_start3A_38 : memref<80x128xf32, #tpu.memory_space<vmem_shared>>) target_semaphore(%run_scoped3A : memref<!tpu.dma_semaphore, #tpu.memory_space<semaphore_mem>>)
      %dma_wait3A = arith.constant 0 : i32
      %dma_wait3A_39 = tpu.memref_slice %arg11[%add3A_14, %dma_wait3A] : memref<10000x128xf32, #tpu.memory_space<vmem_shared>> -> memref<80x128xf32, #tpu.memory_space<vmem_shared>>
      %dma_wait3A_40 = arith.constant 0 : i32
      %dma_wait3A_41 = tpu.memref_slice %arg11[%add3A_14, %dma_wait3A_40] : memref<10000x128xf32, #tpu.memory_space<vmem_shared>> -> memref<80x128xf32, #tpu.memory_space<vmem_shared>>
      tpu.wait_dma2 semaphore(%run_scoped3A : memref<!tpu.dma_semaphore, #tpu.memory_space<semaphore_mem>>) src(%arg10 : memref<80x128xf32, #tpu.memory_space<vmem>>) dst(%dma_wait3A_41 : memref<80x128xf32, #tpu.memory_space<vmem_shared>>)
      tpu.yield
    }) : () -> ()
    %add3A_15 = arith.constant 240 : i32
    %add3A_16 = arith.addi %mul3A_8, %add3A_15 : i32
    "tpu.region"() ({
      %run_scoped3A = tpu.sem_alloc : memref<!tpu.dma_semaphore, #tpu.memory_space<semaphore_mem>>
      %dma_start3A = arith.constant 0 : i32
      %dma_start3A_36 = tpu.memref_slice %arg11[%add3A_16, %dma_start3A] : memref<10000x128xf32, #tpu.memory_space<vmem_shared>> -> memref<80x128xf32, #tpu.memory_space<vmem_shared>>
      %dma_start3A_37 = arith.constant 0 : i32
      %dma_start3A_38 = tpu.memref_slice %arg11[%add3A_16, %dma_start3A_37] : memref<10000x128xf32, #tpu.memory_space<vmem_shared>> -> memref<80x128xf32, #tpu.memory_space<vmem_shared>>
      tpu.enqueue_dma source(%arg10 : memref<80x128xf32, #tpu.memory_space<vmem>>) target(%dma_start3A_38 : memref<80x128xf32, #tpu.memory_space<vmem_shared>>) target_semaphore(%run_scoped3A : memref<!tpu.dma_semaphore, #tpu.memory_space<semaphore_mem>>)
      %dma_wait3A = arith.constant 0 : i32
      %dma_wait3A_39 = tpu.memref_slice %arg11[%add3A_16, %dma_wait3A] : memref<10000x128xf32, #tpu.memory_space<vmem_shared>> -> memref<80x128xf32, #tpu.memory_space<vmem_shared>>
      %dma_wait3A_40 = arith.constant 0 : i32
      %dma_wait3A_41 = tpu.memref_slice %arg11[%add3A_16, %dma_wait3A_40] : memref<10000x128xf32, #tpu.memory_space<vmem_shared>> -> memref<80x128xf32, #tpu.memory_space<vmem_shared>>
      tpu.wait_dma2 semaphore(%run_scoped3A : memref<!tpu.dma_semaphore, #tpu.memory_space<semaphore_mem>>) src(%arg10 : memref<80x128xf32, #tpu.memory_space<vmem>>) dst(%dma_wait3A_41 : memref<80x128xf32, #tpu.memory_space<vmem_shared>>)
      tpu.yield
    }) : () -> ()
    %add3A_17 = arith.constant 320 : i32
    %add3A_18 = arith.addi %mul3A_8, %add3A_17 : i32
    "tpu.region"() ({
      %run_scoped3A = tpu.sem_alloc : memref<!tpu.dma_semaphore, #tpu.memory_space<semaphore_mem>>
      %dma_start3A = arith.constant 0 : i32
      %dma_start3A_36 = tpu.memref_slice %arg11[%add3A_18, %dma_start3A] : memref<10000x128xf32, #tpu.memory_space<vmem_shared>> -> memref<80x128xf32, #tpu.memory_space<vmem_shared>>
      %dma_start3A_37 = arith.constant 0 : i32
      %dma_start3A_38 = tpu.memref_slice %arg11[%add3A_18, %dma_start3A_37] : memref<10000x128xf32, #tpu.memory_space<vmem_shared>> -> memref<80x128xf32, #tpu.memory_space<vmem_shared>>
      tpu.enqueue_dma source(%arg10 : memref<80x128xf32, #tpu.memory_space<vmem>>) target(%dma_start3A_38 : memref<80x128xf32, #tpu.memory_space<vmem_shared>>) target_semaphore(%run_scoped3A : memref<!tpu.dma_semaphore, #tpu.memory_space<semaphore_mem>>)
      %dma_wait3A = arith.constant 0 : i32
      %dma_wait3A_39 = tpu.memref_slice %arg11[%add3A_18, %dma_wait3A] : memref<10000x128xf32, #tpu.memory_space<vmem_shared>> -> memref<80x128xf32, #tpu.memory_space<vmem_shared>>
      %dma_wait3A_40 = arith.constant 0 : i32
      %dma_wait3A_41 = tpu.memref_slice %arg11[%add3A_18, %dma_wait3A_40] : memref<10000x128xf32, #tpu.memory_space<vmem_shared>> -> memref<80x128xf32, #tpu.memory_space<vmem_shared>>
      tpu.wait_dma2 semaphore(%run_scoped3A : memref<!tpu.dma_semaphore, #tpu.memory_space<semaphore_mem>>) src(%arg10 : memref<80x128xf32, #tpu.memory_space<vmem>>) dst(%dma_wait3A_41 : memref<80x128xf32, #tpu.memory_space<vmem_shared>>)
      tpu.yield
    }) : () -> ()
    %add3A_19 = arith.constant 400 : i32
    %add3A_20 = arith.addi %mul3A_8, %add3A_19 : i32
    "tpu.region"() ({
      %run_scoped3A = tpu.sem_alloc : memref<!tpu.dma_semaphore, #tpu.memory_space<semaphore_mem>>
      %dma_start3A = arith.constant 0 : i32
      %dma_start3A_36 = tpu.memref_slice %arg11[%add3A_20, %dma_start3A] : memref<10000x128xf32, #tpu.memory_space<vmem_shared>> -> memref<80x128xf32, #tpu.memory_space<vmem_shared>>
      %dma_start3A_37 = arith.constant 0 : i32
      %dma_start3A_38 = tpu.memref_slice %arg11[%add3A_20, %dma_start3A_37] : memref<10000x128xf32, #tpu.memory_space<vmem_shared>> -> memref<80x128xf32, #tpu.memory_space<vmem_shared>>
      tpu.enqueue_dma source(%arg10 : memref<80x128xf32, #tpu.memory_space<vmem>>) target(%dma_start3A_38 : memref<80x128xf32, #tpu.memory_space<vmem_shared>>) target_semaphore(%run_scoped3A : memref<!tpu.dma_semaphore, #tpu.memory_space<semaphore_mem>>)
      %dma_wait3A = arith.constant 0 : i32
      %dma_wait3A_39 = tpu.memref_slice %arg11[%add3A_20, %dma_wait3A] : memref<10000x128xf32, #tpu.memory_space<vmem_shared>> -> memref<80x128xf32, #tpu.memory_space<vmem_shared>>
      %dma_wait3A_40 = arith.constant 0 : i32
      %dma_wait3A_41 = tpu.memref_slice %arg11[%add3A_20, %dma_wait3A_40] : memref<10000x128xf32, #tpu.memory_space<vmem_shared>> -> memref<80x128xf32, #tpu.memory_space<vmem_shared>>
      tpu.wait_dma2 semaphore(%run_scoped3A : memref<!tpu.dma_semaphore, #tpu.memory_space<semaphore_mem>>) src(%arg10 : memref<80x128xf32, #tpu.memory_space<vmem>>) dst(%dma_wait3A_41 : memref<80x128xf32, #tpu.memory_space<vmem_shared>>)
      tpu.yield
    }) : () -> ()
    %add3A_21 = arith.constant 480 : i32
    %add3A_22 = arith.addi %mul3A_8, %add3A_21 : i32
    "tpu.region"() ({
      %run_scoped3A = tpu.sem_alloc : memref<!tpu.dma_semaphore, #tpu.memory_space<semaphore_mem>>
      %dma_start3A = arith.constant 0 : i32
      %dma_start3A_36 = tpu.memref_slice %arg11[%add3A_22, %dma_start3A] : memref<10000x128xf32, #tpu.memory_space<vmem_shared>> -> memref<80x128xf32, #tpu.memory_space<vmem_shared>>
      %dma_start3A_37 = arith.constant 0 : i32
      %dma_start3A_38 = tpu.memref_slice %arg11[%add3A_22, %dma_start3A_37] : memref<10000x128xf32, #tpu.memory_space<vmem_shared>> -> memref<80x128xf32, #tpu.memory_space<vmem_shared>>
      tpu.enqueue_dma source(%arg10 : memref<80x128xf32, #tpu.memory_space<vmem>>) target(%dma_start3A_38 : memref<80x128xf32, #tpu.memory_space<vmem_shared>>) target_semaphore(%run_scoped3A : memref<!tpu.dma_semaphore, #tpu.memory_space<semaphore_mem>>)
      %dma_wait3A = arith.constant 0 : i32
      %dma_wait3A_39 = tpu.memref_slice %arg11[%add3A_22, %dma_wait3A] : memref<10000x128xf32, #tpu.memory_space<vmem_shared>> -> memref<80x128xf32, #tpu.memory_space<vmem_shared>>
      %dma_wait3A_40 = arith.constant 0 : i32
      %dma_wait3A_41 = tpu.memref_slice %arg11[%add3A_22, %dma_wait3A_40] : memref<10000x128xf32, #tpu.memory_space<vmem_shared>> -> memref<80x128xf32, #tpu.memory_space<vmem_shared>>
      tpu.wait_dma2 semaphore(%run_scoped3A : memref<!tpu.dma_semaphore, #tpu.memory_space<semaphore_mem>>) src(%arg10 : memref<80x128xf32, #tpu.memory_space<vmem>>) dst(%dma_wait3A_41 : memref<80x128xf32, #tpu.memory_space<vmem_shared>>)
      tpu.yield
    }) : () -> ()
    %add3A_23 = arith.constant 560 : i32
    %add3A_24 = arith.addi %mul3A_8, %add3A_23 : i32
    "tpu.region"() ({
      %run_scoped3A = tpu.sem_alloc : memref<!tpu.dma_semaphore, #tpu.memory_space<semaphore_mem>>
      %dma_start3A = arith.constant 0 : i32
      %dma_start3A_36 = tpu.memref_slice %arg11[%add3A_24, %dma_start3A] : memref<10000x128xf32, #tpu.memory_space<vmem_shared>> -> memref<80x128xf32, #tpu.memory_space<vmem_shared>>
      %dma_start3A_37 = arith.constant 0 : i32
      %dma_start3A_38 = tpu.memref_slice %arg11[%add3A_24, %dma_start3A_37] : memref<10000x128xf32, #tpu.memory_space<vmem_shared>> -> memref<80x128xf32, #tpu.memory_space<vmem_shared>>
      tpu.enqueue_dma source(%arg10 : memref<80x128xf32, #tpu.memory_space<vmem>>) target(%dma_start3A_38 : memref<80x128xf32, #tpu.memory_space<vmem_shared>>) target_semaphore(%run_scoped3A : memref<!tpu.dma_semaphore, #tpu.memory_space<semaphore_mem>>)
      %dma_wait3A = arith.constant 0 : i32
      %dma_wait3A_39 = tpu.memref_slice %arg11[%add3A_24, %dma_wait3A] : memref<10000x128xf32, #tpu.memory_space<vmem_shared>> -> memref<80x128xf32, #tpu.memory_space<vmem_shared>>
      %dma_wait3A_40 = arith.constant 0 : i32
      %dma_wait3A_41 = tpu.memref_slice %arg11[%add3A_24, %dma_wait3A_40] : memref<10000x128xf32, #tpu.memory_space<vmem_shared>> -> memref<80x128xf32, #tpu.memory_space<vmem_shared>>
      tpu.wait_dma2 semaphore(%run_scoped3A : memref<!tpu.dma_semaphore, #tpu.memory_space<semaphore_mem>>) src(%arg10 : memref<80x128xf32, #tpu.memory_space<vmem>>) dst(%dma_wait3A_41 : memref<80x128xf32, #tpu.memory_space<vmem_shared>>)
      tpu.yield
    }) : () -> ()
    %barrier3A = arith.constant 0 : index
    tpu.barrier barrier_id(%barrier3A)
    %mul3A_25 = arith.constant 10000 : i32
    %mul3A_26 = arith.muli %add3A, %mul3A_25 : i32
    %scan3A_27 = arith.constant 0 : i32
    %scan3A_28 = arith.constant 0 : i32
    %scan3A_29 = arith.constant 125 : i32
    %scan3A_30 = arith.addi %scan3A_28, %scan3A_29 : i32
    %scan3A_31 = arith.constant 1 : i32
    scf.for %scan3A_36 = %scan3A_28 to %scan3A_30 step %scan3A_31  : i32 {
      %mul3A_37 = arith.constant 80 : i32
      %mul3A_38 = arith.muli %scan3A_36, %mul3A_37 : i32
      %add3A_39 = arith.addi %mul3A_26, %mul3A_38 : i32
      "tpu.region"() ({
        %run_scoped3A = tpu.sem_alloc : memref<!tpu.dma_semaphore, #tpu.memory_space<semaphore_mem>>
        %dma_start3A_50 = tpu.memref_slice %arg4[%add3A_39] : memref<320000xi32, #tpu.memory_space<hbm>> -> memref<80xi32, #tpu.memory_space<hbm>>
        %dma_start3A_51 = tpu.memref_slice %arg4[%add3A_39] : memref<320000xi32, #tpu.memory_space<hbm>> -> memref<80xi32, #tpu.memory_space<hbm>>
        tpu.enqueue_dma source(%dma_start3A_51 : memref<80xi32, #tpu.memory_space<hbm>>) target(%arg7 : memref<80xi32, #tpu.memory_space<vmem>>) target_semaphore(%run_scoped3A : memref<!tpu.dma_semaphore, #tpu.memory_space<semaphore_mem>>)
        %dma_wait3A_52 = tpu.memref_slice %arg4[%add3A_39] : memref<320000xi32, #tpu.memory_space<hbm>> -> memref<80xi32, #tpu.memory_space<hbm>>
        %dma_wait3A_53 = tpu.memref_slice %arg4[%add3A_39] : memref<320000xi32, #tpu.memory_space<hbm>> -> memref<80xi32, #tpu.memory_space<hbm>>
        tpu.wait_dma2 semaphore(%run_scoped3A : memref<!tpu.dma_semaphore, #tpu.memory_space<semaphore_mem>>) src(%dma_wait3A_53 : memref<80xi32, #tpu.memory_space<hbm>>) dst(%arg7 : memref<80xi32, #tpu.memory_space<vmem>>)
        tpu.yield
      }) : () -> ()
      "tpu.region"() ({
        %run_scoped3A = tpu.sem_alloc : memref<!tpu.dma_semaphore, #tpu.memory_space<semaphore_mem>>
        %dma_start3A_50 = tpu.memref_slice %arg3[%add3A_39] : memref<320000xi32, #tpu.memory_space<hbm>> -> memref<80xi32, #tpu.memory_space<hbm>>
        %dma_start3A_51 = tpu.memref_slice %arg3[%add3A_39] : memref<320000xi32, #tpu.memory_space<hbm>> -> memref<80xi32, #tpu.memory_space<hbm>>
        tpu.enqueue_dma source(%dma_start3A_51 : memref<80xi32, #tpu.memory_space<hbm>>) target(%arg8 : memref<80xi32, #tpu.memory_space<vmem>>) target_semaphore(%run_scoped3A : memref<!tpu.dma_semaphore, #tpu.memory_space<semaphore_mem>>)
        %dma_wait3A_52 = tpu.memref_slice %arg3[%add3A_39] : memref<320000xi32, #tpu.memory_space<hbm>> -> memref<80xi32, #tpu.memory_space<hbm>>
        %dma_wait3A_53 = tpu.memref_slice %arg3[%add3A_39] : memref<320000xi32, #tpu.memory_space<hbm>> -> memref<80xi32, #tpu.memory_space<hbm>>
        tpu.wait_dma2 semaphore(%run_scoped3A : memref<!tpu.dma_semaphore, #tpu.memory_space<semaphore_mem>>) src(%dma_wait3A_53 : memref<80xi32, #tpu.memory_space<hbm>>) dst(%arg8 : memref<80xi32, #tpu.memory_space<vmem>>)
        tpu.yield
      }) : () -> ()
      "tpu.region"() ({
        %run_scoped3A = tpu.sem_alloc : memref<!tpu.dma_semaphore, #tpu.memory_space<semaphore_mem>>
        %dma_start3A_50 = tpu.memref_slice %arg5[%add3A_39] : memref<320000xf32, #tpu.memory_space<hbm>> -> memref<80xf32, #tpu.memory_space<hbm>>
        %dma_start3A_51 = tpu.memref_slice %arg5[%add3A_39] : memref<320000xf32, #tpu.memory_space<hbm>> -> memref<80xf32, #tpu.memory_space<hbm>>
        tpu.enqueue_dma source(%dma_start3A_51 : memref<80xf32, #tpu.memory_space<hbm>>) target(%arg9 : memref<80xf32, #tpu.memory_space<vmem>>) target_semaphore(%run_scoped3A : memref<!tpu.dma_semaphore, #tpu.memory_space<semaphore_mem>>)
        %dma_wait3A_52 = tpu.memref_slice %arg5[%add3A_39] : memref<320000xf32, #tpu.memory_space<hbm>> -> memref<80xf32, #tpu.memory_space<hbm>>
        %dma_wait3A_53 = tpu.memref_slice %arg5[%add3A_39] : memref<320000xf32, #tpu.memory_space<hbm>> -> memref<80xf32, #tpu.memory_space<hbm>>
        tpu.wait_dma2 semaphore(%run_scoped3A : memref<!tpu.dma_semaphore, #tpu.memory_space<semaphore_mem>>) src(%dma_wait3A_53 : memref<80xf32, #tpu.memory_space<hbm>>) dst(%arg9 : memref<80xf32, #tpu.memory_space<vmem>>)
        tpu.yield
      }) : () -> ()
      %dma_start3A = arith.constant 0 : i32
      %dma_start3A_40 = arith.constant 0 : i32
      %dma_start3A_41 = tpu.memref_slice %arg2[%dma_start3A, %dma_start3A_40] : memref<10000x128xf32, #tpu.memory_space<hbm>> -> memref<10000x128xf32, #tpu.memory_space<hbm>>
      tpu.enqueue_indirect_dma source(%dma_start3A_41 : memref<10000x128xf32, #tpu.memory_space<hbm>>) target(%arg10 : memref<80x128xf32, #tpu.memory_space<vmem>>) offsets(%arg7 : memref<80xi32, #tpu.memory_space<vmem>>) semaphore(%arg12 : memref<!tpu.dma_semaphore, #tpu.memory_space<semaphore_mem>>)
      %dma_wait3A = arith.constant 0 : i32
      %dma_wait3A_42 = arith.constant 0 : i32
      %dma_wait3A_43 = tpu.memref_slice %arg2[%dma_wait3A, %dma_wait3A_42] : memref<10000x128xf32, #tpu.memory_space<hbm>> -> memref<10000x128xf32, #tpu.memory_space<hbm>>
      tpu.wait_indirect_dma semaphore(%arg12 : memref<!tpu.dma_semaphore, #tpu.memory_space<semaphore_mem>>) src(%dma_wait3A_43 : memref<10000x128xf32, #tpu.memory_space<hbm>>) dst(%arg10 : memref<80x128xf32, #tpu.memory_space<vmem>>)
      %scan3A_44 = arith.constant 0 : i32
      %scan3A_45 = arith.constant 0 : i32
      %scan3A_46 = arith.constant 5 : i32
      %scan3A_47 = arith.addi %scan3A_45, %scan3A_46 : i32
      %scan3A_48 = arith.constant 1 : i32
      scf.for %scan3A_50 = %scan3A_45 to %scan3A_47 step %scan3A_48  : i32 {
        %mul3A_51 = arith.constant 16 : i32
        %mul3A_52 = arith.muli %scan3A_50, %mul3A_51 : i32
        %get3A = arith.index_cast %mul3A_52 : i32 to index
        %get3A_53 = tpu.vector_load %arg9[%get3A] {strides = array<i32>} : memref<80xf32, #tpu.memory_space<vmem>>, vector<16xf32>,
        %get3A_54 = vector.shape_cast %get3A_53 : vector<16xf32> to vector<16xf32>
        %mul3A_55 = arith.constant 16 : i32
        %mul3A_56 = arith.muli %scan3A_50, %mul3A_55 : i32
        %add3A_57 = arith.constant 0 : i32
        %add3A_58 = arith.addi %mul3A_56, %add3A_57 : i32
        %slice3A = vector.extract_strided_slice %get3A_54 {offsets = [0], sizes = [1], strides = [1]} : vector<16xf32> to vector<1xf32>
        %squeeze3A = vector.extract %slice3A[0] : f32 from vector<1xf32>
        %get3A_59 = arith.index_cast %add3A_58 : i32 to index
        %get3A_60 = arith.constant 0 : index
        %get3A_61 = tpu.vector_load %arg10[%get3A_59, %get3A_60] {strides = array<i32>} : memref<80x128xf32, #tpu.memory_space<vmem>>, vector<1x16xf32>,
        %get3A_62 = vector.shape_cast %get3A_61 : vector<1x16xf32> to vector<16xf32>
        %mul3A_63 = vector.broadcast %squeeze3A : f32 to vector<16xf32>
        %mul3A_64 = arith.mulf %get3A_62, %mul3A_63 : vector<16xf32>
        %swap3A = arith.index_cast %add3A_58 : i32 to index
        %swap3A_65 = arith.constant 0 : index
        %swap3A_66 = tpu.vector_load %arg10[%swap3A, %swap3A_65] {strides = array<i32>} : memref<80x128xf32, #tpu.memory_space<vmem>>, vector<1x16xf32>,
        %swap3A_67 = vector.shape_cast %swap3A_66 : vector<1x16xf32> to vector<16xf32>
        %swap3A_68 = vector.shape_cast %mul3A_64 : vector<16xf32> to vector<1x16xf32>
        tpu.vector_store %arg10[%swap3A, %swap3A_65], %swap3A_68 {strides = array<i32>} : memref<80x128xf32, #tpu.memory_space<vmem>>, vector<1x16xf32>,
        %get3A_69 = arith.index_cast %add3A_58 : i32 to index
        %get3A_70 = arith.constant 16 : index
        %get3A_71 = tpu.vector_load %arg10[%get3A_69, %get3A_70] {strides = array<i32>} : memref<80x128xf32, #tpu.memory_space<vmem>>, vector<1x16xf32>,
        %get3A_72 = vector.shape_cast %get3A_71 : vector<1x16xf32> to vector<16xf32>
        %mul3A_73 = vector.broadcast %squeeze3A : f32 to vector<16xf32>
        %mul3A_74 = arith.mulf %get3A_72, %mul3A_73 : vector<16xf32>
        %swap3A_75 = arith.index_cast %add3A_58 : i32 to index
        %swap3A_76 = arith.constant 16 : index
        %swap3A_77 = tpu.vector_load %arg10[%swap3A_75, %swap3A_76] {strides = array<i32>} : memref<80x128xf32, #tpu.memory_space<vmem>>, vector<1x16xf32>,
        %swap3A_78 = vector.shape_cast %swap3A_77 : vector<1x16xf32> to vector<16xf32>
        %swap3A_79 = vector.shape_cast %mul3A_74 : vector<16xf32> to vector<1x16xf32>
        tpu.vector_store %arg10[%swap3A_75, %swap3A_76], %swap3A_79 {strides = array<i32>} : memref<80x128xf32, #tpu.memory_space<vmem>>, vector<1x16xf32>,
        %get3A_80 = arith.index_cast %add3A_58 : i32 to index
        %get3A_81 = arith.constant 32 : index
        %get3A_82 = tpu.vector_load %arg10[%get3A_80, %get3A_81] {strides = array<i32>} : memref<80x128xf32, #tpu.memory_space<vmem>>, vector<1x16xf32>,
        %get3A_83 = vector.shape_cast %get3A_82 : vector<1x16xf32> to vector<16xf32>
        %mul3A_84 = vector.broadcast %squeeze3A : f32 to vector<16xf32>
        %mul3A_85 = arith.mulf %get3A_83, %mul3A_84 : vector<16xf32>
        %swap3A_86 = arith.index_cast %add3A_58 : i32 to index
        %swap3A_87 = arith.constant 32 : index
        %swap3A_88 = tpu.vector_load %arg10[%swap3A_86, %swap3A_87] {strides = array<i32>} : memref<80x128xf32, #tpu.memory_space<vmem>>, vector<1x16xf32>,
        %swap3A_89 = vector.shape_cast %swap3A_88 : vector<1x16xf32> to vector<16xf32>
        %swap3A_90 = vector.shape_cast %mul3A_85 : vector<16xf32> to vector<1x16xf32>
        tpu.vector_store %arg10[%swap3A_86, %swap3A_87], %swap3A_90 {strides = array<i32>} : memref<80x128xf32, #tpu.memory_space<vmem>>, vector<1x16xf32>,
        %get3A_91 = arith.index_cast %add3A_58 : i32 to index
        %get3A_92 = arith.constant 48 : index
        %get3A_93 = tpu.vector_load %arg10[%get3A_91, %get3A_92] {strides = array<i32>} : memref<80x128xf32, #tpu.memory_space<vmem>>, vector<1x16xf32>,
        %get3A_94 = vector.shape_cast %get3A_93 : vector<1x16xf32> to vector<16xf32>
        %mul3A_95 = vector.broadcast %squeeze3A : f32 to vector<16xf32>
        %mul3A_96 = arith.mulf %get3A_94, %mul3A_95 : vector<16xf32>
        %swap3A_97 = arith.index_cast %add3A_58 : i32 to index
        %swap3A_98 = arith.constant 48 : index
        %swap3A_99 = tpu.vector_load %arg10[%swap3A_97, %swap3A_98] {strides = array<i32>} : memref<80x128xf32, #tpu.memory_space<vmem>>, vector<1x16xf32>,
        %swap3A_100 = vector.shape_cast %swap3A_99 : vector<1x16xf32> to vector<16xf32>
        %swap3A_101 = vector.shape_cast %mul3A_96 : vector<16xf32> to vector<1x16xf32>
        tpu.vector_store %arg10[%swap3A_97, %swap3A_98], %swap3A_101 {strides = array<i32>} : memref<80x128xf32, #tpu.memory_space<vmem>>, vector<1x16xf32>,
        %get3A_102 = arith.index_cast %add3A_58 : i32 to index
        %get3A_103 = arith.constant 64 : index
        %get3A_104 = tpu.vector_load %arg10[%get3A_102, %get3A_103] {strides = array<i32>} : memref<80x128xf32, #tpu.memory_space<vmem>>, vector<1x16xf32>,
        %get3A_105 = vector.shape_cast %get3A_104 : vector<1x16xf32> to vector<16xf32>
        %mul3A_106 = vector.broadcast %squeeze3A : f32 to vector<16xf32>
        %mul3A_107 = arith.mulf %get3A_105, %mul3A_106 : vector<16xf32>
        %swap3A_108 = arith.index_cast %add3A_58 : i32 to index
        %swap3A_109 = arith.constant 64 : index
        %swap3A_110 = tpu.vector_load %arg10[%swap3A_108, %swap3A_109] {strides = array<i32>} : memref<80x128xf32, #tpu.memory_space<vmem>>, vector<1x16xf32>,
        %swap3A_111 = vector.shape_cast %swap3A_110 : vector<1x16xf32> to vector<16xf32>
        %swap3A_112 = vector.shape_cast %mul3A_107 : vector<16xf32> to vector<1x16xf32>
        tpu.vector_store %arg10[%swap3A_108, %swap3A_109], %swap3A_112 {strides = array<i32>} : memref<80x128xf32, #tpu.memory_space<vmem>>, vector<1x16xf32>,
        %get3A_113 = arith.index_cast %add3A_58 : i32 to index
        %get3A_114 = arith.constant 80 : index
        %get3A_115 = tpu.vector_load %arg10[%get3A_113, %get3A_114] {strides = array<i32>} : memref<80x128xf32, #tpu.memory_space<vmem>>, vector<1x16xf32>,
        %get3A_116 = vector.shape_cast %get3A_115 : vector<1x16xf32> to vector<16xf32>
        %mul3A_117 = vector.broadcast %squeeze3A : f32 to vector<16xf32>
        %mul3A_118 = arith.mulf %get3A_116, %mul3A_117 : vector<16xf32>
        %swap3A_119 = arith.index_cast %add3A_58 : i32 to index
        %swap3A_120 = arith.constant 80 : index
        %swap3A_121 = tpu.vector_load %arg10[%swap3A_119, %swap3A_120] {strides = array<i32>} : memref<80x128xf32, #tpu.memory_space<vmem>>, vector<1x16xf32>,
        %swap3A_122 = vector.shape_cast %swap3A_121 : vector<1x16xf32> to vector<16xf32>
        %swap3A_123 = vector.shape_cast %mul3A_118 : vector<16xf32> to vector<1x16xf32>
        tpu.vector_store %arg10[%swap3A_119, %swap3A_120], %swap3A_123 {strides = array<i32>} : memref<80x128xf32, #tpu.memory_space<vmem>>, vector<1x16xf32>,
        %get3A_124 = arith.index_cast %add3A_58 : i32 to index
        %get3A_125 = arith.constant 96 : index
        %get3A_126 = tpu.vector_load %arg10[%get3A_124, %get3A_125] {strides = array<i32>} : memref<80x128xf32, #tpu.memory_space<vmem>>, vector<1x16xf32>,
        %get3A_127 = vector.shape_cast %get3A_126 : vector<1x16xf32> to vector<16xf32>
        %mul3A_128 = vector.broadcast %squeeze3A : f32 to vector<16xf32>
        %mul3A_129 = arith.mulf %get3A_127, %mul3A_128 : vector<16xf32>
        %swap3A_130 = arith.index_cast %add3A_58 : i32 to index
        %swap3A_131 = arith.constant 96 : index
        %swap3A_132 = tpu.vector_load %arg10[%swap3A_130, %swap3A_131] {strides = array<i32>} : memref<80x128xf32, #tpu.memory_space<vmem>>, vector<1x16xf32>,
        %swap3A_133 = vector.shape_cast %swap3A_132 : vector<1x16xf32> to vector<16xf32>
        %swap3A_134 = vector.shape_cast %mul3A_129 : vector<16xf32> to vector<1x16xf32>
        tpu.vector_store %arg10[%swap3A_130, %swap3A_131], %swap3A_134 {strides = array<i32>} : memref<80x128xf32, #tpu.memory_space<vmem>>, vector<1x16xf32>,
        %get3A_135 = arith.index_cast %add3A_58 : i32 to index
        %get3A_136 = arith.constant 112 : index
        %get3A_137 = tpu.vector_load %arg10[%get3A_135, %get3A_136] {strides = array<i32>} : memref<80x128xf32, #tpu.memory_space<vmem>>, vector<1x16xf32>,
        %get3A_138 = vector.shape_cast %get3A_137 : vector<1x16xf32> to vector<16xf32>
        %mul3A_139 = vector.broadcast %squeeze3A : f32 to vector<16xf32>
        %mul3A_140 = arith.mulf %get3A_138, %mul3A_139 : vector<16xf32>
        %swap3A_141 = arith.index_cast %add3A_58 : i32 to index
        %swap3A_142 = arith.constant 112 : index
        %swap3A_143 = tpu.vector_load %arg10[%swap3A_141, %swap3A_142] {strides = array<i32>} : memref<80x128xf32, #tpu.memory_space<vmem>>, vector<1x16xf32>,
        %swap3A_144 = vector.shape_cast %swap3A_143 : vector<1x16xf32> to vector<16xf32>
        %swap3A_145 = vector.shape_cast %mul3A_140 : vector<16xf32> to vector<1x16xf32>
        tpu.vector_store %arg10[%swap3A_141, %swap3A_142], %swap3A_145 {strides = array<i32>} : memref<80x128xf32, #tpu.memory_space<vmem>>, vector<1x16xf32>,
        %mul3A_146 = arith.constant 16 : i32
        %mul3A_147 = arith.muli %scan3A_50, %mul3A_146 : i32
        %add3A_148 = arith.constant 1 : i32
        %add3A_149 = arith.addi %mul3A_147, %add3A_148 : i32
        %slice3A_150 = vector.extract_strided_slice %get3A_54 {offsets = [1], sizes = [1], strides = [1]} : vector<16xf32> to vector<1xf32>
        %squeeze3A_151 = vector.extract %slice3A_150[0] : f32 from vector<1xf32>
        %get3A_152 = arith.index_cast %add3A_149 : i32 to index
        %get3A_153 = arith.constant 0 : index
        %get3A_154 = tpu.vector_load %arg10[%get3A_152, %get3A_153] {strides = array<i32>} : memref<80x128xf32, #tpu.memory_space<vmem>>, vector<1x16xf32>,
        %get3A_155 = vector.shape_cast %get3A_154 : vector<1x16xf32> to vector<16xf32>
        %mul3A_156 = vector.broadcast %squeeze3A_151 : f32 to vector<16xf32>
        %mul3A_157 = arith.mulf %get3A_155, %mul3A_156 : vector<16xf32>
        %swap3A_158 = arith.index_cast %add3A_149 : i32 to index
        %swap3A_159 = arith.constant 0 : index
        %swap3A_160 = tpu.vector_load %arg10[%swap3A_158, %swap3A_159] {strides = array<i32>} : memref<80x128xf32, #tpu.memory_space<vmem>>, vector<1x16xf32>,
        %swap3A_161 = vector.shape_cast %swap3A_160 : vector<1x16xf32> to vector<16xf32>
        %swap3A_162 = vector.shape_cast %mul3A_157 : vector<16xf32> to vector<1x16xf32>
        tpu.vector_store %arg10[%swap3A_158, %swap3A_159], %swap3A_162 {strides = array<i32>} : memref<80x128xf32, #tpu.memory_space<vmem>>, vector<1x16xf32>,
        %get3A_163 = arith.index_cast %add3A_149 : i32 to index
        %get3A_164 = arith.constant 16 : index
        %get3A_165 = tpu.vector_load %arg10[%get3A_163, %get3A_164] {strides = array<i32>} : memref<80x128xf32, #tpu.memory_space<vmem>>, vector<1x16xf32>,
        %get3A_166 = vector.shape_cast %get3A_165 : vector<1x16xf32> to vector<16xf32>
        %mul3A_167 = vector.broadcast %squeeze3A_151 : f32 to vector<16xf32>
        %mul3A_168 = arith.mulf %get3A_166, %mul3A_167 : vector<16xf32>
        %swap3A_169 = arith.index_cast %add3A_149 : i32 to index
        %swap3A_170 = arith.constant 16 : index
        %swap3A_171 = tpu.vector_load %arg10[%swap3A_169, %swap3A_170] {strides = array<i32>} : memref<80x128xf32, #tpu.memory_space<vmem>>, vector<1x16xf32>,
        %swap3A_172 = vector.shape_cast %swap3A_171 : vector<1x16xf32> to vector<16xf32>
        %swap3A_173 = vector.shape_cast %mul3A_168 : vector<16xf32> to vector<1x16xf32>
        tpu.vector_store %arg10[%swap3A_169, %swap3A_170], %swap3A_173 {strides = array<i32>} : memref<80x128xf32, #tpu.memory_space<vmem>>, vector<1x16xf32>,
        %get3A_174 = arith.index_cast %add3A_149 : i32 to index
        %get3A_175 = arith.constant 32 : index
        %get3A_176 = tpu.vector_load %arg10[%get3A_174, %get3A_175] {strides = array<i32>} : memref<80x128xf32, #tpu.memory_space<vmem>>, vector<1x16xf32>,
        %get3A_177 = vector.shape_cast %get3A_176 : vector<1x16xf32> to vector<16xf32>
        %mul3A_178 = vector.broadcast %squeeze3A_151 : f32 to vector<16xf32>
        %mul3A_179 = arith.mulf %get3A_177, %mul3A_178 : vector<16xf32>
        %swap3A_180 = arith.index_cast %add3A_149 : i32 to index
        %swap3A_181 = arith.constant 32 : index
        %swap3A_182 = tpu.vector_load %arg10[%swap3A_180, %swap3A_181] {strides = array<i32>} : memref<80x128xf32, #tpu.memory_space<vmem>>, vector<1x16xf32>,
        %swap3A_183 = vector.shape_cast %swap3A_182 : vector<1x16xf32> to vector<16xf32>
        %swap3A_184 = vector.shape_cast %mul3A_179 : vector<16xf32> to vector<1x16xf32>
        tpu.vector_store %arg10[%swap3A_180, %swap3A_181], %swap3A_184 {strides = array<i32>} : memref<80x128xf32, #tpu.memory_space<vmem>>, vector<1x16xf32>,
        %get3A_185 = arith.index_cast %add3A_149 : i32 to index
        %get3A_186 = arith.constant 48 : index
        %get3A_187 = tpu.vector_load %arg10[%get3A_185, %get3A_186] {strides = array<i32>} : memref<80x128xf32, #tpu.memory_space<vmem>>, vector<1x16xf32>,
        %get3A_188 = vector.shape_cast %get3A_187 : vector<1x16xf32> to vector<16xf32>
        %mul3A_189 = vector.broadcast %squeeze3A_151 : f32 to vector<16xf32>
        %mul3A_190 = arith.mulf %get3A_188, %mul3A_189 : vector<16xf32>
        %swap3A_191 = arith.index_cast %add3A_149 : i32 to index
        %swap3A_192 = arith.constant 48 : index
        %swap3A_193 = tpu.vector_load %arg10[%swap3A_191, %swap3A_192] {strides = array<i32>} : memref<80x128xf32, #tpu.memory_space<vmem>>, vector<1x16xf32>,
        %swap3A_194 = vector.shape_cast %swap3A_193 : vector<1x16xf32> to vector<16xf32>
        %swap3A_195 = vector.shape_cast %mul3A_190 : vector<16xf32> to vector<1x16xf32>
        tpu.vector_store %arg10[%swap3A_191, %swap3A_192], %swap3A_195 {strides = array<i32>} : memref<80x128xf32, #tpu.memory_space<vmem>>, vector<1x16xf32>,
        %get3A_196 = arith.index_cast %add3A_149 : i32 to index
        %get3A_197 = arith.constant 64 : index
        %get3A_198 = tpu.vector_load %arg10[%get3A_196, %get3A_197] {strides = array<i32>} : memref<80x128xf32, #tpu.memory_space<vmem>>, vector<1x16xf32>,
        %get3A_199 = vector.shape_cast %get3A_198 : vector<1x16xf32> to vector<16xf32>
        %mul3A_200 = vector.broadcast %squeeze3A_151 : f32 to vector<16xf32>
        %mul3A_201 = arith.mulf %get3A_199, %mul3A_200 : vector<16xf32>
        %swap3A_202 = arith.index_cast %add3A_149 : i32 to index
        %swap3A_203 = arith.constant 64 : index
        %swap3A_204 = tpu.vector_load %arg10[%swap3A_202, %swap3A_203] {strides = array<i32>} : memref<80x128xf32, #tpu.memory_space<vmem>>, vector<1x16xf32>,
        %swap3A_205 = vector.shape_cast %swap3A_204 : vector<1x16xf32> to vector<16xf32>
        %swap3A_206 = vector.shape_cast %mul3A_201 : vector<16xf32> to vector<1x16xf32>
        tpu.vector_store %arg10[%swap3A_202, %swap3A_203], %swap3A_206 {strides = array<i32>} : memref<80x128xf32, #tpu.memory_space<vmem>>, vector<1x16xf32>,
        %get3A_207 = arith.index_cast %add3A_149 : i32 to index
        %get3A_208 = arith.constant 80 : index
        %get3A_209 = tpu.vector_load %arg10[%get3A_207, %get3A_208] {strides = array<i32>} : memref<80x128xf32, #tpu.memory_space<vmem>>, vector<1x16xf32>,
        %get3A_210 = vector.shape_cast %get3A_209 : vector<1x16xf32> to vector<16xf32>
        %mul3A_211 = vector.broadcast %squeeze3A_151 : f32 to vector<16xf32>
        %mul3A_212 = arith.mulf %get3A_210, %mul3A_211 : vector<16xf32>
        %swap3A_213 = arith.index_cast %add3A_149 : i32 to index
        %swap3A_214 = arith.constant 80 : index
        %swap3A_215 = tpu.vector_load %arg10[%swap3A_213, %swap3A_214] {strides = array<i32>} : memref<80x128xf32, #tpu.memory_space<vmem>>, vector<1x16xf32>,
        %swap3A_216 = vector.shape_cast %swap3A_215 : vector<1x16xf32> to vector<16xf32>
        %swap3A_217 = vector.shape_cast %mul3A_212 : vector<16xf32> to vector<1x16xf32>
        tpu.vector_store %arg10[%swap3A_213, %swap3A_214], %swap3A_217 {strides = array<i32>} : memref<80x128xf32, #tpu.memory_space<vmem>>, vector<1x16xf32>,
        %get3A_218 = arith.index_cast %add3A_149 : i32 to index
        %get3A_219 = arith.constant 96 : index
        %get3A_220 = tpu.vector_load %arg10[%get3A_218, %get3A_219] {strides = array<i32>} : memref<80x128xf32, #tpu.memory_space<vmem>>, vector<1x16xf32>,
        %get3A_221 = vector.shape_cast %get3A_220 : vector<1x16xf32> to vector<16xf32>
        %mul3A_222 = vector.broadcast %squeeze3A_151 : f32 to vector<16xf32>
        %mul3A_223 = arith.mulf %get3A_221, %mul3A_222 : vector<16xf32>
        %swap3A_224 = arith.index_cast %add3A_149 : i32 to index
        %swap3A_225 = arith.constant 96 : index
        %swap3A_226 = tpu.vector_load %arg10[%swap3A_224, %swap3A_225] {strides = array<i32>} : memref<80x128xf32, #tpu.memory_space<vmem>>, vector<1x16xf32>,
        %swap3A_227 = vector.shape_cast %swap3A_226 : vector<1x16xf32> to vector<16xf32>
        %swap3A_228 = vector.shape_cast %mul3A_223 : vector<16xf32> to vector<1x16xf32>
        tpu.vector_store %arg10[%swap3A_224, %swap3A_225], %swap3A_228 {strides = array<i32>} : memref<80x128xf32, #tpu.memory_space<vmem>>, vector<1x16xf32>,
        %get3A_229 = arith.index_cast %add3A_149 : i32 to index
        %get3A_230 = arith.constant 112 : index
        %get3A_231 = tpu.vector_load %arg10[%get3A_229, %get3A_230] {strides = array<i32>} : memref<80x128xf32, #tpu.memory_space<vmem>>, vector<1x16xf32>,
        %get3A_232 = vector.shape_cast %get3A_231 : vector<1x16xf32> to vector<16xf32>
        %mul3A_233 = vector.broadcast %squeeze3A_151 : f32 to vector<16xf32>
        %mul3A_234 = arith.mulf %get3A_232, %mul3A_233 : vector<16xf32>
        %swap3A_235 = arith.index_cast %add3A_149 : i32 to index
        %swap3A_236 = arith.constant 112 : index
        %swap3A_237 = tpu.vector_load %arg10[%swap3A_235, %swap3A_236] {strides = array<i32>} : memref<80x128xf32, #tpu.memory_space<vmem>>, vector<1x16xf32>,
        %swap3A_238 = vector.shape_cast %swap3A_237 : vector<1x16xf32> to vector<16xf32>
        %swap3A_239 = vector.shape_cast %mul3A_234 : vector<16xf32> to vector<1x16xf32>
        tpu.vector_store %arg10[%swap3A_235, %swap3A_236], %swap3A_239 {strides = array<i32>} : memref<80x128xf32, #tpu.memory_space<vmem>>, vector<1x16xf32>,
        %mul3A_240 = arith.constant 16 : i32
        %mul3A_241 = arith.muli %scan3A_50, %mul3A_240 : i32
        %add3A_242 = arith.constant 2 : i32
        %add3A_243 = arith.addi %mul3A_241, %add3A_242 : i32
        %slice3A_244 = vector.extract_strided_slice %get3A_54 {offsets = [2], sizes = [1], strides = [1]} : vector<16xf32> to vector<1xf32>
        %squeeze3A_245 = vector.extract %slice3A_244[0] : f32 from vector<1xf32>
        %get3A_246 = arith.index_cast %add3A_243 : i32 to index
        %get3A_247 = arith.constant 0 : index
        %get3A_248 = tpu.vector_load %arg10[%get3A_246, %get3A_247] {strides = array<i32>} : memref<80x128xf32, #tpu.memory_space<vmem>>, vector<1x16xf32>,
        %get3A_249 = vector.shape_cast %get3A_248 : vector<1x16xf32> to vector<16xf32>
        %mul3A_250 = vector.broadcast %squeeze3A_245 : f32 to vector<16xf32>
        %mul3A_251 = arith.mulf %get3A_249, %mul3A_250 : vector<16xf32>
        %swap3A_252 = arith.index_cast %add3A_243 : i32 to index
        %swap3A_253 = arith.constant 0 : index
        %swap3A_254 = tpu.vector_load %arg10[%swap3A_252, %swap3A_253] {strides = array<i32>} : memref<80x128xf32, #tpu.memory_space<vmem>>, vector<1x16xf32>,
        %swap3A_255 = vector.shape_cast %swap3A_254 : vector<1x16xf32> to vector<16xf32>
        %swap3A_256 = vector.shape_cast %mul3A_251 : vector<16xf32> to vector<1x16xf32>
        tpu.vector_store %arg10[%swap3A_252, %swap3A_253], %swap3A_256 {strides = array<i32>} : memref<80x128xf32, #tpu.memory_space<vmem>>, vector<1x16xf32>,
        %get3A_257 = arith.index_cast %add3A_243 : i32 to index
        %get3A_258 = arith.constant 16 : index
        %get3A_259 = tpu.vector_load %arg10[%get3A_257, %get3A_258] {strides = array<i32>} : memref<80x128xf32, #tpu.memory_space<vmem>>, vector<1x16xf32>,
        %get3A_260 = vector.shape_cast %get3A_259 : vector<1x16xf32> to vector<16xf32>
        %mul3A_261 = vector.broadcast %squeeze3A_245 : f32 to vector<16xf32>
        %mul3A_262 = arith.mulf %get3A_260, %mul3A_261 : vector<16xf32>
        %swap3A_263 = arith.index_cast %add3A_243 : i32 to index
        %swap3A_264 = arith.constant 16 : index
        %swap3A_265 = tpu.vector_load %arg10[%swap3A_263, %swap3A_264] {strides = array<i32>} : memref<80x128xf32, #tpu.memory_space<vmem>>, vector<1x16xf32>,
        %swap3A_266 = vector.shape_cast %swap3A_265 : vector<1x16xf32> to vector<16xf32>
        %swap3A_267 = vector.shape_cast %mul3A_262 : vector<16xf32> to vector<1x16xf32>
        tpu.vector_store %arg10[%swap3A_263, %swap3A_264], %swap3A_267 {strides = array<i32>} : memref<80x128xf32, #tpu.memory_space<vmem>>, vector<1x16xf32>,
        %get3A_268 = arith.index_cast %add3A_243 : i32 to index
        %get3A_269 = arith.constant 32 : index
        %get3A_270 = tpu.vector_load %arg10[%get3A_268, %get3A_269] {strides = array<i32>} : memref<80x128xf32, #tpu.memory_space<vmem>>, vector<1x16xf32>,
        %get3A_271 = vector.shape_cast %get3A_270 : vector<1x16xf32> to vector<16xf32>
        %mul3A_272 = vector.broadcast %squeeze3A_245 : f32 to vector<16xf32>
        %mul3A_273 = arith.mulf %get3A_271, %mul3A_272 : vector<16xf32>
        %swap3A_274 = arith.index_cast %add3A_243 : i32 to index
        %swap3A_275 = arith.constant 32 : index
        %swap3A_276 = tpu.vector_load %arg10[%swap3A_274, %swap3A_275] {strides = array<i32>} : memref<80x128xf32, #tpu.memory_space<vmem>>, vector<1x16xf32>,
        %swap3A_277 = vector.shape_cast %swap3A_276 : vector<1x16xf32> to vector<16xf32>
        %swap3A_278 = vector.shape_cast %mul3A_273 : vector<16xf32> to vector<1x16xf32>
        tpu.vector_store %arg10[%swap3A_274, %swap3A_275], %swap3A_278 {strides = array<i32>} : memref<80x128xf32, #tpu.memory_space<vmem>>, vector<1x16xf32>,
        %get3A_279 = arith.index_cast %add3A_243 : i32 to index
        %get3A_280 = arith.constant 48 : index
        %get3A_281 = tpu.vector_load %arg10[%get3A_279, %get3A_280] {strides = array<i32>} : memref<80x128xf32, #tpu.memory_space<vmem>>, vector<1x16xf32>,
        %get3A_282 = vector.shape_cast %get3A_281 : vector<1x16xf32> to vector<16xf32>
        %mul3A_283 = vector.broadcast %squeeze3A_245 : f32 to vector<16xf32>
        %mul3A_284 = arith.mulf %get3A_282, %mul3A_283 : vector<16xf32>
        %swap3A_285 = arith.index_cast %add3A_243 : i32 to index
        %swap3A_286 = arith.constant 48 : index
        %swap3A_287 = tpu.vector_load %arg10[%swap3A_285, %swap3A_286] {strides = array<i32>} : memref<80x128xf32, #tpu.memory_space<vmem>>, vector<1x16xf32>,
        %swap3A_288 = vector.shape_cast %swap3A_287 : vector<1x16xf32> to vector<16xf32>
        %swap3A_289 = vector.shape_cast %mul3A_284 : vector<16xf32> to vector<1x16xf32>
        tpu.vector_store %arg10[%swap3A_285, %swap3A_286], %swap3A_289 {strides = array<i32>} : memref<80x128xf32, #tpu.memory_space<vmem>>, vector<1x16xf32>,
        %get3A_290 = arith.index_cast %add3A_243 : i32 to index
        %get3A_291 = arith.constant 64 : index
        %get3A_292 = tpu.vector_load %arg10[%get3A_290, %get3A_291] {strides = array<i32>} : memref<80x128xf32, #tpu.memory_space<vmem>>, vector<1x16xf32>,
        %get3A_293 = vector.shape_cast %get3A_292 : vector<1x16xf32> to vector<16xf32>
        %mul3A_294 = vector.broadcast %squeeze3A_245 : f32 to vector<16xf32>
        %mul3A_295 = arith.mulf %get3A_293, %mul3A_294 : vector<16xf32>
        %swap3A_296 = arith.index_cast %add3A_243 : i32 to index
        %swap3A_297 = arith.constant 64 : index
        %swap3A_298 = tpu.vector_load %arg10[%swap3A_296, %swap3A_297] {strides = array<i32>} : memref<80x128xf32, #tpu.memory_space<vmem>>, vector<1x16xf32>,
        %swap3A_299 = vector.shape_cast %swap3A_298 : vector<1x16xf32> to vector<16xf32>
        %swap3A_300 = vector.shape_cast %mul3A_295 : vector<16xf32> to vector<1x16xf32>
        tpu.vector_store %arg10[%swap3A_296, %swap3A_297], %swap3A_300 {strides = array<i32>} : memref<80x128xf32, #tpu.memory_space<vmem>>, vector<1x16xf32>,
        %get3A_301 = arith.index_cast %add3A_243 : i32 to index
        %get3A_302 = arith.constant 80 : index
        %get3A_303 = tpu.vector_load %arg10[%get3A_301, %get3A_302] {strides = array<i32>} : memref<80x128xf32, #tpu.memory_space<vmem>>, vector<1x16xf32>,
        %get3A_304 = vector.shape_cast %get3A_303 : vector<1x16xf32> to vector<16xf32>
        %mul3A_305 = vector.broadcast %squeeze3A_245 : f32 to vector<16xf32>
        %mul3A_306 = arith.mulf %get3A_304, %mul3A_305 : vector<16xf32>
        %swap3A_307 = arith.index_cast %add3A_243 : i32 to index
        %swap3A_308 = arith.constant 80 : index
        %swap3A_309 = tpu.vector_load %arg10[%swap3A_307, %swap3A_308] {strides = array<i32>} : memref<80x128xf32, #tpu.memory_space<vmem>>, vector<1x16xf32>,
        %swap3A_310 = vector.shape_cast %swap3A_309 : vector<1x16xf32> to vector<16xf32>
        %swap3A_311 = vector.shape_cast %mul3A_306 : vector<16xf32> to vector<1x16xf32>
        tpu.vector_store %arg10[%swap3A_307, %swap3A_308], %swap3A_311 {strides = array<i32>} : memref<80x128xf32, #tpu.memory_space<vmem>>, vector<1x16xf32>,
        %get3A_312 = arith.index_cast %add3A_243 : i32 to index
        %get3A_313 = arith.constant 96 : index
        %get3A_314 = tpu.vector_load %arg10[%get3A_312, %get3A_313] {strides = array<i32>} : memref<80x128xf32, #tpu.memory_space<vmem>>, vector<1x16xf32>,
        %get3A_315 = vector.shape_cast %get3A_314 : vector<1x16xf32> to vector<16xf32>
        %mul3A_316 = vector.broadcast %squeeze3A_245 : f32 to vector<16xf32>
        %mul3A_317 = arith.mulf %get3A_315, %mul3A_316 : vector<16xf32>
        %swap3A_318 = arith.index_cast %add3A_243 : i32 to index
        %swap3A_319 = arith.constant 96 : index
        %swap3A_320 = tpu.vector_load %arg10[%swap3A_318, %swap3A_319] {strides = array<i32>} : memref<80x128xf32, #tpu.memory_space<vmem>>, vector<1x16xf32>,
        %swap3A_321 = vector.shape_cast %swap3A_320 : vector<1x16xf32> to vector<16xf32>
        %swap3A_322 = vector.shape_cast %mul3A_317 : vector<16xf32> to vector<1x16xf32>
        tpu.vector_store %arg10[%swap3A_318, %swap3A_319], %swap3A_322 {strides = array<i32>} : memref<80x128xf32, #tpu.memory_space<vmem>>, vector<1x16xf32>,
        %get3A_323 = arith.index_cast %add3A_243 : i32 to index
        %get3A_324 = arith.constant 112 : index
        %get3A_325 = tpu.vector_load %arg10[%get3A_323, %get3A_324] {strides = array<i32>} : memref<80x128xf32, #tpu.memory_space<vmem>>, vector<1x16xf32>,
        %get3A_326 = vector.shape_cast %get3A_325 : vector<1x16xf32> to vector<16xf32>
        %mul3A_327 = vector.broadcast %squeeze3A_245 : f32 to vector<16xf32>
        %mul3A_328 = arith.mulf %get3A_326, %mul3A_327 : vector<16xf32>
        %swap3A_329 = arith.index_cast %add3A_243 : i32 to index
        %swap3A_330 = arith.constant 112 : index
        %swap3A_331 = tpu.vector_load %arg10[%swap3A_329, %swap3A_330] {strides = array<i32>} : memref<80x128xf32, #tpu.memory_space<vmem>>, vector<1x16xf32>,
        %swap3A_332 = vector.shape_cast %swap3A_331 : vector<1x16xf32> to vector<16xf32>
        %swap3A_333 = vector.shape_cast %mul3A_328 : vector<16xf32> to vector<1x16xf32>
        tpu.vector_store %arg10[%swap3A_329, %swap3A_330], %swap3A_333 {strides = array<i32>} : memref<80x128xf32, #tpu.memory_space<vmem>>, vector<1x16xf32>,
        %mul3A_334 = arith.constant 16 : i32
        %mul3A_335 = arith.muli %scan3A_50, %mul3A_334 : i32
        %add3A_336 = arith.constant 3 : i32
        %add3A_337 = arith.addi %mul3A_335, %add3A_336 : i32
        %slice3A_338 = vector.extract_strided_slice %get3A_54 {offsets = [3], sizes = [1], strides = [1]} : vector<16xf32> to vector<1xf32>
        %squeeze3A_339 = vector.extract %slice3A_338[0] : f32 from vector<1xf32>
        %get3A_340 = arith.index_cast %add3A_337 : i32 to index
        %get3A_341 = arith.constant 0 : index
        %get3A_342 = tpu.vector_load %arg10[%get3A_340, %get3A_341] {strides = array<i32>} : memref<80x128xf32, #tpu.memory_space<vmem>>, vector<1x16xf32>,
        %get3A_343 = vector.shape_cast %get3A_342 : vector<1x16xf32> to vector<16xf32>
        %mul3A_344 = vector.broadcast %squeeze3A_339 : f32 to vector<16xf32>
        %mul3A_345 = arith.mulf %get3A_343, %mul3A_344 : vector<16xf32>
        %swap3A_346 = arith.index_cast %add3A_337 : i32 to index
        %swap3A_347 = arith.constant 0 : index
        %swap3A_348 = tpu.vector_load %arg10[%swap3A_346, %swap3A_347] {strides = array<i32>} : memref<80x128xf32, #tpu.memory_space<vmem>>, vector<1x16xf32>,
        %swap3A_349 = vector.shape_cast %swap3A_348 : vector<1x16xf32> to vector<16xf32>
        %swap3A_350 = vector.shape_cast %mul3A_345 : vector<16xf32> to vector<1x16xf32>
        tpu.vector_store %arg10[%swap3A_346, %swap3A_347], %swap3A_350 {strides = array<i32>} : memref<80x128xf32, #tpu.memory_space<vmem>>, vector<1x16xf32>,
        %get3A_351 = arith.index_cast %add3A_337 : i32 to index
        %get3A_352 = arith.constant 16 : index
        %get3A_353 = tpu.vector_load %arg10[%get3A_351, %get3A_352] {strides = array<i32>} : memref<80x128xf32, #tpu.memory_space<vmem>>, vector<1x16xf32>,
        %get3A_354 = vector.shape_cast %get3A_353 : vector<1x16xf32> to vector<16xf32>
        %mul3A_355 = vector.broadcast %squeeze3A_339 : f32 to vector<16xf32>
        %mul3A_356 = arith.mulf %get3A_354, %mul3A_355 : vector<16xf32>
        %swap3A_357 = arith.index_cast %add3A_337 : i32 to index
        %swap3A_358 = arith.constant 16 : index
        %swap3A_359 = tpu.vector_load %arg10[%swap3A_357, %swap3A_358] {strides = array<i32>} : memref<80x128xf32, #tpu.memory_space<vmem>>, vector<1x16xf32>,
        %swap3A_360 = vector.shape_cast %swap3A_359 : vector<1x16xf32> to vector<16xf32>
        %swap3A_361 = vector.shape_cast %mul3A_356 : vector<16xf32> to vector<1x16xf32>
        tpu.vector_store %arg10[%swap3A_357, %swap3A_358], %swap3A_361 {strides = array<i32>} : memref<80x128xf32, #tpu.memory_space<vmem>>, vector<1x16xf32>,
        %get3A_362 = arith.index_cast %add3A_337 : i32 to index
        %get3A_363 = arith.constant 32 : index
        %get3A_364 = tpu.vector_load %arg10[%get3A_362, %get3A_363] {strides = array<i32>} : memref<80x128xf32, #tpu.memory_space<vmem>>, vector<1x16xf32>,
        %get3A_365 = vector.shape_cast %get3A_364 : vector<1x16xf32> to vector<16xf32>
        %mul3A_366 = vector.broadcast %squeeze3A_339 : f32 to vector<16xf32>
        %mul3A_367 = arith.mulf %get3A_365, %mul3A_366 : vector<16xf32>
        %swap3A_368 = arith.index_cast %add3A_337 : i32 to index
        %swap3A_369 = arith.constant 32 : index
        %swap3A_370 = tpu.vector_load %arg10[%swap3A_368, %swap3A_369] {strides = array<i32>} : memref<80x128xf32, #tpu.memory_space<vmem>>, vector<1x16xf32>,
        %swap3A_371 = vector.shape_cast %swap3A_370 : vector<1x16xf32> to vector<16xf32>
        %swap3A_372 = vector.shape_cast %mul3A_367 : vector<16xf32> to vector<1x16xf32>
        tpu.vector_store %arg10[%swap3A_368, %swap3A_369], %swap3A_372 {strides = array<i32>} : memref<80x128xf32, #tpu.memory_space<vmem>>, vector<1x16xf32>,
        %get3A_373 = arith.index_cast %add3A_337 : i32 to index
        %get3A_374 = arith.constant 48 : index
        %get3A_375 = tpu.vector_load %arg10[%get3A_373, %get3A_374] {strides = array<i32>} : memref<80x128xf32, #tpu.memory_space<vmem>>, vector<1x16xf32>,
        %get3A_376 = vector.shape_cast %get3A_375 : vector<1x16xf32> to vector<16xf32>
        %mul3A_377 = vector.broadcast %squeeze3A_339 : f32 to vector<16xf32>
        %mul3A_378 = arith.mulf %get3A_376, %mul3A_377 : vector<16xf32>
        %swap3A_379 = arith.index_cast %add3A_337 : i32 to index
        %swap3A_380 = arith.constant 48 : index
        %swap3A_381 = tpu.vector_load %arg10[%swap3A_379, %swap3A_380] {strides = array<i32>} : memref<80x128xf32, #tpu.memory_space<vmem>>, vector<1x16xf32>,
        %swap3A_382 = vector.shape_cast %swap3A_381 : vector<1x16xf32> to vector<16xf32>
        %swap3A_383 = vector.shape_cast %mul3A_378 : vector<16xf32> to vector<1x16xf32>
        tpu.vector_store %arg10[%swap3A_379, %swap3A_380], %swap3A_383 {strides = array<i32>} : memref<80x128xf32, #tpu.memory_space<vmem>>, vector<1x16xf32>,
        %get3A_384 = arith.index_cast %add3A_337 : i32 to index
        %get3A_385 = arith.constant 64 : index
        %get3A_386 = tpu.vector_load %arg10[%get3A_384, %get3A_385] {strides = array<i32>} : memref<80x128xf32, #tpu.memory_space<vmem>>, vector<1x16xf32>,
        %get3A_387 = vector.shape_cast %get3A_386 : vector<1x16xf32> to vector<16xf32>
        %mul3A_388 = vector.broadcast %squeeze3A_339 : f32 to vector<16xf32>
        %mul3A_389 = arith.mulf %get3A_387, %mul3A_388 : vector<16xf32>
        %swap3A_390 = arith.index_cast %add3A_337 : i32 to index
        %swap3A_391 = arith.constant 64 : index
        %swap3A_392 = tpu.vector_load %arg10[%swap3A_390, %swap3A_391] {strides = array<i32>} : memref<80x128xf32, #tpu.memory_space<vmem>>, vector<1x16xf32>,
        %swap3A_393 = vector.shape_cast %swap3A_392 : vector<1x16xf32> to vector<16xf32>
        %swap3A_394 = vector.shape_cast %mul3A_389 : vector<16xf32> to vector<1x16xf32>
        tpu.vector_store %arg10[%swap3A_390, %swap3A_391], %swap3A_394 {strides = array<i32>} : memref<80x128xf32, #tpu.memory_space<vmem>>, vector<1x16xf32>,
        %get3A_395 = arith.index_cast %add3A_337 : i32 to index
        %get3A_396 = arith.constant 80 : index
        %get3A_397 = tpu.vector_load %arg10[%get3A_395, %get3A_396] {strides = array<i32>} : memref<80x128xf32, #tpu.memory_space<vmem>>, vector<1x16xf32>,
        %get3A_398 = vector.shape_cast %get3A_397 : vector<1x16xf32> to vector<16xf32>
        %mul3A_399 = vector.broadcast %squeeze3A_339 : f32 to vector<16xf32>
        %mul3A_400 = arith.mulf %get3A_398, %mul3A_399 : vector<16xf32>
        %swap3A_401 = arith.index_cast %add3A_337 : i32 to index
        %swap3A_402 = arith.constant 80 : index
        %swap3A_403 = tpu.vector_load %arg10[%swap3A_401, %swap3A_402] {strides = array<i32>} : memref<80x128xf32, #tpu.memory_space<vmem>>, vector<1x16xf32>,
        %swap3A_404 = vector.shape_cast %swap3A_403 : vector<1x16xf32> to vector<16xf32>
        %swap3A_405 = vector.shape_cast %mul3A_400 : vector<16xf32> to vector<1x16xf32>
        tpu.vector_store %arg10[%swap3A_401, %swap3A_402], %swap3A_405 {strides = array<i32>} : memref<80x128xf32, #tpu.memory_space<vmem>>, vector<1x16xf32>,
        %get3A_406 = arith.index_cast %add3A_337 : i32 to index
        %get3A_407 = arith.constant 96 : index
        %get3A_408 = tpu.vector_load %arg10[%get3A_406, %get3A_407] {strides = array<i32>} : memref<80x128xf32, #tpu.memory_space<vmem>>, vector<1x16xf32>,
        %get3A_409 = vector.shape_cast %get3A_408 : vector<1x16xf32> to vector<16xf32>
        %mul3A_410 = vector.broadcast %squeeze3A_339 : f32 to vector<16xf32>
        %mul3A_411 = arith.mulf %get3A_409, %mul3A_410 : vector<16xf32>
        %swap3A_412 = arith.index_cast %add3A_337 : i32 to index
        %swap3A_413 = arith.constant 96 : index
        %swap3A_414 = tpu.vector_load %arg10[%swap3A_412, %swap3A_413] {strides = array<i32>} : memref<80x128xf32, #tpu.memory_space<vmem>>, vector<1x16xf32>,
        %swap3A_415 = vector.shape_cast %swap3A_414 : vector<1x16xf32> to vector<16xf32>
        %swap3A_416 = vector.shape_cast %mul3A_411 : vector<16xf32> to vector<1x16xf32>
        tpu.vector_store %arg10[%swap3A_412, %swap3A_413], %swap3A_416 {strides = array<i32>} : memref<80x128xf32, #tpu.memory_space<vmem>>, vector<1x16xf32>,
        %get3A_417 = arith.index_cast %add3A_337 : i32 to index
        %get3A_418 = arith.constant 112 : index
        %get3A_419 = tpu.vector_load %arg10[%get3A_417, %get3A_418] {strides = array<i32>} : memref<80x128xf32, #tpu.memory_space<vmem>>, vector<1x16xf32>,
        %get3A_420 = vector.shape_cast %get3A_419 : vector<1x16xf32> to vector<16xf32>
        %mul3A_421 = vector.broadcast %squeeze3A_339 : f32 to vector<16xf32>
        %mul3A_422 = arith.mulf %get3A_420, %mul3A_421 : vector<16xf32>
        %swap3A_423 = arith.index_cast %add3A_337 : i32 to index
        %swap3A_424 = arith.constant 112 : index
        %swap3A_425 = tpu.vector_load %arg10[%swap3A_423, %swap3A_424] {strides = array<i32>} : memref<80x128xf32, #tpu.memory_space<vmem>>, vector<1x16xf32>,
        %swap3A_426 = vector.shape_cast %swap3A_425 : vector<1x16xf32> to vector<16xf32>
        %swap3A_427 = vector.shape_cast %mul3A_422 : vector<16xf32> to vector<1x16xf32>
        tpu.vector_store %arg10[%swap3A_423, %swap3A_424], %swap3A_427 {strides = array<i32>} : memref<80x128xf32, #tpu.memory_space<vmem>>, vector<1x16xf32>,
        %mul3A_428 = arith.constant 16 : i32
        %mul3A_429 = arith.muli %scan3A_50, %mul3A_428 : i32
        %add3A_430 = arith.constant 4 : i32
        %add3A_431 = arith.addi %mul3A_429, %add3A_430 : i32
        %slice3A_432 = vector.extract_strided_slice %get3A_54 {offsets = [4], sizes = [1], strides = [1]} : vector<16xf32> to vector<1xf32>
        %squeeze3A_433 = vector.extract %slice3A_432[0] : f32 from vector<1xf32>
        %get3A_434 = arith.index_cast %add3A_431 : i32 to index
        %get3A_435 = arith.constant 0 : index
        %get3A_436 = tpu.vector_load %arg10[%get3A_434, %get3A_435] {strides = array<i32>} : memref<80x128xf32, #tpu.memory_space<vmem>>, vector<1x16xf32>,
        %get3A_437 = vector.shape_cast %get3A_436 : vector<1x16xf32> to vector<16xf32>
        %mul3A_438 = vector.broadcast %squeeze3A_433 : f32 to vector<16xf32>
        %mul3A_439 = arith.mulf %get3A_437, %mul3A_438 : vector<16xf32>
        %swap3A_440 = arith.index_cast %add3A_431 : i32 to index
        %swap3A_441 = arith.constant 0 : index
        %swap3A_442 = tpu.vector_load %arg10[%swap3A_440, %swap3A_441] {strides = array<i32>} : memref<80x128xf32, #tpu.memory_space<vmem>>, vector<1x16xf32>,
        %swap3A_443 = vector.shape_cast %swap3A_442 : vector<1x16xf32> to vector<16xf32>
        %swap3A_444 = vector.shape_cast %mul3A_439 : vector<16xf32> to vector<1x16xf32>
        tpu.vector_store %arg10[%swap3A_440, %swap3A_441], %swap3A_444 {strides = array<i32>} : memref<80x128xf32, #tpu.memory_space<vmem>>, vector<1x16xf32>,
        %get3A_445 = arith.index_cast %add3A_431 : i32 to index
        %get3A_446 = arith.constant 16 : index
        %get3A_447 = tpu.vector_load %arg10[%get3A_445, %get3A_446] {strides = array<i32>} : memref<80x128xf32, #tpu.memory_space<vmem>>, vector<1x16xf32>,
        %get3A_448 = vector.shape_cast %get3A_447 : vector<1x16xf32> to vector<16xf32>
        %mul3A_449 = vector.broadcast %squeeze3A_433 : f32 to vector<16xf32>
        %mul3A_450 = arith.mulf %get3A_448, %mul3A_449 : vector<16xf32>
        %swap3A_451 = arith.index_cast %add3A_431 : i32 to index
        %swap3A_452 = arith.constant 16 : index
        %swap3A_453 = tpu.vector_load %arg10[%swap3A_451, %swap3A_452] {strides = array<i32>} : memref<80x128xf32, #tpu.memory_space<vmem>>, vector<1x16xf32>,
        %swap3A_454 = vector.shape_cast %swap3A_453 : vector<1x16xf32> to vector<16xf32>
        %swap3A_455 = vector.shape_cast %mul3A_450 : vector<16xf32> to vector<1x16xf32>
        tpu.vector_store %arg10[%swap3A_451, %swap3A_452], %swap3A_455 {strides = array<i32>} : memref<80x128xf32, #tpu.memory_space<vmem>>, vector<1x16xf32>,
        %get3A_456 = arith.index_cast %add3A_431 : i32 to index
        %get3A_457 = arith.constant 32 : index
        %get3A_458 = tpu.vector_load %arg10[%get3A_456, %get3A_457] {strides = array<i32>} : memref<80x128xf32, #tpu.memory_space<vmem>>, vector<1x16xf32>,
        %get3A_459 = vector.shape_cast %get3A_458 : vector<1x16xf32> to vector<16xf32>
        %mul3A_460 = vector.broadcast %squeeze3A_433 : f32 to vector<16xf32>
        %mul3A_461 = arith.mulf %get3A_459, %mul3A_460 : vector<16xf32>
        %swap3A_462 = arith.index_cast %add3A_431 : i32 to index
        %swap3A_463 = arith.constant 32 : index
        %swap3A_464 = tpu.vector_load %arg10[%swap3A_462, %swap3A_463] {strides = array<i32>} : memref<80x128xf32, #tpu.memory_space<vmem>>, vector<1x16xf32>,
        %swap3A_465 = vector.shape_cast %swap3A_464 : vector<1x16xf32> to vector<16xf32>
        %swap3A_466 = vector.shape_cast %mul3A_461 : vector<16xf32> to vector<1x16xf32>
        tpu.vector_store %arg10[%swap3A_462, %swap3A_463], %swap3A_466 {strides = array<i32>} : memref<80x128xf32, #tpu.memory_space<vmem>>, vector<1x16xf32>,
        %get3A_467 = arith.index_cast %add3A_431 : i32 to index
        %get3A_468 = arith.constant 48 : index
        %get3A_469 = tpu.vector_load %arg10[%get3A_467, %get3A_468] {strides = array<i32>} : memref<80x128xf32, #tpu.memory_space<vmem>>, vector<1x16xf32>,
        %get3A_470 = vector.shape_cast %get3A_469 : vector<1x16xf32> to vector<16xf32>
        %mul3A_471 = vector.broadcast %squeeze3A_433 : f32 to vector<16xf32>
        %mul3A_472 = arith.mulf %get3A_470, %mul3A_471 : vector<16xf32>
        %swap3A_473 = arith.index_cast %add3A_431 : i32 to index
        %swap3A_474 = arith.constant 48 : index
        %swap3A_475 = tpu.vector_load %arg10[%swap3A_473, %swap3A_474] {strides = array<i32>} : memref<80x128xf32, #tpu.memory_space<vmem>>, vector<1x16xf32>,
        %swap3A_476 = vector.shape_cast %swap3A_475 : vector<1x16xf32> to vector<16xf32>
        %swap3A_477 = vector.shape_cast %mul3A_472 : vector<16xf32> to vector<1x16xf32>
        tpu.vector_store %arg10[%swap3A_473, %swap3A_474], %swap3A_477 {strides = array<i32>} : memref<80x128xf32, #tpu.memory_space<vmem>>, vector<1x16xf32>,
        %get3A_478 = arith.index_cast %add3A_431 : i32 to index
        %get3A_479 = arith.constant 64 : index
        %get3A_480 = tpu.vector_load %arg10[%get3A_478, %get3A_479] {strides = array<i32>} : memref<80x128xf32, #tpu.memory_space<vmem>>, vector<1x16xf32>,
        %get3A_481 = vector.shape_cast %get3A_480 : vector<1x16xf32> to vector<16xf32>
        %mul3A_482 = vector.broadcast %squeeze3A_433 : f32 to vector<16xf32>
        %mul3A_483 = arith.mulf %get3A_481, %mul3A_482 : vector<16xf32>
        %swap3A_484 = arith.index_cast %add3A_431 : i32 to index
        %swap3A_485 = arith.constant 64 : index
        %swap3A_486 = tpu.vector_load %arg10[%swap3A_484, %swap3A_485] {strides = array<i32>} : memref<80x128xf32, #tpu.memory_space<vmem>>, vector<1x16xf32>,
        %swap3A_487 = vector.shape_cast %swap3A_486 : vector<1x16xf32> to vector<16xf32>
        %swap3A_488 = vector.shape_cast %mul3A_483 : vector<16xf32> to vector<1x16xf32>
        tpu.vector_store %arg10[%swap3A_484, %swap3A_485], %swap3A_488 {strides = array<i32>} : memref<80x128xf32, #tpu.memory_space<vmem>>, vector<1x16xf32>,
        %get3A_489 = arith.index_cast %add3A_431 : i32 to index
        %get3A_490 = arith.constant 80 : index
        %get3A_491 = tpu.vector_load %arg10[%get3A_489, %get3A_490] {strides = array<i32>} : memref<80x128xf32, #tpu.memory_space<vmem>>, vector<1x16xf32>,
        %get3A_492 = vector.shape_cast %get3A_491 : vector<1x16xf32> to vector<16xf32>
        %mul3A_493 = vector.broadcast %squeeze3A_433 : f32 to vector<16xf32>
        %mul3A_494 = arith.mulf %get3A_492, %mul3A_493 : vector<16xf32>
        %swap3A_495 = arith.index_cast %add3A_431 : i32 to index
        %swap3A_496 = arith.constant 80 : index
        %swap3A_497 = tpu.vector_load %arg10[%swap3A_495, %swap3A_496] {strides = array<i32>} : memref<80x128xf32, #tpu.memory_space<vmem>>, vector<1x16xf32>,
        %swap3A_498 = vector.shape_cast %swap3A_497 : vector<1x16xf32> to vector<16xf32>
        %swap3A_499 = vector.shape_cast %mul3A_494 : vector<16xf32> to vector<1x16xf32>
        tpu.vector_store %arg10[%swap3A_495, %swap3A_496], %swap3A_499 {strides = array<i32>} : memref<80x128xf32, #tpu.memory_space<vmem>>, vector<1x16xf32>,
        %get3A_500 = arith.index_cast %add3A_431 : i32 to index
        %get3A_501 = arith.constant 96 : index
        %get3A_502 = tpu.vector_load %arg10[%get3A_500, %get3A_501] {strides = array<i32>} : memref<80x128xf32, #tpu.memory_space<vmem>>, vector<1x16xf32>,
        %get3A_503 = vector.shape_cast %get3A_502 : vector<1x16xf32> to vector<16xf32>
        %mul3A_504 = vector.broadcast %squeeze3A_433 : f32 to vector<16xf32>
        %mul3A_505 = arith.mulf %get3A_503, %mul3A_504 : vector<16xf32>
        %swap3A_506 = arith.index_cast %add3A_431 : i32 to index
        %swap3A_507 = arith.constant 96 : index
        %swap3A_508 = tpu.vector_load %arg10[%swap3A_506, %swap3A_507] {strides = array<i32>} : memref<80x128xf32, #tpu.memory_space<vmem>>, vector<1x16xf32>,
        %swap3A_509 = vector.shape_cast %swap3A_508 : vector<1x16xf32> to vector<16xf32>
        %swap3A_510 = vector.shape_cast %mul3A_505 : vector<16xf32> to vector<1x16xf32>
        tpu.vector_store %arg10[%swap3A_506, %swap3A_507], %swap3A_510 {strides = array<i32>} : memref<80x128xf32, #tpu.memory_space<vmem>>, vector<1x16xf32>,
        %get3A_511 = arith.index_cast %add3A_431 : i32 to index
        %get3A_512 = arith.constant 112 : index
        %get3A_513 = tpu.vector_load %arg10[%get3A_511, %get3A_512] {strides = array<i32>} : memref<80x128xf32, #tpu.memory_space<vmem>>, vector<1x16xf32>,
        %get3A_514 = vector.shape_cast %get3A_513 : vector<1x16xf32> to vector<16xf32>
        %mul3A_515 = vector.broadcast %squeeze3A_433 : f32 to vector<16xf32>
        %mul3A_516 = arith.mulf %get3A_514, %mul3A_515 : vector<16xf32>
        %swap3A_517 = arith.index_cast %add3A_431 : i32 to index
        %swap3A_518 = arith.constant 112 : index
        %swap3A_519 = tpu.vector_load %arg10[%swap3A_517, %swap3A_518] {strides = array<i32>} : memref<80x128xf32, #tpu.memory_space<vmem>>, vector<1x16xf32>,
        %swap3A_520 = vector.shape_cast %swap3A_519 : vector<1x16xf32> to vector<16xf32>
        %swap3A_521 = vector.shape_cast %mul3A_516 : vector<16xf32> to vector<1x16xf32>
        tpu.vector_store %arg10[%swap3A_517, %swap3A_518], %swap3A_521 {strides = array<i32>} : memref<80x128xf32, #tpu.memory_space<vmem>>, vector<1x16xf32>,
        %mul3A_522 = arith.constant 16 : i32
        %mul3A_523 = arith.muli %scan3A_50, %mul3A_522 : i32
        %add3A_524 = arith.constant 5 : i32
        %add3A_525 = arith.addi %mul3A_523, %add3A_524 : i32
        %slice3A_526 = vector.extract_strided_slice %get3A_54 {offsets = [5], sizes = [1], strides = [1]} : vector<16xf32> to vector<1xf32>
        %squeeze3A_527 = vector.extract %slice3A_526[0] : f32 from vector<1xf32>
        %get3A_528 = arith.index_cast %add3A_525 : i32 to index
        %get3A_529 = arith.constant 0 : index
        %get3A_530 = tpu.vector_load %arg10[%get3A_528, %get3A_529] {strides = array<i32>} : memref<80x128xf32, #tpu.memory_space<vmem>>, vector<1x16xf32>,
        %get3A_531 = vector.shape_cast %get3A_530 : vector<1x16xf32> to vector<16xf32>
        %mul3A_532 = vector.broadcast %squeeze3A_527 : f32 to vector<16xf32>
        %mul3A_533 = arith.mulf %get3A_531, %mul3A_532 : vector<16xf32>
        %swap3A_534 = arith.index_cast %add3A_525 : i32 to index
        %swap3A_535 = arith.constant 0 : index
        %swap3A_536 = tpu.vector_load %arg10[%swap3A_534, %swap3A_535] {strides = array<i32>} : memref<80x128xf32, #tpu.memory_space<vmem>>, vector<1x16xf32>,
        %swap3A_537 = vector.shape_cast %swap3A_536 : vector<1x16xf32> to vector<16xf32>
        %swap3A_538 = vector.shape_cast %mul3A_533 : vector<16xf32> to vector<1x16xf32>
        tpu.vector_store %arg10[%swap3A_534, %swap3A_535], %swap3A_538 {strides = array<i32>} : memref<80x128xf32, #tpu.memory_space<vmem>>, vector<1x16xf32>,
        %get3A_539 = arith.index_cast %add3A_525 : i32 to index
        %get3A_540 = arith.constant 16 : index
        %get3A_541 = tpu.vector_load %arg10[%get3A_539, %get3A_540] {strides = array<i32>} : memref<80x128xf32, #tpu.memory_space<vmem>>, vector<1x16xf32>,
        %get3A_542 = vector.shape_cast %get3A_541 : vector<1x16xf32> to vector<16xf32>
        %mul3A_543 = vector.broadcast %squeeze3A_527 : f32 to vector<16xf32>
        %mul3A_544 = arith.mulf %get3A_542, %mul3A_543 : vector<16xf32>
        %swap3A_545 = arith.index_cast %add3A_525 : i32 to index
        %swap3A_546 = arith.constant 16 : index
        %swap3A_547 = tpu.vector_load %arg10[%swap3A_545, %swap3A_546] {strides = array<i32>} : memref<80x128xf32, #tpu.memory_space<vmem>>, vector<1x16xf32>,
        %swap3A_548 = vector.shape_cast %swap3A_547 : vector<1x16xf32> to vector<16xf32>
        %swap3A_549 = vector.shape_cast %mul3A_544 : vector<16xf32> to vector<1x16xf32>
        tpu.vector_store %arg10[%swap3A_545, %swap3A_546], %swap3A_549 {strides = array<i32>} : memref<80x128xf32, #tpu.memory_space<vmem>>, vector<1x16xf32>,
        %get3A_550 = arith.index_cast %add3A_525 : i32 to index
        %get3A_551 = arith.constant 32 : index
        %get3A_552 = tpu.vector_load %arg10[%get3A_550, %get3A_551] {strides = array<i32>} : memref<80x128xf32, #tpu.memory_space<vmem>>, vector<1x16xf32>,
        %get3A_553 = vector.shape_cast %get3A_552 : vector<1x16xf32> to vector<16xf32>
        %mul3A_554 = vector.broadcast %squeeze3A_527 : f32 to vector<16xf32>
        %mul3A_555 = arith.mulf %get3A_553, %mul3A_554 : vector<16xf32>
        %swap3A_556 = arith.index_cast %add3A_525 : i32 to index
        %swap3A_557 = arith.constant 32 : index
        %swap3A_558 = tpu.vector_load %arg10[%swap3A_556, %swap3A_557] {strides = array<i32>} : memref<80x128xf32, #tpu.memory_space<vmem>>, vector<1x16xf32>,
        %swap3A_559 = vector.shape_cast %swap3A_558 : vector<1x16xf32> to vector<16xf32>
        %swap3A_560 = vector.shape_cast %mul3A_555 : vector<16xf32> to vector<1x16xf32>
        tpu.vector_store %arg10[%swap3A_556, %swap3A_557], %swap3A_560 {strides = array<i32>} : memref<80x128xf32, #tpu.memory_space<vmem>>, vector<1x16xf32>,
        %get3A_561 = arith.index_cast %add3A_525 : i32 to index
        %get3A_562 = arith.constant 48 : index
        %get3A_563 = tpu.vector_load %arg10[%get3A_561, %get3A_562] {strides = array<i32>} : memref<80x128xf32, #tpu.memory_space<vmem>>, vector<1x16xf32>,
        %get3A_564 = vector.shape_cast %get3A_563 : vector<1x16xf32> to vector<16xf32>
        %mul3A_565 = vector.broadcast %squeeze3A_527 : f32 to vector<16xf32>
        %mul3A_566 = arith.mulf %get3A_564, %mul3A_565 : vector<16xf32>
        %swap3A_567 = arith.index_cast %add3A_525 : i32 to index
        %swap3A_568 = arith.constant 48 : index
        %swap3A_569 = tpu.vector_load %arg10[%swap3A_567, %swap3A_568] {strides = array<i32>} : memref<80x128xf32, #tpu.memory_space<vmem>>, vector<1x16xf32>,
        %swap3A_570 = vector.shape_cast %swap3A_569 : vector<1x16xf32> to vector<16xf32>
        %swap3A_571 = vector.shape_cast %mul3A_566 : vector<16xf32> to vector<1x16xf32>
        tpu.vector_store %arg10[%swap3A_567, %swap3A_568], %swap3A_571 {strides = array<i32>} : memref<80x128xf32, #tpu.memory_space<vmem>>, vector<1x16xf32>,
        %get3A_572 = arith.index_cast %add3A_525 : i32 to index
        %get3A_573 = arith.constant 64 : index
        %get3A_574 = tpu.vector_load %arg10[%get3A_572, %get3A_573] {strides = array<i32>} : memref<80x128xf32, #tpu.memory_space<vmem>>, vector<1x16xf32>,
        %get3A_575 = vector.shape_cast %get3A_574 : vector<1x16xf32> to vector<16xf32>
        %mul3A_576 = vector.broadcast %squeeze3A_527 : f32 to vector<16xf32>
        %mul3A_577 = arith.mulf %get3A_575, %mul3A_576 : vector<16xf32>
        %swap3A_578 = arith.index_cast %add3A_525 : i32 to index
        %swap3A_579 = arith.constant 64 : index
        %swap3A_580 = tpu.vector_load %arg10[%swap3A_578, %swap3A_579] {strides = array<i32>} : memref<80x128xf32, #tpu.memory_space<vmem>>, vector<1x16xf32>,
        %swap3A_581 = vector.shape_cast %swap3A_580 : vector<1x16xf32> to vector<16xf32>
        %swap3A_582 = vector.shape_cast %mul3A_577 : vector<16xf32> to vector<1x16xf32>
        tpu.vector_store %arg10[%swap3A_578, %swap3A_579], %swap3A_582 {strides = array<i32>} : memref<80x128xf32, #tpu.memory_space<vmem>>, vector<1x16xf32>,
        %get3A_583 = arith.index_cast %add3A_525 : i32 to index
        %get3A_584 = arith.constant 80 : index
        %get3A_585 = tpu.vector_load %arg10[%get3A_583, %get3A_584] {strides = array<i32>} : memref<80x128xf32, #tpu.memory_space<vmem>>, vector<1x16xf32>,
        %get3A_586 = vector.shape_cast %get3A_585 : vector<1x16xf32> to vector<16xf32>
        %mul3A_587 = vector.broadcast %squeeze3A_527 : f32 to vector<16xf32>
        %mul3A_588 = arith.mulf %get3A_586, %mul3A_587 : vector<16xf32>
        %swap3A_589 = arith.index_cast %add3A_525 : i32 to index
        %swap3A_590 = arith.constant 80 : index
        %swap3A_591 = tpu.vector_load %arg10[%swap3A_589, %swap3A_590] {strides = array<i32>} : memref<80x128xf32, #tpu.memory_space<vmem>>, vector<1x16xf32>,
        %swap3A_592 = vector.shape_cast %swap3A_591 : vector<1x16xf32> to vector<16xf32>
        %swap3A_593 = vector.shape_cast %mul3A_588 : vector<16xf32> to vector<1x16xf32>
        tpu.vector_store %arg10[%swap3A_589, %swap3A_590], %swap3A_593 {strides = array<i32>} : memref<80x128xf32, #tpu.memory_space<vmem>>, vector<1x16xf32>,
        %get3A_594 = arith.index_cast %add3A_525 : i32 to index
        %get3A_595 = arith.constant 96 : index
        %get3A_596 = tpu.vector_load %arg10[%get3A_594, %get3A_595] {strides = array<i32>} : memref<80x128xf32, #tpu.memory_space<vmem>>, vector<1x16xf32>,
        %get3A_597 = vector.shape_cast %get3A_596 : vector<1x16xf32> to vector<16xf32>
        %mul3A_598 = vector.broadcast %squeeze3A_527 : f32 to vector<16xf32>
        %mul3A_599 = arith.mulf %get3A_597, %mul3A_598 : vector<16xf32>
        %swap3A_600 = arith.index_cast %add3A_525 : i32 to index
        %swap3A_601 = arith.constant 96 : index
        %swap3A_602 = tpu.vector_load %arg10[%swap3A_600, %swap3A_601] {strides = array<i32>} : memref<80x128xf32, #tpu.memory_space<vmem>>, vector<1x16xf32>,
        %swap3A_603 = vector.shape_cast %swap3A_602 : vector<1x16xf32> to vector<16xf32>
        %swap3A_604 = vector.shape_cast %mul3A_599 : vector<16xf32> to vector<1x16xf32>
        tpu.vector_store %arg10[%swap3A_600, %swap3A_601], %swap3A_604 {strides = array<i32>} : memref<80x128xf32, #tpu.memory_space<vmem>>, vector<1x16xf32>,
        %get3A_605 = arith.index_cast %add3A_525 : i32 to index
        %get3A_606 = arith.constant 112 : index
        %get3A_607 = tpu.vector_load %arg10[%get3A_605, %get3A_606] {strides = array<i32>} : memref<80x128xf32, #tpu.memory_space<vmem>>, vector<1x16xf32>,
        %get3A_608 = vector.shape_cast %get3A_607 : vector<1x16xf32> to vector<16xf32>
        %mul3A_609 = vector.broadcast %squeeze3A_527 : f32 to vector<16xf32>
        %mul3A_610 = arith.mulf %get3A_608, %mul3A_609 : vector<16xf32>
        %swap3A_611 = arith.index_cast %add3A_525 : i32 to index
        %swap3A_612 = arith.constant 112 : index
        %swap3A_613 = tpu.vector_load %arg10[%swap3A_611, %swap3A_612] {strides = array<i32>} : memref<80x128xf32, #tpu.memory_space<vmem>>, vector<1x16xf32>,
        %swap3A_614 = vector.shape_cast %swap3A_613 : vector<1x16xf32> to vector<16xf32>
        %swap3A_615 = vector.shape_cast %mul3A_610 : vector<16xf32> to vector<1x16xf32>
        tpu.vector_store %arg10[%swap3A_611, %swap3A_612], %swap3A_615 {strides = array<i32>} : memref<80x128xf32, #tpu.memory_space<vmem>>, vector<1x16xf32>,
        %mul3A_616 = arith.constant 16 : i32
        %mul3A_617 = arith.muli %scan3A_50, %mul3A_616 : i32
        %add3A_618 = arith.constant 6 : i32
        %add3A_619 = arith.addi %mul3A_617, %add3A_618 : i32
        %slice3A_620 = vector.extract_strided_slice %get3A_54 {offsets = [6], sizes = [1], strides = [1]} : vector<16xf32> to vector<1xf32>
        %squeeze3A_621 = vector.extract %slice3A_620[0] : f32 from vector<1xf32>
        %get3A_622 = arith.index_cast %add3A_619 : i32 to index
        %get3A_623 = arith.constant 0 : index
        %get3A_624 = tpu.vector_load %arg10[%get3A_622, %get3A_623] {strides = array<i32>} : memref<80x128xf32, #tpu.memory_space<vmem>>, vector<1x16xf32>,
        %get3A_625 = vector.shape_cast %get3A_624 : vector<1x16xf32> to vector<16xf32>
        %mul3A_626 = vector.broadcast %squeeze3A_621 : f32 to vector<16xf32>
        %mul3A_627 = arith.mulf %get3A_625, %mul3A_626 : vector<16xf32>
        %swap3A_628 = arith.index_cast %add3A_619 : i32 to index
        %swap3A_629 = arith.constant 0 : index
        %swap3A_630 = tpu.vector_load %arg10[%swap3A_628, %swap3A_629] {strides = array<i32>} : memref<80x128xf32, #tpu.memory_space<vmem>>, vector<1x16xf32>,
        %swap3A_631 = vector.shape_cast %swap3A_630 : vector<1x16xf32> to vector<16xf32>
        %swap3A_632 = vector.shape_cast %mul3A_627 : vector<16xf32> to vector<1x16xf32>
        tpu.vector_store %arg10[%swap3A_628, %swap3A_629], %swap3A_632 {strides = array<i32>} : memref<80x128xf32, #tpu.memory_space<vmem>>, vector<1x16xf32>,
        %get3A_633 = arith.index_cast %add3A_619 : i32 to index
        %get3A_634 = arith.constant 16 : index
        %get3A_635 = tpu.vector_load %arg10[%get3A_633, %get3A_634] {strides = array<i32>} : memref<80x128xf32, #tpu.memory_space<vmem>>, vector<1x16xf32>,
        %get3A_636 = vector.shape_cast %get3A_635 : vector<1x16xf32> to vector<16xf32>
        %mul3A_637 = vector.broadcast %squeeze3A_621 : f32 to vector<16xf32>
        %mul3A_638 = arith.mulf %get3A_636, %mul3A_637 : vector<16xf32>
        %swap3A_639 = arith.index_cast %add3A_619 : i32 to index
        %swap3A_640 = arith.constant 16 : index
        %swap3A_641 = tpu.vector_load %arg10[%swap3A_639, %swap3A_640] {strides = array<i32>} : memref<80x128xf32, #tpu.memory_space<vmem>>, vector<1x16xf32>,
        %swap3A_642 = vector.shape_cast %swap3A_641 : vector<1x16xf32> to vector<16xf32>
        %swap3A_643 = vector.shape_cast %mul3A_638 : vector<16xf32> to vector<1x16xf32>
        tpu.vector_store %arg10[%swap3A_639, %swap3A_640], %swap3A_643 {strides = array<i32>} : memref<80x128xf32, #tpu.memory_space<vmem>>, vector<1x16xf32>,
        %get3A_644 = arith.index_cast %add3A_619 : i32 to index
        %get3A_645 = arith.constant 32 : index
        %get3A_646 = tpu.vector_load %arg10[%get3A_644, %get3A_645] {strides = array<i32>} : memref<80x128xf32, #tpu.memory_space<vmem>>, vector<1x16xf32>,
        %get3A_647 = vector.shape_cast %get3A_646 : vector<1x16xf32> to vector<16xf32>
        %mul3A_648 = vector.broadcast %squeeze3A_621 : f32 to vector<16xf32>
        %mul3A_649 = arith.mulf %get3A_647, %mul3A_648 : vector<16xf32>
        %swap3A_650 = arith.index_cast %add3A_619 : i32 to index
        %swap3A_651 = arith.constant 32 : index
        %swap3A_652 = tpu.vector_load %arg10[%swap3A_650, %swap3A_651] {strides = array<i32>} : memref<80x128xf32, #tpu.memory_space<vmem>>, vector<1x16xf32>,
        %swap3A_653 = vector.shape_cast %swap3A_652 : vector<1x16xf32> to vector<16xf32>
        %swap3A_654 = vector.shape_cast %mul3A_649 : vector<16xf32> to vector<1x16xf32>
        tpu.vector_store %arg10[%swap3A_650, %swap3A_651], %swap3A_654 {strides = array<i32>} : memref<80x128xf32, #tpu.memory_space<vmem>>, vector<1x16xf32>,
        %get3A_655 = arith.index_cast %add3A_619 : i32 to index
        %get3A_656 = arith.constant 48 : index
        %get3A_657 = tpu.vector_load %arg10[%get3A_655, %get3A_656] {strides = array<i32>} : memref<80x128xf32, #tpu.memory_space<vmem>>, vector<1x16xf32>,
        %get3A_658 = vector.shape_cast %get3A_657 : vector<1x16xf32> to vector<16xf32>
        %mul3A_659 = vector.broadcast %squeeze3A_621 : f32 to vector<16xf32>
        %mul3A_660 = arith.mulf %get3A_658, %mul3A_659 : vector<16xf32>
        %swap3A_661 = arith.index_cast %add3A_619 : i32 to index
        %swap3A_662 = arith.constant 48 : index
        %swap3A_663 = tpu.vector_load %arg10[%swap3A_661, %swap3A_662] {strides = array<i32>} : memref<80x128xf32, #tpu.memory_space<vmem>>, vector<1x16xf32>,
        %swap3A_664 = vector.shape_cast %swap3A_663 : vector<1x16xf32> to vector<16xf32>
        %swap3A_665 = vector.shape_cast %mul3A_660 : vector<16xf32> to vector<1x16xf32>
        tpu.vector_store %arg10[%swap3A_661, %swap3A_662], %swap3A_665 {strides = array<i32>} : memref<80x128xf32, #tpu.memory_space<vmem>>, vector<1x16xf32>,
        %get3A_666 = arith.index_cast %add3A_619 : i32 to index
        %get3A_667 = arith.constant 64 : index
        %get3A_668 = tpu.vector_load %arg10[%get3A_666, %get3A_667] {strides = array<i32>} : memref<80x128xf32, #tpu.memory_space<vmem>>, vector<1x16xf32>,
        %get3A_669 = vector.shape_cast %get3A_668 : vector<1x16xf32> to vector<16xf32>
        %mul3A_670 = vector.broadcast %squeeze3A_621 : f32 to vector<16xf32>
        %mul3A_671 = arith.mulf %get3A_669, %mul3A_670 : vector<16xf32>
        %swap3A_672 = arith.index_cast %add3A_619 : i32 to index
        %swap3A_673 = arith.constant 64 : index
        %swap3A_674 = tpu.vector_load %arg10[%swap3A_672, %swap3A_673] {strides = array<i32>} : memref<80x128xf32, #tpu.memory_space<vmem>>, vector<1x16xf32>,
        %swap3A_675 = vector.shape_cast %swap3A_674 : vector<1x16xf32> to vector<16xf32>
        %swap3A_676 = vector.shape_cast %mul3A_671 : vector<16xf32> to vector<1x16xf32>
        tpu.vector_store %arg10[%swap3A_672, %swap3A_673], %swap3A_676 {strides = array<i32>} : memref<80x128xf32, #tpu.memory_space<vmem>>, vector<1x16xf32>,
        %get3A_677 = arith.index_cast %add3A_619 : i32 to index
        %get3A_678 = arith.constant 80 : index
        %get3A_679 = tpu.vector_load %arg10[%get3A_677, %get3A_678] {strides = array<i32>} : memref<80x128xf32, #tpu.memory_space<vmem>>, vector<1x16xf32>,
        %get3A_680 = vector.shape_cast %get3A_679 : vector<1x16xf32> to vector<16xf32>
        %mul3A_681 = vector.broadcast %squeeze3A_621 : f32 to vector<16xf32>
        %mul3A_682 = arith.mulf %get3A_680, %mul3A_681 : vector<16xf32>
        %swap3A_683 = arith.index_cast %add3A_619 : i32 to index
        %swap3A_684 = arith.constant 80 : index
        %swap3A_685 = tpu.vector_load %arg10[%swap3A_683, %swap3A_684] {strides = array<i32>} : memref<80x128xf32, #tpu.memory_space<vmem>>, vector<1x16xf32>,
        %swap3A_686 = vector.shape_cast %swap3A_685 : vector<1x16xf32> to vector<16xf32>
        %swap3A_687 = vector.shape_cast %mul3A_682 : vector<16xf32> to vector<1x16xf32>
        tpu.vector_store %arg10[%swap3A_683, %swap3A_684], %swap3A_687 {strides = array<i32>} : memref<80x128xf32, #tpu.memory_space<vmem>>, vector<1x16xf32>,
        %get3A_688 = arith.index_cast %add3A_619 : i32 to index
        %get3A_689 = arith.constant 96 : index
        %get3A_690 = tpu.vector_load %arg10[%get3A_688, %get3A_689] {strides = array<i32>} : memref<80x128xf32, #tpu.memory_space<vmem>>, vector<1x16xf32>,
        %get3A_691 = vector.shape_cast %get3A_690 : vector<1x16xf32> to vector<16xf32>
        %mul3A_692 = vector.broadcast %squeeze3A_621 : f32 to vector<16xf32>
        %mul3A_693 = arith.mulf %get3A_691, %mul3A_692 : vector<16xf32>
        %swap3A_694 = arith.index_cast %add3A_619 : i32 to index
        %swap3A_695 = arith.constant 96 : index
        %swap3A_696 = tpu.vector_load %arg10[%swap3A_694, %swap3A_695] {strides = array<i32>} : memref<80x128xf32, #tpu.memory_space<vmem>>, vector<1x16xf32>,
        %swap3A_697 = vector.shape_cast %swap3A_696 : vector<1x16xf32> to vector<16xf32>
        %swap3A_698 = vector.shape_cast %mul3A_693 : vector<16xf32> to vector<1x16xf32>
        tpu.vector_store %arg10[%swap3A_694, %swap3A_695], %swap3A_698 {strides = array<i32>} : memref<80x128xf32, #tpu.memory_space<vmem>>, vector<1x16xf32>,
        %get3A_699 = arith.index_cast %add3A_619 : i32 to index
        %get3A_700 = arith.constant 112 : index
        %get3A_701 = tpu.vector_load %arg10[%get3A_699, %get3A_700] {strides = array<i32>} : memref<80x128xf32, #tpu.memory_space<vmem>>, vector<1x16xf32>,
        %get3A_702 = vector.shape_cast %get3A_701 : vector<1x16xf32> to vector<16xf32>
        %mul3A_703 = vector.broadcast %squeeze3A_621 : f32 to vector<16xf32>
        %mul3A_704 = arith.mulf %get3A_702, %mul3A_703 : vector<16xf32>
        %swap3A_705 = arith.index_cast %add3A_619 : i32 to index
        %swap3A_706 = arith.constant 112 : index
        %swap3A_707 = tpu.vector_load %arg10[%swap3A_705, %swap3A_706] {strides = array<i32>} : memref<80x128xf32, #tpu.memory_space<vmem>>, vector<1x16xf32>,
        %swap3A_708 = vector.shape_cast %swap3A_707 : vector<1x16xf32> to vector<16xf32>
        %swap3A_709 = vector.shape_cast %mul3A_704 : vector<16xf32> to vector<1x16xf32>
        tpu.vector_store %arg10[%swap3A_705, %swap3A_706], %swap3A_709 {strides = array<i32>} : memref<80x128xf32, #tpu.memory_space<vmem>>, vector<1x16xf32>,
        %mul3A_710 = arith.constant 16 : i32
        %mul3A_711 = arith.muli %scan3A_50, %mul3A_710 : i32
        %add3A_712 = arith.constant 7 : i32
        %add3A_713 = arith.addi %mul3A_711, %add3A_712 : i32
        %slice3A_714 = vector.extract_strided_slice %get3A_54 {offsets = [7], sizes = [1], strides = [1]} : vector<16xf32> to vector<1xf32>
        %squeeze3A_715 = vector.extract %slice3A_714[0] : f32 from vector<1xf32>
        %get3A_716 = arith.index_cast %add3A_713 : i32 to index
        %get3A_717 = arith.constant 0 : index
        %get3A_718 = tpu.vector_load %arg10[%get3A_716, %get3A_717] {strides = array<i32>} : memref<80x128xf32, #tpu.memory_space<vmem>>, vector<1x16xf32>,
        %get3A_719 = vector.shape_cast %get3A_718 : vector<1x16xf32> to vector<16xf32>
        %mul3A_720 = vector.broadcast %squeeze3A_715 : f32 to vector<16xf32>
        %mul3A_721 = arith.mulf %get3A_719, %mul3A_720 : vector<16xf32>
        %swap3A_722 = arith.index_cast %add3A_713 : i32 to index
        %swap3A_723 = arith.constant 0 : index
        %swap3A_724 = tpu.vector_load %arg10[%swap3A_722, %swap3A_723] {strides = array<i32>} : memref<80x128xf32, #tpu.memory_space<vmem>>, vector<1x16xf32>,
        %swap3A_725 = vector.shape_cast %swap3A_724 : vector<1x16xf32> to vector<16xf32>
        %swap3A_726 = vector.shape_cast %mul3A_721 : vector<16xf32> to vector<1x16xf32>
        tpu.vector_store %arg10[%swap3A_722, %swap3A_723], %swap3A_726 {strides = array<i32>} : memref<80x128xf32, #tpu.memory_space<vmem>>, vector<1x16xf32>,
        %get3A_727 = arith.index_cast %add3A_713 : i32 to index
        %get3A_728 = arith.constant 16 : index
        %get3A_729 = tpu.vector_load %arg10[%get3A_727, %get3A_728] {strides = array<i32>} : memref<80x128xf32, #tpu.memory_space<vmem>>, vector<1x16xf32>,
        %get3A_730 = vector.shape_cast %get3A_729 : vector<1x16xf32> to vector<16xf32>
        %mul3A_731 = vector.broadcast %squeeze3A_715 : f32 to vector<16xf32>
        %mul3A_732 = arith.mulf %get3A_730, %mul3A_731 : vector<16xf32>
        %swap3A_733 = arith.index_cast %add3A_713 : i32 to index
        %swap3A_734 = arith.constant 16 : index
        %swap3A_735 = tpu.vector_load %arg10[%swap3A_733, %swap3A_734] {strides = array<i32>} : memref<80x128xf32, #tpu.memory_space<vmem>>, vector<1x16xf32>,
        %swap3A_736 = vector.shape_cast %swap3A_735 : vector<1x16xf32> to vector<16xf32>
        %swap3A_737 = vector.shape_cast %mul3A_732 : vector<16xf32> to vector<1x16xf32>
        tpu.vector_store %arg10[%swap3A_733, %swap3A_734], %swap3A_737 {strides = array<i32>} : memref<80x128xf32, #tpu.memory_space<vmem>>, vector<1x16xf32>,
        %get3A_738 = arith.index_cast %add3A_713 : i32 to index
        %get3A_739 = arith.constant 32 : index
        %get3A_740 = tpu.vector_load %arg10[%get3A_738, %get3A_739] {strides = array<i32>} : memref<80x128xf32, #tpu.memory_space<vmem>>, vector<1x16xf32>,
        %get3A_741 = vector.shape_cast %get3A_740 : vector<1x16xf32> to vector<16xf32>
        %mul3A_742 = vector.broadcast %squeeze3A_715 : f32 to vector<16xf32>
        %mul3A_743 = arith.mulf %get3A_741, %mul3A_742 : vector<16xf32>
        %swap3A_744 = arith.index_cast %add3A_713 : i32 to index
        %swap3A_745 = arith.constant 32 : index
        %swap3A_746 = tpu.vector_load %arg10[%swap3A_744, %swap3A_745] {strides = array<i32>} : memref<80x128xf32, #tpu.memory_space<vmem>>, vector<1x16xf32>,
        %swap3A_747 = vector.shape_cast %swap3A_746 : vector<1x16xf32> to vector<16xf32>
        %swap3A_748 = vector.shape_cast %mul3A_743 : vector<16xf32> to vector<1x16xf32>
        tpu.vector_store %arg10[%swap3A_744, %swap3A_745], %swap3A_748 {strides = array<i32>} : memref<80x128xf32, #tpu.memory_space<vmem>>, vector<1x16xf32>,
        %get3A_749 = arith.index_cast %add3A_713 : i32 to index
        %get3A_750 = arith.constant 48 : index
        %get3A_751 = tpu.vector_load %arg10[%get3A_749, %get3A_750] {strides = array<i32>} : memref<80x128xf32, #tpu.memory_space<vmem>>, vector<1x16xf32>,
        %get3A_752 = vector.shape_cast %get3A_751 : vector<1x16xf32> to vector<16xf32>
        %mul3A_753 = vector.broadcast %squeeze3A_715 : f32 to vector<16xf32>
        %mul3A_754 = arith.mulf %get3A_752, %mul3A_753 : vector<16xf32>
        %swap3A_755 = arith.index_cast %add3A_713 : i32 to index
        %swap3A_756 = arith.constant 48 : index
        %swap3A_757 = tpu.vector_load %arg10[%swap3A_755, %swap3A_756] {strides = array<i32>} : memref<80x128xf32, #tpu.memory_space<vmem>>, vector<1x16xf32>,
        %swap3A_758 = vector.shape_cast %swap3A_757 : vector<1x16xf32> to vector<16xf32>
        %swap3A_759 = vector.shape_cast %mul3A_754 : vector<16xf32> to vector<1x16xf32>
        tpu.vector_store %arg10[%swap3A_755, %swap3A_756], %swap3A_759 {strides = array<i32>} : memref<80x128xf32, #tpu.memory_space<vmem>>, vector<1x16xf32>,
        %get3A_760 = arith.index_cast %add3A_713 : i32 to index
        %get3A_761 = arith.constant 64 : index
        %get3A_762 = tpu.vector_load %arg10[%get3A_760, %get3A_761] {strides = array<i32>} : memref<80x128xf32, #tpu.memory_space<vmem>>, vector<1x16xf32>,
        %get3A_763 = vector.shape_cast %get3A_762 : vector<1x16xf32> to vector<16xf32>
        %mul3A_764 = vector.broadcast %squeeze3A_715 : f32 to vector<16xf32>
        %mul3A_765 = arith.mulf %get3A_763, %mul3A_764 : vector<16xf32>
        %swap3A_766 = arith.index_cast %add3A_713 : i32 to index
        %swap3A_767 = arith.constant 64 : index
        %swap3A_768 = tpu.vector_load %arg10[%swap3A_766, %swap3A_767] {strides = array<i32>} : memref<80x128xf32, #tpu.memory_space<vmem>>, vector<1x16xf32>,
        %swap3A_769 = vector.shape_cast %swap3A_768 : vector<1x16xf32> to vector<16xf32>
        %swap3A_770 = vector.shape_cast %mul3A_765 : vector<16xf32> to vector<1x16xf32>
        tpu.vector_store %arg10[%swap3A_766, %swap3A_767], %swap3A_770 {strides = array<i32>} : memref<80x128xf32, #tpu.memory_space<vmem>>, vector<1x16xf32>,
        %get3A_771 = arith.index_cast %add3A_713 : i32 to index
        %get3A_772 = arith.constant 80 : index
        %get3A_773 = tpu.vector_load %arg10[%get3A_771, %get3A_772] {strides = array<i32>} : memref<80x128xf32, #tpu.memory_space<vmem>>, vector<1x16xf32>,
        %get3A_774 = vector.shape_cast %get3A_773 : vector<1x16xf32> to vector<16xf32>
        %mul3A_775 = vector.broadcast %squeeze3A_715 : f32 to vector<16xf32>
        %mul3A_776 = arith.mulf %get3A_774, %mul3A_775 : vector<16xf32>
        %swap3A_777 = arith.index_cast %add3A_713 : i32 to index
        %swap3A_778 = arith.constant 80 : index
        %swap3A_779 = tpu.vector_load %arg10[%swap3A_777, %swap3A_778] {strides = array<i32>} : memref<80x128xf32, #tpu.memory_space<vmem>>, vector<1x16xf32>,
        %swap3A_780 = vector.shape_cast %swap3A_779 : vector<1x16xf32> to vector<16xf32>
        %swap3A_781 = vector.shape_cast %mul3A_776 : vector<16xf32> to vector<1x16xf32>
        tpu.vector_store %arg10[%swap3A_777, %swap3A_778], %swap3A_781 {strides = array<i32>} : memref<80x128xf32, #tpu.memory_space<vmem>>, vector<1x16xf32>,
        %get3A_782 = arith.index_cast %add3A_713 : i32 to index
        %get3A_783 = arith.constant 96 : index
        %get3A_784 = tpu.vector_load %arg10[%get3A_782, %get3A_783] {strides = array<i32>} : memref<80x128xf32, #tpu.memory_space<vmem>>, vector<1x16xf32>,
        %get3A_785 = vector.shape_cast %get3A_784 : vector<1x16xf32> to vector<16xf32>
        %mul3A_786 = vector.broadcast %squeeze3A_715 : f32 to vector<16xf32>
        %mul3A_787 = arith.mulf %get3A_785, %mul3A_786 : vector<16xf32>
        %swap3A_788 = arith.index_cast %add3A_713 : i32 to index
        %swap3A_789 = arith.constant 96 : index
        %swap3A_790 = tpu.vector_load %arg10[%swap3A_788, %swap3A_789] {strides = array<i32>} : memref<80x128xf32, #tpu.memory_space<vmem>>, vector<1x16xf32>,
        %swap3A_791 = vector.shape_cast %swap3A_790 : vector<1x16xf32> to vector<16xf32>
        %swap3A_792 = vector.shape_cast %mul3A_787 : vector<16xf32> to vector<1x16xf32>
        tpu.vector_store %arg10[%swap3A_788, %swap3A_789], %swap3A_792 {strides = array<i32>} : memref<80x128xf32, #tpu.memory_space<vmem>>, vector<1x16xf32>,
        %get3A_793 = arith.index_cast %add3A_713 : i32 to index
        %get3A_794 = arith.constant 112 : index
        %get3A_795 = tpu.vector_load %arg10[%get3A_793, %get3A_794] {strides = array<i32>} : memref<80x128xf32, #tpu.memory_space<vmem>>, vector<1x16xf32>,
        %get3A_796 = vector.shape_cast %get3A_795 : vector<1x16xf32> to vector<16xf32>
        %mul3A_797 = vector.broadcast %squeeze3A_715 : f32 to vector<16xf32>
        %mul3A_798 = arith.mulf %get3A_796, %mul3A_797 : vector<16xf32>
        %swap3A_799 = arith.index_cast %add3A_713 : i32 to index
        %swap3A_800 = arith.constant 112 : index
        %swap3A_801 = tpu.vector_load %arg10[%swap3A_799, %swap3A_800] {strides = array<i32>} : memref<80x128xf32, #tpu.memory_space<vmem>>, vector<1x16xf32>,
        %swap3A_802 = vector.shape_cast %swap3A_801 : vector<1x16xf32> to vector<16xf32>
        %swap3A_803 = vector.shape_cast %mul3A_798 : vector<16xf32> to vector<1x16xf32>
        tpu.vector_store %arg10[%swap3A_799, %swap3A_800], %swap3A_803 {strides = array<i32>} : memref<80x128xf32, #tpu.memory_space<vmem>>, vector<1x16xf32>,
        %mul3A_804 = arith.constant 16 : i32
        %mul3A_805 = arith.muli %scan3A_50, %mul3A_804 : i32
        %add3A_806 = arith.constant 8 : i32
        %add3A_807 = arith.addi %mul3A_805, %add3A_806 : i32
        %slice3A_808 = vector.extract_strided_slice %get3A_54 {offsets = [8], sizes = [1], strides = [1]} : vector<16xf32> to vector<1xf32>
        %squeeze3A_809 = vector.extract %slice3A_808[0] : f32 from vector<1xf32>
        %get3A_810 = arith.index_cast %add3A_807 : i32 to index
        %get3A_811 = arith.constant 0 : index
        %get3A_812 = tpu.vector_load %arg10[%get3A_810, %get3A_811] {strides = array<i32>} : memref<80x128xf32, #tpu.memory_space<vmem>>, vector<1x16xf32>,
        %get3A_813 = vector.shape_cast %get3A_812 : vector<1x16xf32> to vector<16xf32>
        %mul3A_814 = vector.broadcast %squeeze3A_809 : f32 to vector<16xf32>
        %mul3A_815 = arith.mulf %get3A_813, %mul3A_814 : vector<16xf32>
        %swap3A_816 = arith.index_cast %add3A_807 : i32 to index
        %swap3A_817 = arith.constant 0 : index
        %swap3A_818 = tpu.vector_load %arg10[%swap3A_816, %swap3A_817] {strides = array<i32>} : memref<80x128xf32, #tpu.memory_space<vmem>>, vector<1x16xf32>,
        %swap3A_819 = vector.shape_cast %swap3A_818 : vector<1x16xf32> to vector<16xf32>
        %swap3A_820 = vector.shape_cast %mul3A_815 : vector<16xf32> to vector<1x16xf32>
        tpu.vector_store %arg10[%swap3A_816, %swap3A_817], %swap3A_820 {strides = array<i32>} : memref<80x128xf32, #tpu.memory_space<vmem>>, vector<1x16xf32>,
        %get3A_821 = arith.index_cast %add3A_807 : i32 to index
        %get3A_822 = arith.constant 16 : index
        %get3A_823 = tpu.vector_load %arg10[%get3A_821, %get3A_822] {strides = array<i32>} : memref<80x128xf32, #tpu.memory_space<vmem>>, vector<1x16xf32>,
        %get3A_824 = vector.shape_cast %get3A_823 : vector<1x16xf32> to vector<16xf32>
        %mul3A_825 = vector.broadcast %squeeze3A_809 : f32 to vector<16xf32>
        %mul3A_826 = arith.mulf %get3A_824, %mul3A_825 : vector<16xf32>
        %swap3A_827 = arith.index_cast %add3A_807 : i32 to index
        %swap3A_828 = arith.constant 16 : index
        %swap3A_829 = tpu.vector_load %arg10[%swap3A_827, %swap3A_828] {strides = array<i32>} : memref<80x128xf32, #tpu.memory_space<vmem>>, vector<1x16xf32>,
        %swap3A_830 = vector.shape_cast %swap3A_829 : vector<1x16xf32> to vector<16xf32>
        %swap3A_831 = vector.shape_cast %mul3A_826 : vector<16xf32> to vector<1x16xf32>
        tpu.vector_store %arg10[%swap3A_827, %swap3A_828], %swap3A_831 {strides = array<i32>} : memref<80x128xf32, #tpu.memory_space<vmem>>, vector<1x16xf32>,
        %get3A_832 = arith.index_cast %add3A_807 : i32 to index
        %get3A_833 = arith.constant 32 : index
        %get3A_834 = tpu.vector_load %arg10[%get3A_832, %get3A_833] {strides = array<i32>} : memref<80x128xf32, #tpu.memory_space<vmem>>, vector<1x16xf32>,
        %get3A_835 = vector.shape_cast %get3A_834 : vector<1x16xf32> to vector<16xf32>
        %mul3A_836 = vector.broadcast %squeeze3A_809 : f32 to vector<16xf32>
        %mul3A_837 = arith.mulf %get3A_835, %mul3A_836 : vector<16xf32>
        %swap3A_838 = arith.index_cast %add3A_807 : i32 to index
        %swap3A_839 = arith.constant 32 : index
        %swap3A_840 = tpu.vector_load %arg10[%swap3A_838, %swap3A_839] {strides = array<i32>} : memref<80x128xf32, #tpu.memory_space<vmem>>, vector<1x16xf32>,
        %swap3A_841 = vector.shape_cast %swap3A_840 : vector<1x16xf32> to vector<16xf32>
        %swap3A_842 = vector.shape_cast %mul3A_837 : vector<16xf32> to vector<1x16xf32>
        tpu.vector_store %arg10[%swap3A_838, %swap3A_839], %swap3A_842 {strides = array<i32>} : memref<80x128xf32, #tpu.memory_space<vmem>>, vector<1x16xf32>,
        %get3A_843 = arith.index_cast %add3A_807 : i32 to index
        %get3A_844 = arith.constant 48 : index
        %get3A_845 = tpu.vector_load %arg10[%get3A_843, %get3A_844] {strides = array<i32>} : memref<80x128xf32, #tpu.memory_space<vmem>>, vector<1x16xf32>,
        %get3A_846 = vector.shape_cast %get3A_845 : vector<1x16xf32> to vector<16xf32>
        %mul3A_847 = vector.broadcast %squeeze3A_809 : f32 to vector<16xf32>
        %mul3A_848 = arith.mulf %get3A_846, %mul3A_847 : vector<16xf32>
        %swap3A_849 = arith.index_cast %add3A_807 : i32 to index
        %swap3A_850 = arith.constant 48 : index
        %swap3A_851 = tpu.vector_load %arg10[%swap3A_849, %swap3A_850] {strides = array<i32>} : memref<80x128xf32, #tpu.memory_space<vmem>>, vector<1x16xf32>,
        %swap3A_852 = vector.shape_cast %swap3A_851 : vector<1x16xf32> to vector<16xf32>
        %swap3A_853 = vector.shape_cast %mul3A_848 : vector<16xf32> to vector<1x16xf32>
        tpu.vector_store %arg10[%swap3A_849, %swap3A_850], %swap3A_853 {strides = array<i32>} : memref<80x128xf32, #tpu.memory_space<vmem>>, vector<1x16xf32>,
        %get3A_854 = arith.index_cast %add3A_807 : i32 to index
        %get3A_855 = arith.constant 64 : index
        %get3A_856 = tpu.vector_load %arg10[%get3A_854, %get3A_855] {strides = array<i32>} : memref<80x128xf32, #tpu.memory_space<vmem>>, vector<1x16xf32>,
        %get3A_857 = vector.shape_cast %get3A_856 : vector<1x16xf32> to vector<16xf32>
        %mul3A_858 = vector.broadcast %squeeze3A_809 : f32 to vector<16xf32>
        %mul3A_859 = arith.mulf %get3A_857, %mul3A_858 : vector<16xf32>
        %swap3A_860 = arith.index_cast %add3A_807 : i32 to index
        %swap3A_861 = arith.constant 64 : index
        %swap3A_862 = tpu.vector_load %arg10[%swap3A_860, %swap3A_861] {strides = array<i32>} : memref<80x128xf32, #tpu.memory_space<vmem>>, vector<1x16xf32>,
        %swap3A_863 = vector.shape_cast %swap3A_862 : vector<1x16xf32> to vector<16xf32>
        %swap3A_864 = vector.shape_cast %mul3A_859 : vector<16xf32> to vector<1x16xf32>
        tpu.vector_store %arg10[%swap3A_860, %swap3A_861], %swap3A_864 {strides = array<i32>} : memref<80x128xf32, #tpu.memory_space<vmem>>, vector<1x16xf32>,
        %get3A_865 = arith.index_cast %add3A_807 : i32 to index
        %get3A_866 = arith.constant 80 : index
        %get3A_867 = tpu.vector_load %arg10[%get3A_865, %get3A_866] {strides = array<i32>} : memref<80x128xf32, #tpu.memory_space<vmem>>, vector<1x16xf32>,
        %get3A_868 = vector.shape_cast %get3A_867 : vector<1x16xf32> to vector<16xf32>
        %mul3A_869 = vector.broadcast %squeeze3A_809 : f32 to vector<16xf32>
        %mul3A_870 = arith.mulf %get3A_868, %mul3A_869 : vector<16xf32>
        %swap3A_871 = arith.index_cast %add3A_807 : i32 to index
        %swap3A_872 = arith.constant 80 : index
        %swap3A_873 = tpu.vector_load %arg10[%swap3A_871, %swap3A_872] {strides = array<i32>} : memref<80x128xf32, #tpu.memory_space<vmem>>, vector<1x16xf32>,
        %swap3A_874 = vector.shape_cast %swap3A_873 : vector<1x16xf32> to vector<16xf32>
        %swap3A_875 = vector.shape_cast %mul3A_870 : vector<16xf32> to vector<1x16xf32>
        tpu.vector_store %arg10[%swap3A_871, %swap3A_872], %swap3A_875 {strides = array<i32>} : memref<80x128xf32, #tpu.memory_space<vmem>>, vector<1x16xf32>,
        %get3A_876 = arith.index_cast %add3A_807 : i32 to index
        %get3A_877 = arith.constant 96 : index
        %get3A_878 = tpu.vector_load %arg10[%get3A_876, %get3A_877] {strides = array<i32>} : memref<80x128xf32, #tpu.memory_space<vmem>>, vector<1x16xf32>,
        %get3A_879 = vector.shape_cast %get3A_878 : vector<1x16xf32> to vector<16xf32>
        %mul3A_880 = vector.broadcast %squeeze3A_809 : f32 to vector<16xf32>
        %mul3A_881 = arith.mulf %get3A_879, %mul3A_880 : vector<16xf32>
        %swap3A_882 = arith.index_cast %add3A_807 : i32 to index
        %swap3A_883 = arith.constant 96 : index
        %swap3A_884 = tpu.vector_load %arg10[%swap3A_882, %swap3A_883] {strides = array<i32>} : memref<80x128xf32, #tpu.memory_space<vmem>>, vector<1x16xf32>,
        %swap3A_885 = vector.shape_cast %swap3A_884 : vector<1x16xf32> to vector<16xf32>
        %swap3A_886 = vector.shape_cast %mul3A_881 : vector<16xf32> to vector<1x16xf32>
        tpu.vector_store %arg10[%swap3A_882, %swap3A_883], %swap3A_886 {strides = array<i32>} : memref<80x128xf32, #tpu.memory_space<vmem>>, vector<1x16xf32>,
        %get3A_887 = arith.index_cast %add3A_807 : i32 to index
        %get3A_888 = arith.constant 112 : index
        %get3A_889 = tpu.vector_load %arg10[%get3A_887, %get3A_888] {strides = array<i32>} : memref<80x128xf32, #tpu.memory_space<vmem>>, vector<1x16xf32>,
        %get3A_890 = vector.shape_cast %get3A_889 : vector<1x16xf32> to vector<16xf32>
        %mul3A_891 = vector.broadcast %squeeze3A_809 : f32 to vector<16xf32>
        %mul3A_892 = arith.mulf %get3A_890, %mul3A_891 : vector<16xf32>
        %swap3A_893 = arith.index_cast %add3A_807 : i32 to index
        %swap3A_894 = arith.constant 112 : index
        %swap3A_895 = tpu.vector_load %arg10[%swap3A_893, %swap3A_894] {strides = array<i32>} : memref<80x128xf32, #tpu.memory_space<vmem>>, vector<1x16xf32>,
        %swap3A_896 = vector.shape_cast %swap3A_895 : vector<1x16xf32> to vector<16xf32>
        %swap3A_897 = vector.shape_cast %mul3A_892 : vector<16xf32> to vector<1x16xf32>
        tpu.vector_store %arg10[%swap3A_893, %swap3A_894], %swap3A_897 {strides = array<i32>} : memref<80x128xf32, #tpu.memory_space<vmem>>, vector<1x16xf32>,
        %mul3A_898 = arith.constant 16 : i32
        %mul3A_899 = arith.muli %scan3A_50, %mul3A_898 : i32
        %add3A_900 = arith.constant 9 : i32
        %add3A_901 = arith.addi %mul3A_899, %add3A_900 : i32
        %slice3A_902 = vector.extract_strided_slice %get3A_54 {offsets = [9], sizes = [1], strides = [1]} : vector<16xf32> to vector<1xf32>
        %squeeze3A_903 = vector.extract %slice3A_902[0] : f32 from vector<1xf32>
        %get3A_904 = arith.index_cast %add3A_901 : i32 to index
        %get3A_905 = arith.constant 0 : index
        %get3A_906 = tpu.vector_load %arg10[%get3A_904, %get3A_905] {strides = array<i32>} : memref<80x128xf32, #tpu.memory_space<vmem>>, vector<1x16xf32>,
        %get3A_907 = vector.shape_cast %get3A_906 : vector<1x16xf32> to vector<16xf32>
        %mul3A_908 = vector.broadcast %squeeze3A_903 : f32 to vector<16xf32>
        %mul3A_909 = arith.mulf %get3A_907, %mul3A_908 : vector<16xf32>
        %swap3A_910 = arith.index_cast %add3A_901 : i32 to index
        %swap3A_911 = arith.constant 0 : index
        %swap3A_912 = tpu.vector_load %arg10[%swap3A_910, %swap3A_911] {strides = array<i32>} : memref<80x128xf32, #tpu.memory_space<vmem>>, vector<1x16xf32>,
        %swap3A_913 = vector.shape_cast %swap3A_912 : vector<1x16xf32> to vector<16xf32>
        %swap3A_914 = vector.shape_cast %mul3A_909 : vector<16xf32> to vector<1x16xf32>
        tpu.vector_store %arg10[%swap3A_910, %swap3A_911], %swap3A_914 {strides = array<i32>} : memref<80x128xf32, #tpu.memory_space<vmem>>, vector<1x16xf32>,
        %get3A_915 = arith.index_cast %add3A_901 : i32 to index
        %get3A_916 = arith.constant 16 : index
        %get3A_917 = tpu.vector_load %arg10[%get3A_915, %get3A_916] {strides = array<i32>} : memref<80x128xf32, #tpu.memory_space<vmem>>, vector<1x16xf32>,
        %get3A_918 = vector.shape_cast %get3A_917 : vector<1x16xf32> to vector<16xf32>
        %mul3A_919 = vector.broadcast %squeeze3A_903 : f32 to vector<16xf32>
        %mul3A_920 = arith.mulf %get3A_918, %mul3A_919 : vector<16xf32>
        %swap3A_921 = arith.index_cast %add3A_901 : i32 to index
        %swap3A_922 = arith.constant 16 : index
        %swap3A_923 = tpu.vector_load %arg10[%swap3A_921, %swap3A_922] {strides = array<i32>} : memref<80x128xf32, #tpu.memory_space<vmem>>, vector<1x16xf32>,
        %swap3A_924 = vector.shape_cast %swap3A_923 : vector<1x16xf32> to vector<16xf32>
        %swap3A_925 = vector.shape_cast %mul3A_920 : vector<16xf32> to vector<1x16xf32>
        tpu.vector_store %arg10[%swap3A_921, %swap3A_922], %swap3A_925 {strides = array<i32>} : memref<80x128xf32, #tpu.memory_space<vmem>>, vector<1x16xf32>,
        %get3A_926 = arith.index_cast %add3A_901 : i32 to index
        %get3A_927 = arith.constant 32 : index
        %get3A_928 = tpu.vector_load %arg10[%get3A_926, %get3A_927] {strides = array<i32>} : memref<80x128xf32, #tpu.memory_space<vmem>>, vector<1x16xf32>,
        %get3A_929 = vector.shape_cast %get3A_928 : vector<1x16xf32> to vector<16xf32>
        %mul3A_930 = vector.broadcast %squeeze3A_903 : f32 to vector<16xf32>
        %mul3A_931 = arith.mulf %get3A_929, %mul3A_930 : vector<16xf32>
        %swap3A_932 = arith.index_cast %add3A_901 : i32 to index
        %swap3A_933 = arith.constant 32 : index
        %swap3A_934 = tpu.vector_load %arg10[%swap3A_932, %swap3A_933] {strides = array<i32>} : memref<80x128xf32, #tpu.memory_space<vmem>>, vector<1x16xf32>,
        %swap3A_935 = vector.shape_cast %swap3A_934 : vector<1x16xf32> to vector<16xf32>
        %swap3A_936 = vector.shape_cast %mul3A_931 : vector<16xf32> to vector<1x16xf32>
        tpu.vector_store %arg10[%swap3A_932, %swap3A_933], %swap3A_936 {strides = array<i32>} : memref<80x128xf32, #tpu.memory_space<vmem>>, vector<1x16xf32>,
        %get3A_937 = arith.index_cast %add3A_901 : i32 to index
        %get3A_938 = arith.constant 48 : index
        %get3A_939 = tpu.vector_load %arg10[%get3A_937, %get3A_938] {strides = array<i32>} : memref<80x128xf32, #tpu.memory_space<vmem>>, vector<1x16xf32>,
        %get3A_940 = vector.shape_cast %get3A_939 : vector<1x16xf32> to vector<16xf32>
        %mul3A_941 = vector.broadcast %squeeze3A_903 : f32 to vector<16xf32>
        %mul3A_942 = arith.mulf %get3A_940, %mul3A_941 : vector<16xf32>
        %swap3A_943 = arith.index_cast %add3A_901 : i32 to index
        %swap3A_944 = arith.constant 48 : index
        %swap3A_945 = tpu.vector_load %arg10[%swap3A_943, %swap3A_944] {strides = array<i32>} : memref<80x128xf32, #tpu.memory_space<vmem>>, vector<1x16xf32>,
        %swap3A_946 = vector.shape_cast %swap3A_945 : vector<1x16xf32> to vector<16xf32>
        %swap3A_947 = vector.shape_cast %mul3A_942 : vector<16xf32> to vector<1x16xf32>
        tpu.vector_store %arg10[%swap3A_943, %swap3A_944], %swap3A_947 {strides = array<i32>} : memref<80x128xf32, #tpu.memory_space<vmem>>, vector<1x16xf32>,
        %get3A_948 = arith.index_cast %add3A_901 : i32 to index
        %get3A_949 = arith.constant 64 : index
        %get3A_950 = tpu.vector_load %arg10[%get3A_948, %get3A_949] {strides = array<i32>} : memref<80x128xf32, #tpu.memory_space<vmem>>, vector<1x16xf32>,
        %get3A_951 = vector.shape_cast %get3A_950 : vector<1x16xf32> to vector<16xf32>
        %mul3A_952 = vector.broadcast %squeeze3A_903 : f32 to vector<16xf32>
        %mul3A_953 = arith.mulf %get3A_951, %mul3A_952 : vector<16xf32>
        %swap3A_954 = arith.index_cast %add3A_901 : i32 to index
        %swap3A_955 = arith.constant 64 : index
        %swap3A_956 = tpu.vector_load %arg10[%swap3A_954, %swap3A_955] {strides = array<i32>} : memref<80x128xf32, #tpu.memory_space<vmem>>, vector<1x16xf32>,
        %swap3A_957 = vector.shape_cast %swap3A_956 : vector<1x16xf32> to vector<16xf32>
        %swap3A_958 = vector.shape_cast %mul3A_953 : vector<16xf32> to vector<1x16xf32>
        tpu.vector_store %arg10[%swap3A_954, %swap3A_955], %swap3A_958 {strides = array<i32>} : memref<80x128xf32, #tpu.memory_space<vmem>>, vector<1x16xf32>,
        %get3A_959 = arith.index_cast %add3A_901 : i32 to index
        %get3A_960 = arith.constant 80 : index
        %get3A_961 = tpu.vector_load %arg10[%get3A_959, %get3A_960] {strides = array<i32>} : memref<80x128xf32, #tpu.memory_space<vmem>>, vector<1x16xf32>,
        %get3A_962 = vector.shape_cast %get3A_961 : vector<1x16xf32> to vector<16xf32>
        %mul3A_963 = vector.broadcast %squeeze3A_903 : f32 to vector<16xf32>
        %mul3A_964 = arith.mulf %get3A_962, %mul3A_963 : vector<16xf32>
        %swap3A_965 = arith.index_cast %add3A_901 : i32 to index
        %swap3A_966 = arith.constant 80 : index
        %swap3A_967 = tpu.vector_load %arg10[%swap3A_965, %swap3A_966] {strides = array<i32>} : memref<80x128xf32, #tpu.memory_space<vmem>>, vector<1x16xf32>,
        %swap3A_968 = vector.shape_cast %swap3A_967 : vector<1x16xf32> to vector<16xf32>
        %swap3A_969 = vector.shape_cast %mul3A_964 : vector<16xf32> to vector<1x16xf32>
        tpu.vector_store %arg10[%swap3A_965, %swap3A_966], %swap3A_969 {strides = array<i32>} : memref<80x128xf32, #tpu.memory_space<vmem>>, vector<1x16xf32>,
        %get3A_970 = arith.index_cast %add3A_901 : i32 to index
        %get3A_971 = arith.constant 96 : index
        %get3A_972 = tpu.vector_load %arg10[%get3A_970, %get3A_971] {strides = array<i32>} : memref<80x128xf32, #tpu.memory_space<vmem>>, vector<1x16xf32>,
        %get3A_973 = vector.shape_cast %get3A_972 : vector<1x16xf32> to vector<16xf32>
        %mul3A_974 = vector.broadcast %squeeze3A_903 : f32 to vector<16xf32>
        %mul3A_975 = arith.mulf %get3A_973, %mul3A_974 : vector<16xf32>
        %swap3A_976 = arith.index_cast %add3A_901 : i32 to index
        %swap3A_977 = arith.constant 96 : index
        %swap3A_978 = tpu.vector_load %arg10[%swap3A_976, %swap3A_977] {strides = array<i32>} : memref<80x128xf32, #tpu.memory_space<vmem>>, vector<1x16xf32>,
        %swap3A_979 = vector.shape_cast %swap3A_978 : vector<1x16xf32> to vector<16xf32>
        %swap3A_980 = vector.shape_cast %mul3A_975 : vector<16xf32> to vector<1x16xf32>
        tpu.vector_store %arg10[%swap3A_976, %swap3A_977], %swap3A_980 {strides = array<i32>} : memref<80x128xf32, #tpu.memory_space<vmem>>, vector<1x16xf32>,
        %get3A_981 = arith.index_cast %add3A_901 : i32 to index
        %get3A_982 = arith.constant 112 : index
        %get3A_983 = tpu.vector_load %arg10[%get3A_981, %get3A_982] {strides = array<i32>} : memref<80x128xf32, #tpu.memory_space<vmem>>, vector<1x16xf32>,
        %get3A_984 = vector.shape_cast %get3A_983 : vector<1x16xf32> to vector<16xf32>
        %mul3A_985 = vector.broadcast %squeeze3A_903 : f32 to vector<16xf32>
        %mul3A_986 = arith.mulf %get3A_984, %mul3A_985 : vector<16xf32>
        %swap3A_987 = arith.index_cast %add3A_901 : i32 to index
        %swap3A_988 = arith.constant 112 : index
        %swap3A_989 = tpu.vector_load %arg10[%swap3A_987, %swap3A_988] {strides = array<i32>} : memref<80x128xf32, #tpu.memory_space<vmem>>, vector<1x16xf32>,
        %swap3A_990 = vector.shape_cast %swap3A_989 : vector<1x16xf32> to vector<16xf32>
        %swap3A_991 = vector.shape_cast %mul3A_986 : vector<16xf32> to vector<1x16xf32>
        tpu.vector_store %arg10[%swap3A_987, %swap3A_988], %swap3A_991 {strides = array<i32>} : memref<80x128xf32, #tpu.memory_space<vmem>>, vector<1x16xf32>,
        %mul3A_992 = arith.constant 16 : i32
        %mul3A_993 = arith.muli %scan3A_50, %mul3A_992 : i32
        %add3A_994 = arith.constant 10 : i32
        %add3A_995 = arith.addi %mul3A_993, %add3A_994 : i32
        %slice3A_996 = vector.extract_strided_slice %get3A_54 {offsets = [10], sizes = [1], strides = [1]} : vector<16xf32> to vector<1xf32>
        %squeeze3A_997 = vector.extract %slice3A_996[0] : f32 from vector<1xf32>
        %get3A_998 = arith.index_cast %add3A_995 : i32 to index
        %get3A_999 = arith.constant 0 : index
        %get3A_1000 = tpu.vector_load %arg10[%get3A_998, %get3A_999] {strides = array<i32>} : memref<80x128xf32, #tpu.memory_space<vmem>>, vector<1x16xf32>,
        %get3A_1001 = vector.shape_cast %get3A_1000 : vector<1x16xf32> to vector<16xf32>
        %mul3A_1002 = vector.broadcast %squeeze3A_997 : f32 to vector<16xf32>
        %mul3A_1003 = arith.mulf %get3A_1001, %mul3A_1002 : vector<16xf32>
        %swap3A_1004 = arith.index_cast %add3A_995 : i32 to index
        %swap3A_1005 = arith.constant 0 : index
        %swap3A_1006 = tpu.vector_load %arg10[%swap3A_1004, %swap3A_1005] {strides = array<i32>} : memref<80x128xf32, #tpu.memory_space<vmem>>, vector<1x16xf32>,
        %swap3A_1007 = vector.shape_cast %swap3A_1006 : vector<1x16xf32> to vector<16xf32>
        %swap3A_1008 = vector.shape_cast %mul3A_1003 : vector<16xf32> to vector<1x16xf32>
        tpu.vector_store %arg10[%swap3A_1004, %swap3A_1005], %swap3A_1008 {strides = array<i32>} : memref<80x128xf32, #tpu.memory_space<vmem>>, vector<1x16xf32>,
        %get3A_1009 = arith.index_cast %add3A_995 : i32 to index
        %get3A_1010 = arith.constant 16 : index
        %get3A_1011 = tpu.vector_load %arg10[%get3A_1009, %get3A_1010] {strides = array<i32>} : memref<80x128xf32, #tpu.memory_space<vmem>>, vector<1x16xf32>,
        %get3A_1012 = vector.shape_cast %get3A_1011 : vector<1x16xf32> to vector<16xf32>
        %mul3A_1013 = vector.broadcast %squeeze3A_997 : f32 to vector<16xf32>
        %mul3A_1014 = arith.mulf %get3A_1012, %mul3A_1013 : vector<16xf32>
        %swap3A_1015 = arith.index_cast %add3A_995 : i32 to index
        %swap3A_1016 = arith.constant 16 : index
        %swap3A_1017 = tpu.vector_load %arg10[%swap3A_1015, %swap3A_1016] {strides = array<i32>} : memref<80x128xf32, #tpu.memory_space<vmem>>, vector<1x16xf32>,
        %swap3A_1018 = vector.shape_cast %swap3A_1017 : vector<1x16xf32> to vector<16xf32>
        %swap3A_1019 = vector.shape_cast %mul3A_1014 : vector<16xf32> to vector<1x16xf32>
        tpu.vector_store %arg10[%swap3A_1015, %swap3A_1016], %swap3A_1019 {strides = array<i32>} : memref<80x128xf32, #tpu.memory_space<vmem>>, vector<1x16xf32>,
        %get3A_1020 = arith.index_cast %add3A_995 : i32 to index
        %get3A_1021 = arith.constant 32 : index
        %get3A_1022 = tpu.vector_load %arg10[%get3A_1020, %get3A_1021] {strides = array<i32>} : memref<80x128xf32, #tpu.memory_space<vmem>>, vector<1x16xf32>,
        %get3A_1023 = vector.shape_cast %get3A_1022 : vector<1x16xf32> to vector<16xf32>
        %mul3A_1024 = vector.broadcast %squeeze3A_997 : f32 to vector<16xf32>
        %mul3A_1025 = arith.mulf %get3A_1023, %mul3A_1024 : vector<16xf32>
        %swap3A_1026 = arith.index_cast %add3A_995 : i32 to index
        %swap3A_1027 = arith.constant 32 : index
        %swap3A_1028 = tpu.vector_load %arg10[%swap3A_1026, %swap3A_1027] {strides = array<i32>} : memref<80x128xf32, #tpu.memory_space<vmem>>, vector<1x16xf32>,
        %swap3A_1029 = vector.shape_cast %swap3A_1028 : vector<1x16xf32> to vector<16xf32>
        %swap3A_1030 = vector.shape_cast %mul3A_1025 : vector<16xf32> to vector<1x16xf32>
        tpu.vector_store %arg10[%swap3A_1026, %swap3A_1027], %swap3A_1030 {strides = array<i32>} : memref<80x128xf32, #tpu.memory_space<vmem>>, vector<1x16xf32>,
        %get3A_1031 = arith.index_cast %add3A_995 : i32 to index
        %get3A_1032 = arith.constant 48 : index
        %get3A_1033 = tpu.vector_load %arg10[%get3A_1031, %get3A_1032] {strides = array<i32>} : memref<80x128xf32, #tpu.memory_space<vmem>>, vector<1x16xf32>,
        %get3A_1034 = vector.shape_cast %get3A_1033 : vector<1x16xf32> to vector<16xf32>
        %mul3A_1035 = vector.broadcast %squeeze3A_997 : f32 to vector<16xf32>
        %mul3A_1036 = arith.mulf %get3A_1034, %mul3A_1035 : vector<16xf32>
        %swap3A_1037 = arith.index_cast %add3A_995 : i32 to index
        %swap3A_1038 = arith.constant 48 : index
        %swap3A_1039 = tpu.vector_load %arg10[%swap3A_1037, %swap3A_1038] {strides = array<i32>} : memref<80x128xf32, #tpu.memory_space<vmem>>, vector<1x16xf32>,
        %swap3A_1040 = vector.shape_cast %swap3A_1039 : vector<1x16xf32> to vector<16xf32>
        %swap3A_1041 = vector.shape_cast %mul3A_1036 : vector<16xf32> to vector<1x16xf32>
        tpu.vector_store %arg10[%swap3A_1037, %swap3A_1038], %swap3A_1041 {strides = array<i32>} : memref<80x128xf32, #tpu.memory_space<vmem>>, vector<1x16xf32>,
        %get3A_1042 = arith.index_cast %add3A_995 : i32 to index
        %get3A_1043 = arith.constant 64 : index
        %get3A_1044 = tpu.vector_load %arg10[%get3A_1042, %get3A_1043] {strides = array<i32>} : memref<80x128xf32, #tpu.memory_space<vmem>>, vector<1x16xf32>,
        %get3A_1045 = vector.shape_cast %get3A_1044 : vector<1x16xf32> to vector<16xf32>
        %mul3A_1046 = vector.broadcast %squeeze3A_997 : f32 to vector<16xf32>
        %mul3A_1047 = arith.mulf %get3A_1045, %mul3A_1046 : vector<16xf32>
        %swap3A_1048 = arith.index_cast %add3A_995 : i32 to index
        %swap3A_1049 = arith.constant 64 : index
        %swap3A_1050 = tpu.vector_load %arg10[%swap3A_1048, %swap3A_1049] {strides = array<i32>} : memref<80x128xf32, #tpu.memory_space<vmem>>, vector<1x16xf32>,
        %swap3A_1051 = vector.shape_cast %swap3A_1050 : vector<1x16xf32> to vector<16xf32>
        %swap3A_1052 = vector.shape_cast %mul3A_1047 : vector<16xf32> to vector<1x16xf32>
        tpu.vector_store %arg10[%swap3A_1048, %swap3A_1049], %swap3A_1052 {strides = array<i32>} : memref<80x128xf32, #tpu.memory_space<vmem>>, vector<1x16xf32>,
        %get3A_1053 = arith.index_cast %add3A_995 : i32 to index
        %get3A_1054 = arith.constant 80 : index
        %get3A_1055 = tpu.vector_load %arg10[%get3A_1053, %get3A_1054] {strides = array<i32>} : memref<80x128xf32, #tpu.memory_space<vmem>>, vector<1x16xf32>,
        %get3A_1056 = vector.shape_cast %get3A_1055 : vector<1x16xf32> to vector<16xf32>
        %mul3A_1057 = vector.broadcast %squeeze3A_997 : f32 to vector<16xf32>
        %mul3A_1058 = arith.mulf %get3A_1056, %mul3A_1057 : vector<16xf32>
        %swap3A_1059 = arith.index_cast %add3A_995 : i32 to index
        %swap3A_1060 = arith.constant 80 : index
        %swap3A_1061 = tpu.vector_load %arg10[%swap3A_1059, %swap3A_1060] {strides = array<i32>} : memref<80x128xf32, #tpu.memory_space<vmem>>, vector<1x16xf32>,
        %swap3A_1062 = vector.shape_cast %swap3A_1061 : vector<1x16xf32> to vector<16xf32>
        %swap3A_1063 = vector.shape_cast %mul3A_1058 : vector<16xf32> to vector<1x16xf32>
        tpu.vector_store %arg10[%swap3A_1059, %swap3A_1060], %swap3A_1063 {strides = array<i32>} : memref<80x128xf32, #tpu.memory_space<vmem>>, vector<1x16xf32>,
        %get3A_1064 = arith.index_cast %add3A_995 : i32 to index
        %get3A_1065 = arith.constant 96 : index
        %get3A_1066 = tpu.vector_load %arg10[%get3A_1064, %get3A_1065] {strides = array<i32>} : memref<80x128xf32, #tpu.memory_space<vmem>>, vector<1x16xf32>,
        %get3A_1067 = vector.shape_cast %get3A_1066 : vector<1x16xf32> to vector<16xf32>
        %mul3A_1068 = vector.broadcast %squeeze3A_997 : f32 to vector<16xf32>
        %mul3A_1069 = arith.mulf %get3A_1067, %mul3A_1068 : vector<16xf32>
        %swap3A_1070 = arith.index_cast %add3A_995 : i32 to index
        %swap3A_1071 = arith.constant 96 : index
        %swap3A_1072 = tpu.vector_load %arg10[%swap3A_1070, %swap3A_1071] {strides = array<i32>} : memref<80x128xf32, #tpu.memory_space<vmem>>, vector<1x16xf32>,
        %swap3A_1073 = vector.shape_cast %swap3A_1072 : vector<1x16xf32> to vector<16xf32>
        %swap3A_1074 = vector.shape_cast %mul3A_1069 : vector<16xf32> to vector<1x16xf32>
        tpu.vector_store %arg10[%swap3A_1070, %swap3A_1071], %swap3A_1074 {strides = array<i32>} : memref<80x128xf32, #tpu.memory_space<vmem>>, vector<1x16xf32>,
        %get3A_1075 = arith.index_cast %add3A_995 : i32 to index
        %get3A_1076 = arith.constant 112 : index
        %get3A_1077 = tpu.vector_load %arg10[%get3A_1075, %get3A_1076] {strides = array<i32>} : memref<80x128xf32, #tpu.memory_space<vmem>>, vector<1x16xf32>,
        %get3A_1078 = vector.shape_cast %get3A_1077 : vector<1x16xf32> to vector<16xf32>
        %mul3A_1079 = vector.broadcast %squeeze3A_997 : f32 to vector<16xf32>
        %mul3A_1080 = arith.mulf %get3A_1078, %mul3A_1079 : vector<16xf32>
        %swap3A_1081 = arith.index_cast %add3A_995 : i32 to index
        %swap3A_1082 = arith.constant 112 : index
        %swap3A_1083 = tpu.vector_load %arg10[%swap3A_1081, %swap3A_1082] {strides = array<i32>} : memref<80x128xf32, #tpu.memory_space<vmem>>, vector<1x16xf32>,
        %swap3A_1084 = vector.shape_cast %swap3A_1083 : vector<1x16xf32> to vector<16xf32>
        %swap3A_1085 = vector.shape_cast %mul3A_1080 : vector<16xf32> to vector<1x16xf32>
        tpu.vector_store %arg10[%swap3A_1081, %swap3A_1082], %swap3A_1085 {strides = array<i32>} : memref<80x128xf32, #tpu.memory_space<vmem>>, vector<1x16xf32>,
        %mul3A_1086 = arith.constant 16 : i32
        %mul3A_1087 = arith.muli %scan3A_50, %mul3A_1086 : i32
        %add3A_1088 = arith.constant 11 : i32
        %add3A_1089 = arith.addi %mul3A_1087, %add3A_1088 : i32
        %slice3A_1090 = vector.extract_strided_slice %get3A_54 {offsets = [11], sizes = [1], strides = [1]} : vector<16xf32> to vector<1xf32>
        %squeeze3A_1091 = vector.extract %slice3A_1090[0] : f32 from vector<1xf32>
        %get3A_1092 = arith.index_cast %add3A_1089 : i32 to index
        %get3A_1093 = arith.constant 0 : index
        %get3A_1094 = tpu.vector_load %arg10[%get3A_1092, %get3A_1093] {strides = array<i32>} : memref<80x128xf32, #tpu.memory_space<vmem>>, vector<1x16xf32>,
        %get3A_1095 = vector.shape_cast %get3A_1094 : vector<1x16xf32> to vector<16xf32>
        %mul3A_1096 = vector.broadcast %squeeze3A_1091 : f32 to vector<16xf32>
        %mul3A_1097 = arith.mulf %get3A_1095, %mul3A_1096 : vector<16xf32>
        %swap3A_1098 = arith.index_cast %add3A_1089 : i32 to index
        %swap3A_1099 = arith.constant 0 : index
        %swap3A_1100 = tpu.vector_load %arg10[%swap3A_1098, %swap3A_1099] {strides = array<i32>} : memref<80x128xf32, #tpu.memory_space<vmem>>, vector<1x16xf32>,
        %swap3A_1101 = vector.shape_cast %swap3A_1100 : vector<1x16xf32> to vector<16xf32>
        %swap3A_1102 = vector.shape_cast %mul3A_1097 : vector<16xf32> to vector<1x16xf32>
        tpu.vector_store %arg10[%swap3A_1098, %swap3A_1099], %swap3A_1102 {strides = array<i32>} : memref<80x128xf32, #tpu.memory_space<vmem>>, vector<1x16xf32>,
        %get3A_1103 = arith.index_cast %add3A_1089 : i32 to index
        %get3A_1104 = arith.constant 16 : index
        %get3A_1105 = tpu.vector_load %arg10[%get3A_1103, %get3A_1104] {strides = array<i32>} : memref<80x128xf32, #tpu.memory_space<vmem>>, vector<1x16xf32>,
        %get3A_1106 = vector.shape_cast %get3A_1105 : vector<1x16xf32> to vector<16xf32>
        %mul3A_1107 = vector.broadcast %squeeze3A_1091 : f32 to vector<16xf32>
        %mul3A_1108 = arith.mulf %get3A_1106, %mul3A_1107 : vector<16xf32>
        %swap3A_1109 = arith.index_cast %add3A_1089 : i32 to index
        %swap3A_1110 = arith.constant 16 : index
        %swap3A_1111 = tpu.vector_load %arg10[%swap3A_1109, %swap3A_1110] {strides = array<i32>} : memref<80x128xf32, #tpu.memory_space<vmem>>, vector<1x16xf32>,
        %swap3A_1112 = vector.shape_cast %swap3A_1111 : vector<1x16xf32> to vector<16xf32>
        %swap3A_1113 = vector.shape_cast %mul3A_1108 : vector<16xf32> to vector<1x16xf32>
        tpu.vector_store %arg10[%swap3A_1109, %swap3A_1110], %swap3A_1113 {strides = array<i32>} : memref<80x128xf32, #tpu.memory_space<vmem>>, vector<1x16xf32>,
        %get3A_1114 = arith.index_cast %add3A_1089 : i32 to index
        %get3A_1115 = arith.constant 32 : index
        %get3A_1116 = tpu.vector_load %arg10[%get3A_1114, %get3A_1115] {strides = array<i32>} : memref<80x128xf32, #tpu.memory_space<vmem>>, vector<1x16xf32>,
        %get3A_1117 = vector.shape_cast %get3A_1116 : vector<1x16xf32> to vector<16xf32>
        %mul3A_1118 = vector.broadcast %squeeze3A_1091 : f32 to vector<16xf32>
        %mul3A_1119 = arith.mulf %get3A_1117, %mul3A_1118 : vector<16xf32>
        %swap3A_1120 = arith.index_cast %add3A_1089 : i32 to index
        %swap3A_1121 = arith.constant 32 : index
        %swap3A_1122 = tpu.vector_load %arg10[%swap3A_1120, %swap3A_1121] {strides = array<i32>} : memref<80x128xf32, #tpu.memory_space<vmem>>, vector<1x16xf32>,
        %swap3A_1123 = vector.shape_cast %swap3A_1122 : vector<1x16xf32> to vector<16xf32>
        %swap3A_1124 = vector.shape_cast %mul3A_1119 : vector<16xf32> to vector<1x16xf32>
        tpu.vector_store %arg10[%swap3A_1120, %swap3A_1121], %swap3A_1124 {strides = array<i32>} : memref<80x128xf32, #tpu.memory_space<vmem>>, vector<1x16xf32>,
        %get3A_1125 = arith.index_cast %add3A_1089 : i32 to index
        %get3A_1126 = arith.constant 48 : index
        %get3A_1127 = tpu.vector_load %arg10[%get3A_1125, %get3A_1126] {strides = array<i32>} : memref<80x128xf32, #tpu.memory_space<vmem>>, vector<1x16xf32>,
        %get3A_1128 = vector.shape_cast %get3A_1127 : vector<1x16xf32> to vector<16xf32>
        %mul3A_1129 = vector.broadcast %squeeze3A_1091 : f32 to vector<16xf32>
        %mul3A_1130 = arith.mulf %get3A_1128, %mul3A_1129 : vector<16xf32>
        %swap3A_1131 = arith.index_cast %add3A_1089 : i32 to index
        %swap3A_1132 = arith.constant 48 : index
        %swap3A_1133 = tpu.vector_load %arg10[%swap3A_1131, %swap3A_1132] {strides = array<i32>} : memref<80x128xf32, #tpu.memory_space<vmem>>, vector<1x16xf32>,
        %swap3A_1134 = vector.shape_cast %swap3A_1133 : vector<1x16xf32> to vector<16xf32>
        %swap3A_1135 = vector.shape_cast %mul3A_1130 : vector<16xf32> to vector<1x16xf32>
        tpu.vector_store %arg10[%swap3A_1131, %swap3A_1132], %swap3A_1135 {strides = array<i32>} : memref<80x128xf32, #tpu.memory_space<vmem>>, vector<1x16xf32>,
        %get3A_1136 = arith.index_cast %add3A_1089 : i32 to index
        %get3A_1137 = arith.constant 64 : index
        %get3A_1138 = tpu.vector_load %arg10[%get3A_1136, %get3A_1137] {strides = array<i32>} : memref<80x128xf32, #tpu.memory_space<vmem>>, vector<1x16xf32>,
        %get3A_1139 = vector.shape_cast %get3A_1138 : vector<1x16xf32> to vector<16xf32>
        %mul3A_1140 = vector.broadcast %squeeze3A_1091 : f32 to vector<16xf32>
        %mul3A_1141 = arith.mulf %get3A_1139, %mul3A_1140 : vector<16xf32>
        %swap3A_1142 = arith.index_cast %add3A_1089 : i32 to index
        %swap3A_1143 = arith.constant 64 : index
        %swap3A_1144 = tpu.vector_load %arg10[%swap3A_1142, %swap3A_1143] {strides = array<i32>} : memref<80x128xf32, #tpu.memory_space<vmem>>, vector<1x16xf32>,
        %swap3A_1145 = vector.shape_cast %swap3A_1144 : vector<1x16xf32> to vector<16xf32>
        %swap3A_1146 = vector.shape_cast %mul3A_1141 : vector<16xf32> to vector<1x16xf32>
        tpu.vector_store %arg10[%swap3A_1142, %swap3A_1143], %swap3A_1146 {strides = array<i32>} : memref<80x128xf32, #tpu.memory_space<vmem>>, vector<1x16xf32>,
        %get3A_1147 = arith.index_cast %add3A_1089 : i32 to index
        %get3A_1148 = arith.constant 80 : index
        %get3A_1149 = tpu.vector_load %arg10[%get3A_1147, %get3A_1148] {strides = array<i32>} : memref<80x128xf32, #tpu.memory_space<vmem>>, vector<1x16xf32>,
        %get3A_1150 = vector.shape_cast %get3A_1149 : vector<1x16xf32> to vector<16xf32>
        %mul3A_1151 = vector.broadcast %squeeze3A_1091 : f32 to vector<16xf32>
        %mul3A_1152 = arith.mulf %get3A_1150, %mul3A_1151 : vector<16xf32>
        %swap3A_1153 = arith.index_cast %add3A_1089 : i32 to index
        %swap3A_1154 = arith.constant 80 : index
        %swap3A_1155 = tpu.vector_load %arg10[%swap3A_1153, %swap3A_1154] {strides = array<i32>} : memref<80x128xf32, #tpu.memory_space<vmem>>, vector<1x16xf32>,
        %swap3A_1156 = vector.shape_cast %swap3A_1155 : vector<1x16xf32> to vector<16xf32>
        %swap3A_1157 = vector.shape_cast %mul3A_1152 : vector<16xf32> to vector<1x16xf32>
        tpu.vector_store %arg10[%swap3A_1153, %swap3A_1154], %swap3A_1157 {strides = array<i32>} : memref<80x128xf32, #tpu.memory_space<vmem>>, vector<1x16xf32>,
        %get3A_1158 = arith.index_cast %add3A_1089 : i32 to index
        %get3A_1159 = arith.constant 96 : index
        %get3A_1160 = tpu.vector_load %arg10[%get3A_1158, %get3A_1159] {strides = array<i32>} : memref<80x128xf32, #tpu.memory_space<vmem>>, vector<1x16xf32>,
        %get3A_1161 = vector.shape_cast %get3A_1160 : vector<1x16xf32> to vector<16xf32>
        %mul3A_1162 = vector.broadcast %squeeze3A_1091 : f32 to vector<16xf32>
        %mul3A_1163 = arith.mulf %get3A_1161, %mul3A_1162 : vector<16xf32>
        %swap3A_1164 = arith.index_cast %add3A_1089 : i32 to index
        %swap3A_1165 = arith.constant 96 : index
        %swap3A_1166 = tpu.vector_load %arg10[%swap3A_1164, %swap3A_1165] {strides = array<i32>} : memref<80x128xf32, #tpu.memory_space<vmem>>, vector<1x16xf32>,
        %swap3A_1167 = vector.shape_cast %swap3A_1166 : vector<1x16xf32> to vector<16xf32>
        %swap3A_1168 = vector.shape_cast %mul3A_1163 : vector<16xf32> to vector<1x16xf32>
        tpu.vector_store %arg10[%swap3A_1164, %swap3A_1165], %swap3A_1168 {strides = array<i32>} : memref<80x128xf32, #tpu.memory_space<vmem>>, vector<1x16xf32>,
        %get3A_1169 = arith.index_cast %add3A_1089 : i32 to index
        %get3A_1170 = arith.constant 112 : index
        %get3A_1171 = tpu.vector_load %arg10[%get3A_1169, %get3A_1170] {strides = array<i32>} : memref<80x128xf32, #tpu.memory_space<vmem>>, vector<1x16xf32>,
        %get3A_1172 = vector.shape_cast %get3A_1171 : vector<1x16xf32> to vector<16xf32>
        %mul3A_1173 = vector.broadcast %squeeze3A_1091 : f32 to vector<16xf32>
        %mul3A_1174 = arith.mulf %get3A_1172, %mul3A_1173 : vector<16xf32>
        %swap3A_1175 = arith.index_cast %add3A_1089 : i32 to index
        %swap3A_1176 = arith.constant 112 : index
        %swap3A_1177 = tpu.vector_load %arg10[%swap3A_1175, %swap3A_1176] {strides = array<i32>} : memref<80x128xf32, #tpu.memory_space<vmem>>, vector<1x16xf32>,
        %swap3A_1178 = vector.shape_cast %swap3A_1177 : vector<1x16xf32> to vector<16xf32>
        %swap3A_1179 = vector.shape_cast %mul3A_1174 : vector<16xf32> to vector<1x16xf32>
        tpu.vector_store %arg10[%swap3A_1175, %swap3A_1176], %swap3A_1179 {strides = array<i32>} : memref<80x128xf32, #tpu.memory_space<vmem>>, vector<1x16xf32>,
        %mul3A_1180 = arith.constant 16 : i32
        %mul3A_1181 = arith.muli %scan3A_50, %mul3A_1180 : i32
        %add3A_1182 = arith.constant 12 : i32
        %add3A_1183 = arith.addi %mul3A_1181, %add3A_1182 : i32
        %slice3A_1184 = vector.extract_strided_slice %get3A_54 {offsets = [12], sizes = [1], strides = [1]} : vector<16xf32> to vector<1xf32>
        %squeeze3A_1185 = vector.extract %slice3A_1184[0] : f32 from vector<1xf32>
        %get3A_1186 = arith.index_cast %add3A_1183 : i32 to index
        %get3A_1187 = arith.constant 0 : index
        %get3A_1188 = tpu.vector_load %arg10[%get3A_1186, %get3A_1187] {strides = array<i32>} : memref<80x128xf32, #tpu.memory_space<vmem>>, vector<1x16xf32>,
        %get3A_1189 = vector.shape_cast %get3A_1188 : vector<1x16xf32> to vector<16xf32>
        %mul3A_1190 = vector.broadcast %squeeze3A_1185 : f32 to vector<16xf32>
        %mul3A_1191 = arith.mulf %get3A_1189, %mul3A_1190 : vector<16xf32>
        %swap3A_1192 = arith.index_cast %add3A_1183 : i32 to index
        %swap3A_1193 = arith.constant 0 : index
        %swap3A_1194 = tpu.vector_load %arg10[%swap3A_1192, %swap3A_1193] {strides = array<i32>} : memref<80x128xf32, #tpu.memory_space<vmem>>, vector<1x16xf32>,
        %swap3A_1195 = vector.shape_cast %swap3A_1194 : vector<1x16xf32> to vector<16xf32>
        %swap3A_1196 = vector.shape_cast %mul3A_1191 : vector<16xf32> to vector<1x16xf32>
        tpu.vector_store %arg10[%swap3A_1192, %swap3A_1193], %swap3A_1196 {strides = array<i32>} : memref<80x128xf32, #tpu.memory_space<vmem>>, vector<1x16xf32>,
        %get3A_1197 = arith.index_cast %add3A_1183 : i32 to index
        %get3A_1198 = arith.constant 16 : index
        %get3A_1199 = tpu.vector_load %arg10[%get3A_1197, %get3A_1198] {strides = array<i32>} : memref<80x128xf32, #tpu.memory_space<vmem>>, vector<1x16xf32>,
        %get3A_1200 = vector.shape_cast %get3A_1199 : vector<1x16xf32> to vector<16xf32>
        %mul3A_1201 = vector.broadcast %squeeze3A_1185 : f32 to vector<16xf32>
        %mul3A_1202 = arith.mulf %get3A_1200, %mul3A_1201 : vector<16xf32>
        %swap3A_1203 = arith.index_cast %add3A_1183 : i32 to index
        %swap3A_1204 = arith.constant 16 : index
        %swap3A_1205 = tpu.vector_load %arg10[%swap3A_1203, %swap3A_1204] {strides = array<i32>} : memref<80x128xf32, #tpu.memory_space<vmem>>, vector<1x16xf32>,
        %swap3A_1206 = vector.shape_cast %swap3A_1205 : vector<1x16xf32> to vector<16xf32>
        %swap3A_1207 = vector.shape_cast %mul3A_1202 : vector<16xf32> to vector<1x16xf32>
        tpu.vector_store %arg10[%swap3A_1203, %swap3A_1204], %swap3A_1207 {strides = array<i32>} : memref<80x128xf32, #tpu.memory_space<vmem>>, vector<1x16xf32>,
        %get3A_1208 = arith.index_cast %add3A_1183 : i32 to index
        %get3A_1209 = arith.constant 32 : index
        %get3A_1210 = tpu.vector_load %arg10[%get3A_1208, %get3A_1209] {strides = array<i32>} : memref<80x128xf32, #tpu.memory_space<vmem>>, vector<1x16xf32>,
        %get3A_1211 = vector.shape_cast %get3A_1210 : vector<1x16xf32> to vector<16xf32>
        %mul3A_1212 = vector.broadcast %squeeze3A_1185 : f32 to vector<16xf32>
        %mul3A_1213 = arith.mulf %get3A_1211, %mul3A_1212 : vector<16xf32>
        %swap3A_1214 = arith.index_cast %add3A_1183 : i32 to index
        %swap3A_1215 = arith.constant 32 : index
        %swap3A_1216 = tpu.vector_load %arg10[%swap3A_1214, %swap3A_1215] {strides = array<i32>} : memref<80x128xf32, #tpu.memory_space<vmem>>, vector<1x16xf32>,
        %swap3A_1217 = vector.shape_cast %swap3A_1216 : vector<1x16xf32> to vector<16xf32>
        %swap3A_1218 = vector.shape_cast %mul3A_1213 : vector<16xf32> to vector<1x16xf32>
        tpu.vector_store %arg10[%swap3A_1214, %swap3A_1215], %swap3A_1218 {strides = array<i32>} : memref<80x128xf32, #tpu.memory_space<vmem>>, vector<1x16xf32>,
        %get3A_1219 = arith.index_cast %add3A_1183 : i32 to index
        %get3A_1220 = arith.constant 48 : index
        %get3A_1221 = tpu.vector_load %arg10[%get3A_1219, %get3A_1220] {strides = array<i32>} : memref<80x128xf32, #tpu.memory_space<vmem>>, vector<1x16xf32>,
        %get3A_1222 = vector.shape_cast %get3A_1221 : vector<1x16xf32> to vector<16xf32>
        %mul3A_1223 = vector.broadcast %squeeze3A_1185 : f32 to vector<16xf32>
        %mul3A_1224 = arith.mulf %get3A_1222, %mul3A_1223 : vector<16xf32>
        %swap3A_1225 = arith.index_cast %add3A_1183 : i32 to index
        %swap3A_1226 = arith.constant 48 : index
        %swap3A_1227 = tpu.vector_load %arg10[%swap3A_1225, %swap3A_1226] {strides = array<i32>} : memref<80x128xf32, #tpu.memory_space<vmem>>, vector<1x16xf32>,
        %swap3A_1228 = vector.shape_cast %swap3A_1227 : vector<1x16xf32> to vector<16xf32>
        %swap3A_1229 = vector.shape_cast %mul3A_1224 : vector<16xf32> to vector<1x16xf32>
        tpu.vector_store %arg10[%swap3A_1225, %swap3A_1226], %swap3A_1229 {strides = array<i32>} : memref<80x128xf32, #tpu.memory_space<vmem>>, vector<1x16xf32>,
        %get3A_1230 = arith.index_cast %add3A_1183 : i32 to index
        %get3A_1231 = arith.constant 64 : index
        %get3A_1232 = tpu.vector_load %arg10[%get3A_1230, %get3A_1231] {strides = array<i32>} : memref<80x128xf32, #tpu.memory_space<vmem>>, vector<1x16xf32>,
        %get3A_1233 = vector.shape_cast %get3A_1232 : vector<1x16xf32> to vector<16xf32>
        %mul3A_1234 = vector.broadcast %squeeze3A_1185 : f32 to vector<16xf32>
        %mul3A_1235 = arith.mulf %get3A_1233, %mul3A_1234 : vector<16xf32>
        %swap3A_1236 = arith.index_cast %add3A_1183 : i32 to index
        %swap3A_1237 = arith.constant 64 : index
        %swap3A_1238 = tpu.vector_load %arg10[%swap3A_1236, %swap3A_1237] {strides = array<i32>} : memref<80x128xf32, #tpu.memory_space<vmem>>, vector<1x16xf32>,
        %swap3A_1239 = vector.shape_cast %swap3A_1238 : vector<1x16xf32> to vector<16xf32>
        %swap3A_1240 = vector.shape_cast %mul3A_1235 : vector<16xf32> to vector<1x16xf32>
        tpu.vector_store %arg10[%swap3A_1236, %swap3A_1237], %swap3A_1240 {strides = array<i32>} : memref<80x128xf32, #tpu.memory_space<vmem>>, vector<1x16xf32>,
        %get3A_1241 = arith.index_cast %add3A_1183 : i32 to index
        %get3A_1242 = arith.constant 80 : index
        %get3A_1243 = tpu.vector_load %arg10[%get3A_1241, %get3A_1242] {strides = array<i32>} : memref<80x128xf32, #tpu.memory_space<vmem>>, vector<1x16xf32>,
        %get3A_1244 = vector.shape_cast %get3A_1243 : vector<1x16xf32> to vector<16xf32>
        %mul3A_1245 = vector.broadcast %squeeze3A_1185 : f32 to vector<16xf32>
        %mul3A_1246 = arith.mulf %get3A_1244, %mul3A_1245 : vector<16xf32>
        %swap3A_1247 = arith.index_cast %add3A_1183 : i32 to index
        %swap3A_1248 = arith.constant 80 : index
        %swap3A_1249 = tpu.vector_load %arg10[%swap3A_1247, %swap3A_1248] {strides = array<i32>} : memref<80x128xf32, #tpu.memory_space<vmem>>, vector<1x16xf32>,
        %swap3A_1250 = vector.shape_cast %swap3A_1249 : vector<1x16xf32> to vector<16xf32>
        %swap3A_1251 = vector.shape_cast %mul3A_1246 : vector<16xf32> to vector<1x16xf32>
        tpu.vector_store %arg10[%swap3A_1247, %swap3A_1248], %swap3A_1251 {strides = array<i32>} : memref<80x128xf32, #tpu.memory_space<vmem>>, vector<1x16xf32>,
        %get3A_1252 = arith.index_cast %add3A_1183 : i32 to index
        %get3A_1253 = arith.constant 96 : index
        %get3A_1254 = tpu.vector_load %arg10[%get3A_1252, %get3A_1253] {strides = array<i32>} : memref<80x128xf32, #tpu.memory_space<vmem>>, vector<1x16xf32>,
        %get3A_1255 = vector.shape_cast %get3A_1254 : vector<1x16xf32> to vector<16xf32>
        %mul3A_1256 = vector.broadcast %squeeze3A_1185 : f32 to vector<16xf32>
        %mul3A_1257 = arith.mulf %get3A_1255, %mul3A_1256 : vector<16xf32>
        %swap3A_1258 = arith.index_cast %add3A_1183 : i32 to index
        %swap3A_1259 = arith.constant 96 : index
        %swap3A_1260 = tpu.vector_load %arg10[%swap3A_1258, %swap3A_1259] {strides = array<i32>} : memref<80x128xf32, #tpu.memory_space<vmem>>, vector<1x16xf32>,
        %swap3A_1261 = vector.shape_cast %swap3A_1260 : vector<1x16xf32> to vector<16xf32>
        %swap3A_1262 = vector.shape_cast %mul3A_1257 : vector<16xf32> to vector<1x16xf32>
        tpu.vector_store %arg10[%swap3A_1258, %swap3A_1259], %swap3A_1262 {strides = array<i32>} : memref<80x128xf32, #tpu.memory_space<vmem>>, vector<1x16xf32>,
        %get3A_1263 = arith.index_cast %add3A_1183 : i32 to index
        %get3A_1264 = arith.constant 112 : index
        %get3A_1265 = tpu.vector_load %arg10[%get3A_1263, %get3A_1264] {strides = array<i32>} : memref<80x128xf32, #tpu.memory_space<vmem>>, vector<1x16xf32>,
        %get3A_1266 = vector.shape_cast %get3A_1265 : vector<1x16xf32> to vector<16xf32>
        %mul3A_1267 = vector.broadcast %squeeze3A_1185 : f32 to vector<16xf32>
        %mul3A_1268 = arith.mulf %get3A_1266, %mul3A_1267 : vector<16xf32>
        %swap3A_1269 = arith.index_cast %add3A_1183 : i32 to index
        %swap3A_1270 = arith.constant 112 : index
        %swap3A_1271 = tpu.vector_load %arg10[%swap3A_1269, %swap3A_1270] {strides = array<i32>} : memref<80x128xf32, #tpu.memory_space<vmem>>, vector<1x16xf32>,
        %swap3A_1272 = vector.shape_cast %swap3A_1271 : vector<1x16xf32> to vector<16xf32>
        %swap3A_1273 = vector.shape_cast %mul3A_1268 : vector<16xf32> to vector<1x16xf32>
        tpu.vector_store %arg10[%swap3A_1269, %swap3A_1270], %swap3A_1273 {strides = array<i32>} : memref<80x128xf32, #tpu.memory_space<vmem>>, vector<1x16xf32>,
        %mul3A_1274 = arith.constant 16 : i32
        %mul3A_1275 = arith.muli %scan3A_50, %mul3A_1274 : i32
        %add3A_1276 = arith.constant 13 : i32
        %add3A_1277 = arith.addi %mul3A_1275, %add3A_1276 : i32
        %slice3A_1278 = vector.extract_strided_slice %get3A_54 {offsets = [13], sizes = [1], strides = [1]} : vector<16xf32> to vector<1xf32>
        %squeeze3A_1279 = vector.extract %slice3A_1278[0] : f32 from vector<1xf32>
        %get3A_1280 = arith.index_cast %add3A_1277 : i32 to index
        %get3A_1281 = arith.constant 0 : index
        %get3A_1282 = tpu.vector_load %arg10[%get3A_1280, %get3A_1281] {strides = array<i32>} : memref<80x128xf32, #tpu.memory_space<vmem>>, vector<1x16xf32>,
        %get3A_1283 = vector.shape_cast %get3A_1282 : vector<1x16xf32> to vector<16xf32>
        %mul3A_1284 = vector.broadcast %squeeze3A_1279 : f32 to vector<16xf32>
        %mul3A_1285 = arith.mulf %get3A_1283, %mul3A_1284 : vector<16xf32>
        %swap3A_1286 = arith.index_cast %add3A_1277 : i32 to index
        %swap3A_1287 = arith.constant 0 : index
        %swap3A_1288 = tpu.vector_load %arg10[%swap3A_1286, %swap3A_1287] {strides = array<i32>} : memref<80x128xf32, #tpu.memory_space<vmem>>, vector<1x16xf32>,
        %swap3A_1289 = vector.shape_cast %swap3A_1288 : vector<1x16xf32> to vector<16xf32>
        %swap3A_1290 = vector.shape_cast %mul3A_1285 : vector<16xf32> to vector<1x16xf32>
        tpu.vector_store %arg10[%swap3A_1286, %swap3A_1287], %swap3A_1290 {strides = array<i32>} : memref<80x128xf32, #tpu.memory_space<vmem>>, vector<1x16xf32>,
        %get3A_1291 = arith.index_cast %add3A_1277 : i32 to index
        %get3A_1292 = arith.constant 16 : index
        %get3A_1293 = tpu.vector_load %arg10[%get3A_1291, %get3A_1292] {strides = array<i32>} : memref<80x128xf32, #tpu.memory_space<vmem>>, vector<1x16xf32>,
        %get3A_1294 = vector.shape_cast %get3A_1293 : vector<1x16xf32> to vector<16xf32>
        %mul3A_1295 = vector.broadcast %squeeze3A_1279 : f32 to vector<16xf32>
        %mul3A_1296 = arith.mulf %get3A_1294, %mul3A_1295 : vector<16xf32>
        %swap3A_1297 = arith.index_cast %add3A_1277 : i32 to index
        %swap3A_1298 = arith.constant 16 : index
        %swap3A_1299 = tpu.vector_load %arg10[%swap3A_1297, %swap3A_1298] {strides = array<i32>} : memref<80x128xf32, #tpu.memory_space<vmem>>, vector<1x16xf32>,
        %swap3A_1300 = vector.shape_cast %swap3A_1299 : vector<1x16xf32> to vector<16xf32>
        %swap3A_1301 = vector.shape_cast %mul3A_1296 : vector<16xf32> to vector<1x16xf32>
        tpu.vector_store %arg10[%swap3A_1297, %swap3A_1298], %swap3A_1301 {strides = array<i32>} : memref<80x128xf32, #tpu.memory_space<vmem>>, vector<1x16xf32>,
        %get3A_1302 = arith.index_cast %add3A_1277 : i32 to index
        %get3A_1303 = arith.constant 32 : index
        %get3A_1304 = tpu.vector_load %arg10[%get3A_1302, %get3A_1303] {strides = array<i32>} : memref<80x128xf32, #tpu.memory_space<vmem>>, vector<1x16xf32>,
        %get3A_1305 = vector.shape_cast %get3A_1304 : vector<1x16xf32> to vector<16xf32>
        %mul3A_1306 = vector.broadcast %squeeze3A_1279 : f32 to vector<16xf32>
        %mul3A_1307 = arith.mulf %get3A_1305, %mul3A_1306 : vector<16xf32>
        %swap3A_1308 = arith.index_cast %add3A_1277 : i32 to index
        %swap3A_1309 = arith.constant 32 : index
        %swap3A_1310 = tpu.vector_load %arg10[%swap3A_1308, %swap3A_1309] {strides = array<i32>} : memref<80x128xf32, #tpu.memory_space<vmem>>, vector<1x16xf32>,
        %swap3A_1311 = vector.shape_cast %swap3A_1310 : vector<1x16xf32> to vector<16xf32>
        %swap3A_1312 = vector.shape_cast %mul3A_1307 : vector<16xf32> to vector<1x16xf32>
        tpu.vector_store %arg10[%swap3A_1308, %swap3A_1309], %swap3A_1312 {strides = array<i32>} : memref<80x128xf32, #tpu.memory_space<vmem>>, vector<1x16xf32>,
        %get3A_1313 = arith.index_cast %add3A_1277 : i32 to index
        %get3A_1314 = arith.constant 48 : index
        %get3A_1315 = tpu.vector_load %arg10[%get3A_1313, %get3A_1314] {strides = array<i32>} : memref<80x128xf32, #tpu.memory_space<vmem>>, vector<1x16xf32>,
        %get3A_1316 = vector.shape_cast %get3A_1315 : vector<1x16xf32> to vector<16xf32>
        %mul3A_1317 = vector.broadcast %squeeze3A_1279 : f32 to vector<16xf32>
        %mul3A_1318 = arith.mulf %get3A_1316, %mul3A_1317 : vector<16xf32>
        %swap3A_1319 = arith.index_cast %add3A_1277 : i32 to index
        %swap3A_1320 = arith.constant 48 : index
        %swap3A_1321 = tpu.vector_load %arg10[%swap3A_1319, %swap3A_1320] {strides = array<i32>} : memref<80x128xf32, #tpu.memory_space<vmem>>, vector<1x16xf32>,
        %swap3A_1322 = vector.shape_cast %swap3A_1321 : vector<1x16xf32> to vector<16xf32>
        %swap3A_1323 = vector.shape_cast %mul3A_1318 : vector<16xf32> to vector<1x16xf32>
        tpu.vector_store %arg10[%swap3A_1319, %swap3A_1320], %swap3A_1323 {strides = array<i32>} : memref<80x128xf32, #tpu.memory_space<vmem>>, vector<1x16xf32>,
        %get3A_1324 = arith.index_cast %add3A_1277 : i32 to index
        %get3A_1325 = arith.constant 64 : index
        %get3A_1326 = tpu.vector_load %arg10[%get3A_1324, %get3A_1325] {strides = array<i32>} : memref<80x128xf32, #tpu.memory_space<vmem>>, vector<1x16xf32>,
        %get3A_1327 = vector.shape_cast %get3A_1326 : vector<1x16xf32> to vector<16xf32>
        %mul3A_1328 = vector.broadcast %squeeze3A_1279 : f32 to vector<16xf32>
        %mul3A_1329 = arith.mulf %get3A_1327, %mul3A_1328 : vector<16xf32>
        %swap3A_1330 = arith.index_cast %add3A_1277 : i32 to index
        %swap3A_1331 = arith.constant 64 : index
        %swap3A_1332 = tpu.vector_load %arg10[%swap3A_1330, %swap3A_1331] {strides = array<i32>} : memref<80x128xf32, #tpu.memory_space<vmem>>, vector<1x16xf32>,
        %swap3A_1333 = vector.shape_cast %swap3A_1332 : vector<1x16xf32> to vector<16xf32>
        %swap3A_1334 = vector.shape_cast %mul3A_1329 : vector<16xf32> to vector<1x16xf32>
        tpu.vector_store %arg10[%swap3A_1330, %swap3A_1331], %swap3A_1334 {strides = array<i32>} : memref<80x128xf32, #tpu.memory_space<vmem>>, vector<1x16xf32>,
        %get3A_1335 = arith.index_cast %add3A_1277 : i32 to index
        %get3A_1336 = arith.constant 80 : index
        %get3A_1337 = tpu.vector_load %arg10[%get3A_1335, %get3A_1336] {strides = array<i32>} : memref<80x128xf32, #tpu.memory_space<vmem>>, vector<1x16xf32>,
        %get3A_1338 = vector.shape_cast %get3A_1337 : vector<1x16xf32> to vector<16xf32>
        %mul3A_1339 = vector.broadcast %squeeze3A_1279 : f32 to vector<16xf32>
        %mul3A_1340 = arith.mulf %get3A_1338, %mul3A_1339 : vector<16xf32>
        %swap3A_1341 = arith.index_cast %add3A_1277 : i32 to index
        %swap3A_1342 = arith.constant 80 : index
        %swap3A_1343 = tpu.vector_load %arg10[%swap3A_1341, %swap3A_1342] {strides = array<i32>} : memref<80x128xf32, #tpu.memory_space<vmem>>, vector<1x16xf32>,
        %swap3A_1344 = vector.shape_cast %swap3A_1343 : vector<1x16xf32> to vector<16xf32>
        %swap3A_1345 = vector.shape_cast %mul3A_1340 : vector<16xf32> to vector<1x16xf32>
        tpu.vector_store %arg10[%swap3A_1341, %swap3A_1342], %swap3A_1345 {strides = array<i32>} : memref<80x128xf32, #tpu.memory_space<vmem>>, vector<1x16xf32>,
        %get3A_1346 = arith.index_cast %add3A_1277 : i32 to index
        %get3A_1347 = arith.constant 96 : index
        %get3A_1348 = tpu.vector_load %arg10[%get3A_1346, %get3A_1347] {strides = array<i32>} : memref<80x128xf32, #tpu.memory_space<vmem>>, vector<1x16xf32>,
        %get3A_1349 = vector.shape_cast %get3A_1348 : vector<1x16xf32> to vector<16xf32>
        %mul3A_1350 = vector.broadcast %squeeze3A_1279 : f32 to vector<16xf32>
        %mul3A_1351 = arith.mulf %get3A_1349, %mul3A_1350 : vector<16xf32>
        %swap3A_1352 = arith.index_cast %add3A_1277 : i32 to index
        %swap3A_1353 = arith.constant 96 : index
        %swap3A_1354 = tpu.vector_load %arg10[%swap3A_1352, %swap3A_1353] {strides = array<i32>} : memref<80x128xf32, #tpu.memory_space<vmem>>, vector<1x16xf32>,
        %swap3A_1355 = vector.shape_cast %swap3A_1354 : vector<1x16xf32> to vector<16xf32>
        %swap3A_1356 = vector.shape_cast %mul3A_1351 : vector<16xf32> to vector<1x16xf32>
        tpu.vector_store %arg10[%swap3A_1352, %swap3A_1353], %swap3A_1356 {strides = array<i32>} : memref<80x128xf32, #tpu.memory_space<vmem>>, vector<1x16xf32>,
        %get3A_1357 = arith.index_cast %add3A_1277 : i32 to index
        %get3A_1358 = arith.constant 112 : index
        %get3A_1359 = tpu.vector_load %arg10[%get3A_1357, %get3A_1358] {strides = array<i32>} : memref<80x128xf32, #tpu.memory_space<vmem>>, vector<1x16xf32>,
        %get3A_1360 = vector.shape_cast %get3A_1359 : vector<1x16xf32> to vector<16xf32>
        %mul3A_1361 = vector.broadcast %squeeze3A_1279 : f32 to vector<16xf32>
        %mul3A_1362 = arith.mulf %get3A_1360, %mul3A_1361 : vector<16xf32>
        %swap3A_1363 = arith.index_cast %add3A_1277 : i32 to index
        %swap3A_1364 = arith.constant 112 : index
        %swap3A_1365 = tpu.vector_load %arg10[%swap3A_1363, %swap3A_1364] {strides = array<i32>} : memref<80x128xf32, #tpu.memory_space<vmem>>, vector<1x16xf32>,
        %swap3A_1366 = vector.shape_cast %swap3A_1365 : vector<1x16xf32> to vector<16xf32>
        %swap3A_1367 = vector.shape_cast %mul3A_1362 : vector<16xf32> to vector<1x16xf32>
        tpu.vector_store %arg10[%swap3A_1363, %swap3A_1364], %swap3A_1367 {strides = array<i32>} : memref<80x128xf32, #tpu.memory_space<vmem>>, vector<1x16xf32>,
        %mul3A_1368 = arith.constant 16 : i32
        %mul3A_1369 = arith.muli %scan3A_50, %mul3A_1368 : i32
        %add3A_1370 = arith.constant 14 : i32
        %add3A_1371 = arith.addi %mul3A_1369, %add3A_1370 : i32
        %slice3A_1372 = vector.extract_strided_slice %get3A_54 {offsets = [14], sizes = [1], strides = [1]} : vector<16xf32> to vector<1xf32>
        %squeeze3A_1373 = vector.extract %slice3A_1372[0] : f32 from vector<1xf32>
        %get3A_1374 = arith.index_cast %add3A_1371 : i32 to index
        %get3A_1375 = arith.constant 0 : index
        %get3A_1376 = tpu.vector_load %arg10[%get3A_1374, %get3A_1375] {strides = array<i32>} : memref<80x128xf32, #tpu.memory_space<vmem>>, vector<1x16xf32>,
        %get3A_1377 = vector.shape_cast %get3A_1376 : vector<1x16xf32> to vector<16xf32>
        %mul3A_1378 = vector.broadcast %squeeze3A_1373 : f32 to vector<16xf32>
        %mul3A_1379 = arith.mulf %get3A_1377, %mul3A_1378 : vector<16xf32>
        %swap3A_1380 = arith.index_cast %add3A_1371 : i32 to index
        %swap3A_1381 = arith.constant 0 : index
        %swap3A_1382 = tpu.vector_load %arg10[%swap3A_1380, %swap3A_1381] {strides = array<i32>} : memref<80x128xf32, #tpu.memory_space<vmem>>, vector<1x16xf32>,
        %swap3A_1383 = vector.shape_cast %swap3A_1382 : vector<1x16xf32> to vector<16xf32>
        %swap3A_1384 = vector.shape_cast %mul3A_1379 : vector<16xf32> to vector<1x16xf32>
        tpu.vector_store %arg10[%swap3A_1380, %swap3A_1381], %swap3A_1384 {strides = array<i32>} : memref<80x128xf32, #tpu.memory_space<vmem>>, vector<1x16xf32>,
        %get3A_1385 = arith.index_cast %add3A_1371 : i32 to index
        %get3A_1386 = arith.constant 16 : index
        %get3A_1387 = tpu.vector_load %arg10[%get3A_1385, %get3A_1386] {strides = array<i32>} : memref<80x128xf32, #tpu.memory_space<vmem>>, vector<1x16xf32>,
        %get3A_1388 = vector.shape_cast %get3A_1387 : vector<1x16xf32> to vector<16xf32>
        %mul3A_1389 = vector.broadcast %squeeze3A_1373 : f32 to vector<16xf32>
        %mul3A_1390 = arith.mulf %get3A_1388, %mul3A_1389 : vector<16xf32>
        %swap3A_1391 = arith.index_cast %add3A_1371 : i32 to index
        %swap3A_1392 = arith.constant 16 : index
        %swap3A_1393 = tpu.vector_load %arg10[%swap3A_1391, %swap3A_1392] {strides = array<i32>} : memref<80x128xf32, #tpu.memory_space<vmem>>, vector<1x16xf32>,
        %swap3A_1394 = vector.shape_cast %swap3A_1393 : vector<1x16xf32> to vector<16xf32>
        %swap3A_1395 = vector.shape_cast %mul3A_1390 : vector<16xf32> to vector<1x16xf32>
        tpu.vector_store %arg10[%swap3A_1391, %swap3A_1392], %swap3A_1395 {strides = array<i32>} : memref<80x128xf32, #tpu.memory_space<vmem>>, vector<1x16xf32>,
        %get3A_1396 = arith.index_cast %add3A_1371 : i32 to index
        %get3A_1397 = arith.constant 32 : index
        %get3A_1398 = tpu.vector_load %arg10[%get3A_1396, %get3A_1397] {strides = array<i32>} : memref<80x128xf32, #tpu.memory_space<vmem>>, vector<1x16xf32>,
        %get3A_1399 = vector.shape_cast %get3A_1398 : vector<1x16xf32> to vector<16xf32>
        %mul3A_1400 = vector.broadcast %squeeze3A_1373 : f32 to vector<16xf32>
        %mul3A_1401 = arith.mulf %get3A_1399, %mul3A_1400 : vector<16xf32>
        %swap3A_1402 = arith.index_cast %add3A_1371 : i32 to index
        %swap3A_1403 = arith.constant 32 : index
        %swap3A_1404 = tpu.vector_load %arg10[%swap3A_1402, %swap3A_1403] {strides = array<i32>} : memref<80x128xf32, #tpu.memory_space<vmem>>, vector<1x16xf32>,
        %swap3A_1405 = vector.shape_cast %swap3A_1404 : vector<1x16xf32> to vector<16xf32>
        %swap3A_1406 = vector.shape_cast %mul3A_1401 : vector<16xf32> to vector<1x16xf32>
        tpu.vector_store %arg10[%swap3A_1402, %swap3A_1403], %swap3A_1406 {strides = array<i32>} : memref<80x128xf32, #tpu.memory_space<vmem>>, vector<1x16xf32>,
        %get3A_1407 = arith.index_cast %add3A_1371 : i32 to index
        %get3A_1408 = arith.constant 48 : index
        %get3A_1409 = tpu.vector_load %arg10[%get3A_1407, %get3A_1408] {strides = array<i32>} : memref<80x128xf32, #tpu.memory_space<vmem>>, vector<1x16xf32>,
        %get3A_1410 = vector.shape_cast %get3A_1409 : vector<1x16xf32> to vector<16xf32>
        %mul3A_1411 = vector.broadcast %squeeze3A_1373 : f32 to vector<16xf32>
        %mul3A_1412 = arith.mulf %get3A_1410, %mul3A_1411 : vector<16xf32>
        %swap3A_1413 = arith.index_cast %add3A_1371 : i32 to index
        %swap3A_1414 = arith.constant 48 : index
        %swap3A_1415 = tpu.vector_load %arg10[%swap3A_1413, %swap3A_1414] {strides = array<i32>} : memref<80x128xf32, #tpu.memory_space<vmem>>, vector<1x16xf32>,
        %swap3A_1416 = vector.shape_cast %swap3A_1415 : vector<1x16xf32> to vector<16xf32>
        %swap3A_1417 = vector.shape_cast %mul3A_1412 : vector<16xf32> to vector<1x16xf32>
        tpu.vector_store %arg10[%swap3A_1413, %swap3A_1414], %swap3A_1417 {strides = array<i32>} : memref<80x128xf32, #tpu.memory_space<vmem>>, vector<1x16xf32>,
        %get3A_1418 = arith.index_cast %add3A_1371 : i32 to index
        %get3A_1419 = arith.constant 64 : index
        %get3A_1420 = tpu.vector_load %arg10[%get3A_1418, %get3A_1419] {strides = array<i32>} : memref<80x128xf32, #tpu.memory_space<vmem>>, vector<1x16xf32>,
        %get3A_1421 = vector.shape_cast %get3A_1420 : vector<1x16xf32> to vector<16xf32>
        %mul3A_1422 = vector.broadcast %squeeze3A_1373 : f32 to vector<16xf32>
        %mul3A_1423 = arith.mulf %get3A_1421, %mul3A_1422 : vector<16xf32>
        %swap3A_1424 = arith.index_cast %add3A_1371 : i32 to index
        %swap3A_1425 = arith.constant 64 : index
        %swap3A_1426 = tpu.vector_load %arg10[%swap3A_1424, %swap3A_1425] {strides = array<i32>} : memref<80x128xf32, #tpu.memory_space<vmem>>, vector<1x16xf32>,
        %swap3A_1427 = vector.shape_cast %swap3A_1426 : vector<1x16xf32> to vector<16xf32>
        %swap3A_1428 = vector.shape_cast %mul3A_1423 : vector<16xf32> to vector<1x16xf32>
        tpu.vector_store %arg10[%swap3A_1424, %swap3A_1425], %swap3A_1428 {strides = array<i32>} : memref<80x128xf32, #tpu.memory_space<vmem>>, vector<1x16xf32>,
        %get3A_1429 = arith.index_cast %add3A_1371 : i32 to index
        %get3A_1430 = arith.constant 80 : index
        %get3A_1431 = tpu.vector_load %arg10[%get3A_1429, %get3A_1430] {strides = array<i32>} : memref<80x128xf32, #tpu.memory_space<vmem>>, vector<1x16xf32>,
        %get3A_1432 = vector.shape_cast %get3A_1431 : vector<1x16xf32> to vector<16xf32>
        %mul3A_1433 = vector.broadcast %squeeze3A_1373 : f32 to vector<16xf32>
        %mul3A_1434 = arith.mulf %get3A_1432, %mul3A_1433 : vector<16xf32>
        %swap3A_1435 = arith.index_cast %add3A_1371 : i32 to index
        %swap3A_1436 = arith.constant 80 : index
        %swap3A_1437 = tpu.vector_load %arg10[%swap3A_1435, %swap3A_1436] {strides = array<i32>} : memref<80x128xf32, #tpu.memory_space<vmem>>, vector<1x16xf32>,
        %swap3A_1438 = vector.shape_cast %swap3A_1437 : vector<1x16xf32> to vector<16xf32>
        %swap3A_1439 = vector.shape_cast %mul3A_1434 : vector<16xf32> to vector<1x16xf32>
        tpu.vector_store %arg10[%swap3A_1435, %swap3A_1436], %swap3A_1439 {strides = array<i32>} : memref<80x128xf32, #tpu.memory_space<vmem>>, vector<1x16xf32>,
        %get3A_1440 = arith.index_cast %add3A_1371 : i32 to index
        %get3A_1441 = arith.constant 96 : index
        %get3A_1442 = tpu.vector_load %arg10[%get3A_1440, %get3A_1441] {strides = array<i32>} : memref<80x128xf32, #tpu.memory_space<vmem>>, vector<1x16xf32>,
        %get3A_1443 = vector.shape_cast %get3A_1442 : vector<1x16xf32> to vector<16xf32>
        %mul3A_1444 = vector.broadcast %squeeze3A_1373 : f32 to vector<16xf32>
        %mul3A_1445 = arith.mulf %get3A_1443, %mul3A_1444 : vector<16xf32>
        %swap3A_1446 = arith.index_cast %add3A_1371 : i32 to index
        %swap3A_1447 = arith.constant 96 : index
        %swap3A_1448 = tpu.vector_load %arg10[%swap3A_1446, %swap3A_1447] {strides = array<i32>} : memref<80x128xf32, #tpu.memory_space<vmem>>, vector<1x16xf32>,
        %swap3A_1449 = vector.shape_cast %swap3A_1448 : vector<1x16xf32> to vector<16xf32>
        %swap3A_1450 = vector.shape_cast %mul3A_1445 : vector<16xf32> to vector<1x16xf32>
        tpu.vector_store %arg10[%swap3A_1446, %swap3A_1447], %swap3A_1450 {strides = array<i32>} : memref<80x128xf32, #tpu.memory_space<vmem>>, vector<1x16xf32>,
        %get3A_1451 = arith.index_cast %add3A_1371 : i32 to index
        %get3A_1452 = arith.constant 112 : index
        %get3A_1453 = tpu.vector_load %arg10[%get3A_1451, %get3A_1452] {strides = array<i32>} : memref<80x128xf32, #tpu.memory_space<vmem>>, vector<1x16xf32>,
        %get3A_1454 = vector.shape_cast %get3A_1453 : vector<1x16xf32> to vector<16xf32>
        %mul3A_1455 = vector.broadcast %squeeze3A_1373 : f32 to vector<16xf32>
        %mul3A_1456 = arith.mulf %get3A_1454, %mul3A_1455 : vector<16xf32>
        %swap3A_1457 = arith.index_cast %add3A_1371 : i32 to index
        %swap3A_1458 = arith.constant 112 : index
        %swap3A_1459 = tpu.vector_load %arg10[%swap3A_1457, %swap3A_1458] {strides = array<i32>} : memref<80x128xf32, #tpu.memory_space<vmem>>, vector<1x16xf32>,
        %swap3A_1460 = vector.shape_cast %swap3A_1459 : vector<1x16xf32> to vector<16xf32>
        %swap3A_1461 = vector.shape_cast %mul3A_1456 : vector<16xf32> to vector<1x16xf32>
        tpu.vector_store %arg10[%swap3A_1457, %swap3A_1458], %swap3A_1461 {strides = array<i32>} : memref<80x128xf32, #tpu.memory_space<vmem>>, vector<1x16xf32>,
        %mul3A_1462 = arith.constant 16 : i32
        %mul3A_1463 = arith.muli %scan3A_50, %mul3A_1462 : i32
        %add3A_1464 = arith.constant 15 : i32
        %add3A_1465 = arith.addi %mul3A_1463, %add3A_1464 : i32
        %slice3A_1466 = vector.extract_strided_slice %get3A_54 {offsets = [15], sizes = [1], strides = [1]} : vector<16xf32> to vector<1xf32>
        %squeeze3A_1467 = vector.extract %slice3A_1466[0] : f32 from vector<1xf32>
        %get3A_1468 = arith.index_cast %add3A_1465 : i32 to index
        %get3A_1469 = arith.constant 0 : index
        %get3A_1470 = tpu.vector_load %arg10[%get3A_1468, %get3A_1469] {strides = array<i32>} : memref<80x128xf32, #tpu.memory_space<vmem>>, vector<1x16xf32>,
        %get3A_1471 = vector.shape_cast %get3A_1470 : vector<1x16xf32> to vector<16xf32>
        %mul3A_1472 = vector.broadcast %squeeze3A_1467 : f32 to vector<16xf32>
        %mul3A_1473 = arith.mulf %get3A_1471, %mul3A_1472 : vector<16xf32>
        %swap3A_1474 = arith.index_cast %add3A_1465 : i32 to index
        %swap3A_1475 = arith.constant 0 : index
        %swap3A_1476 = tpu.vector_load %arg10[%swap3A_1474, %swap3A_1475] {strides = array<i32>} : memref<80x128xf32, #tpu.memory_space<vmem>>, vector<1x16xf32>,
        %swap3A_1477 = vector.shape_cast %swap3A_1476 : vector<1x16xf32> to vector<16xf32>
        %swap3A_1478 = vector.shape_cast %mul3A_1473 : vector<16xf32> to vector<1x16xf32>
        tpu.vector_store %arg10[%swap3A_1474, %swap3A_1475], %swap3A_1478 {strides = array<i32>} : memref<80x128xf32, #tpu.memory_space<vmem>>, vector<1x16xf32>,
        %get3A_1479 = arith.index_cast %add3A_1465 : i32 to index
        %get3A_1480 = arith.constant 16 : index
        %get3A_1481 = tpu.vector_load %arg10[%get3A_1479, %get3A_1480] {strides = array<i32>} : memref<80x128xf32, #tpu.memory_space<vmem>>, vector<1x16xf32>,
        %get3A_1482 = vector.shape_cast %get3A_1481 : vector<1x16xf32> to vector<16xf32>
        %mul3A_1483 = vector.broadcast %squeeze3A_1467 : f32 to vector<16xf32>
        %mul3A_1484 = arith.mulf %get3A_1482, %mul3A_1483 : vector<16xf32>
        %swap3A_1485 = arith.index_cast %add3A_1465 : i32 to index
        %swap3A_1486 = arith.constant 16 : index
        %swap3A_1487 = tpu.vector_load %arg10[%swap3A_1485, %swap3A_1486] {strides = array<i32>} : memref<80x128xf32, #tpu.memory_space<vmem>>, vector<1x16xf32>,
        %swap3A_1488 = vector.shape_cast %swap3A_1487 : vector<1x16xf32> to vector<16xf32>
        %swap3A_1489 = vector.shape_cast %mul3A_1484 : vector<16xf32> to vector<1x16xf32>
        tpu.vector_store %arg10[%swap3A_1485, %swap3A_1486], %swap3A_1489 {strides = array<i32>} : memref<80x128xf32, #tpu.memory_space<vmem>>, vector<1x16xf32>,
        %get3A_1490 = arith.index_cast %add3A_1465 : i32 to index
        %get3A_1491 = arith.constant 32 : index
        %get3A_1492 = tpu.vector_load %arg10[%get3A_1490, %get3A_1491] {strides = array<i32>} : memref<80x128xf32, #tpu.memory_space<vmem>>, vector<1x16xf32>,
        %get3A_1493 = vector.shape_cast %get3A_1492 : vector<1x16xf32> to vector<16xf32>
        %mul3A_1494 = vector.broadcast %squeeze3A_1467 : f32 to vector<16xf32>
        %mul3A_1495 = arith.mulf %get3A_1493, %mul3A_1494 : vector<16xf32>
        %swap3A_1496 = arith.index_cast %add3A_1465 : i32 to index
        %swap3A_1497 = arith.constant 32 : index
        %swap3A_1498 = tpu.vector_load %arg10[%swap3A_1496, %swap3A_1497] {strides = array<i32>} : memref<80x128xf32, #tpu.memory_space<vmem>>, vector<1x16xf32>,
        %swap3A_1499 = vector.shape_cast %swap3A_1498 : vector<1x16xf32> to vector<16xf32>
        %swap3A_1500 = vector.shape_cast %mul3A_1495 : vector<16xf32> to vector<1x16xf32>
        tpu.vector_store %arg10[%swap3A_1496, %swap3A_1497], %swap3A_1500 {strides = array<i32>} : memref<80x128xf32, #tpu.memory_space<vmem>>, vector<1x16xf32>,
        %get3A_1501 = arith.index_cast %add3A_1465 : i32 to index
        %get3A_1502 = arith.constant 48 : index
        %get3A_1503 = tpu.vector_load %arg10[%get3A_1501, %get3A_1502] {strides = array<i32>} : memref<80x128xf32, #tpu.memory_space<vmem>>, vector<1x16xf32>,
        %get3A_1504 = vector.shape_cast %get3A_1503 : vector<1x16xf32> to vector<16xf32>
        %mul3A_1505 = vector.broadcast %squeeze3A_1467 : f32 to vector<16xf32>
        %mul3A_1506 = arith.mulf %get3A_1504, %mul3A_1505 : vector<16xf32>
        %swap3A_1507 = arith.index_cast %add3A_1465 : i32 to index
        %swap3A_1508 = arith.constant 48 : index
        %swap3A_1509 = tpu.vector_load %arg10[%swap3A_1507, %swap3A_1508] {strides = array<i32>} : memref<80x128xf32, #tpu.memory_space<vmem>>, vector<1x16xf32>,
        %swap3A_1510 = vector.shape_cast %swap3A_1509 : vector<1x16xf32> to vector<16xf32>
        %swap3A_1511 = vector.shape_cast %mul3A_1506 : vector<16xf32> to vector<1x16xf32>
        tpu.vector_store %arg10[%swap3A_1507, %swap3A_1508], %swap3A_1511 {strides = array<i32>} : memref<80x128xf32, #tpu.memory_space<vmem>>, vector<1x16xf32>,
        %get3A_1512 = arith.index_cast %add3A_1465 : i32 to index
        %get3A_1513 = arith.constant 64 : index
        %get3A_1514 = tpu.vector_load %arg10[%get3A_1512, %get3A_1513] {strides = array<i32>} : memref<80x128xf32, #tpu.memory_space<vmem>>, vector<1x16xf32>,
        %get3A_1515 = vector.shape_cast %get3A_1514 : vector<1x16xf32> to vector<16xf32>
        %mul3A_1516 = vector.broadcast %squeeze3A_1467 : f32 to vector<16xf32>
        %mul3A_1517 = arith.mulf %get3A_1515, %mul3A_1516 : vector<16xf32>
        %swap3A_1518 = arith.index_cast %add3A_1465 : i32 to index
        %swap3A_1519 = arith.constant 64 : index
        %swap3A_1520 = tpu.vector_load %arg10[%swap3A_1518, %swap3A_1519] {strides = array<i32>} : memref<80x128xf32, #tpu.memory_space<vmem>>, vector<1x16xf32>,
        %swap3A_1521 = vector.shape_cast %swap3A_1520 : vector<1x16xf32> to vector<16xf32>
        %swap3A_1522 = vector.shape_cast %mul3A_1517 : vector<16xf32> to vector<1x16xf32>
        tpu.vector_store %arg10[%swap3A_1518, %swap3A_1519], %swap3A_1522 {strides = array<i32>} : memref<80x128xf32, #tpu.memory_space<vmem>>, vector<1x16xf32>,
        %get3A_1523 = arith.index_cast %add3A_1465 : i32 to index
        %get3A_1524 = arith.constant 80 : index
        %get3A_1525 = tpu.vector_load %arg10[%get3A_1523, %get3A_1524] {strides = array<i32>} : memref<80x128xf32, #tpu.memory_space<vmem>>, vector<1x16xf32>,
        %get3A_1526 = vector.shape_cast %get3A_1525 : vector<1x16xf32> to vector<16xf32>
        %mul3A_1527 = vector.broadcast %squeeze3A_1467 : f32 to vector<16xf32>
        %mul3A_1528 = arith.mulf %get3A_1526, %mul3A_1527 : vector<16xf32>
        %swap3A_1529 = arith.index_cast %add3A_1465 : i32 to index
        %swap3A_1530 = arith.constant 80 : index
        %swap3A_1531 = tpu.vector_load %arg10[%swap3A_1529, %swap3A_1530] {strides = array<i32>} : memref<80x128xf32, #tpu.memory_space<vmem>>, vector<1x16xf32>,
        %swap3A_1532 = vector.shape_cast %swap3A_1531 : vector<1x16xf32> to vector<16xf32>
        %swap3A_1533 = vector.shape_cast %mul3A_1528 : vector<16xf32> to vector<1x16xf32>
        tpu.vector_store %arg10[%swap3A_1529, %swap3A_1530], %swap3A_1533 {strides = array<i32>} : memref<80x128xf32, #tpu.memory_space<vmem>>, vector<1x16xf32>,
        %get3A_1534 = arith.index_cast %add3A_1465 : i32 to index
        %get3A_1535 = arith.constant 96 : index
        %get3A_1536 = tpu.vector_load %arg10[%get3A_1534, %get3A_1535] {strides = array<i32>} : memref<80x128xf32, #tpu.memory_space<vmem>>, vector<1x16xf32>,
        %get3A_1537 = vector.shape_cast %get3A_1536 : vector<1x16xf32> to vector<16xf32>
        %mul3A_1538 = vector.broadcast %squeeze3A_1467 : f32 to vector<16xf32>
        %mul3A_1539 = arith.mulf %get3A_1537, %mul3A_1538 : vector<16xf32>
        %swap3A_1540 = arith.index_cast %add3A_1465 : i32 to index
        %swap3A_1541 = arith.constant 96 : index
        %swap3A_1542 = tpu.vector_load %arg10[%swap3A_1540, %swap3A_1541] {strides = array<i32>} : memref<80x128xf32, #tpu.memory_space<vmem>>, vector<1x16xf32>,
        %swap3A_1543 = vector.shape_cast %swap3A_1542 : vector<1x16xf32> to vector<16xf32>
        %swap3A_1544 = vector.shape_cast %mul3A_1539 : vector<16xf32> to vector<1x16xf32>
        tpu.vector_store %arg10[%swap3A_1540, %swap3A_1541], %swap3A_1544 {strides = array<i32>} : memref<80x128xf32, #tpu.memory_space<vmem>>, vector<1x16xf32>,
        %get3A_1545 = arith.index_cast %add3A_1465 : i32 to index
        %get3A_1546 = arith.constant 112 : index
        %get3A_1547 = tpu.vector_load %arg10[%get3A_1545, %get3A_1546] {strides = array<i32>} : memref<80x128xf32, #tpu.memory_space<vmem>>, vector<1x16xf32>,
        %get3A_1548 = vector.shape_cast %get3A_1547 : vector<1x16xf32> to vector<16xf32>
        %mul3A_1549 = vector.broadcast %squeeze3A_1467 : f32 to vector<16xf32>
        %mul3A_1550 = arith.mulf %get3A_1548, %mul3A_1549 : vector<16xf32>
        %swap3A_1551 = arith.index_cast %add3A_1465 : i32 to index
        %swap3A_1552 = arith.constant 112 : index
        %swap3A_1553 = tpu.vector_load %arg10[%swap3A_1551, %swap3A_1552] {strides = array<i32>} : memref<80x128xf32, #tpu.memory_space<vmem>>, vector<1x16xf32>,
        %swap3A_1554 = vector.shape_cast %swap3A_1553 : vector<1x16xf32> to vector<16xf32>
        %swap3A_1555 = vector.shape_cast %mul3A_1550 : vector<16xf32> to vector<1x16xf32>
        tpu.vector_store %arg10[%swap3A_1551, %swap3A_1552], %swap3A_1555 {strides = array<i32>} : memref<80x128xf32, #tpu.memory_space<vmem>>, vector<1x16xf32>,
      }
      %scan3A_49 = arith.constant 5 : i32
      "tpu.region"() ({
        %run_scoped3A = tpu.sem_alloc : memref<!tpu.dma_semaphore, #tpu.memory_space<semaphore_mem>>
        %dma_start3A_50 = arith.constant 0 : i32
        %dma_start3A_51 = arith.constant 0 : i32
        %dma_start3A_52 = tpu.memref_slice %arg11[%dma_start3A_50, %dma_start3A_51] : memref<10000x128xf32, #tpu.memory_space<vmem_shared>> -> memref<10000x128xf32, #tpu.memory_space<vmem_shared>>
        tpu.enqueue_indirect_dma source(%arg10 : memref<80x128xf32, #tpu.memory_space<vmem>>) target(%dma_start3A_52 : memref<10000x128xf32, #tpu.memory_space<vmem_shared>>) offsets(%arg8 : memref<80xi32, #tpu.memory_space<vmem>>) semaphore(%run_scoped3A : memref<!tpu.dma_semaphore, #tpu.memory_space<semaphore_mem>>) {add = true}
        %dma_wait3A_53 = arith.constant 0 : i32
        %dma_wait3A_54 = arith.constant 0 : i32
        %dma_wait3A_55 = tpu.memref_slice %arg11[%dma_wait3A_53, %dma_wait3A_54] : memref<10000x128xf32, #tpu.memory_space<vmem_shared>> -> memref<10000x128xf32, #tpu.memory_space<vmem_shared>>
        tpu.wait_indirect_dma semaphore(%run_scoped3A : memref<!tpu.dma_semaphore, #tpu.memory_space<semaphore_mem>>) src(%arg10 : memref<80x128xf32, #tpu.memory_space<vmem>>) dst(%dma_wait3A_55 : memref<10000x128xf32, #tpu.memory_space<vmem_shared>>)
        tpu.yield
      }) : () -> ()
    }
    %scan3A_32 = arith.constant 125 : i32
    %barrier3A_33 = arith.constant 0 : index
    tpu.barrier barrier_id(%barrier3A_33)
    "tpu.region"() ({
      %run_scoped3A = tpu.sem_alloc : memref<!tpu.dma_semaphore, #tpu.memory_space<semaphore_mem>>
      %dma_start3A = arith.constant 0 : i32
      %dma_start3A_36 = tpu.memref_slice %arg6[%arg0, %mul3A_8, %dma_start3A] : memref<2x10000x128xf32, #tpu.memory_space<hbm>> -> memref<1x624x128xf32, #tpu.memory_space<hbm>>
      %dma_start3A_37 = tpu.memref_squeeze %dma_start3A_36 : memref<1x624x128xf32, #tpu.memory_space<hbm>> -> memref<624x128xf32, #tpu.memory_space<hbm>>
      %dma_start3A_38 = arith.constant 0 : i32
      %dma_start3A_39 = tpu.memref_slice %arg11[%mul3A_8, %dma_start3A_38] : memref<10000x128xf32, #tpu.memory_space<vmem_shared>> -> memref<624x128xf32, #tpu.memory_space<vmem_shared>>
      tpu.enqueue_dma source(%dma_start3A_39 : memref<624x128xf32, #tpu.memory_space<vmem_shared>>) target(%dma_start3A_37 : memref<624x128xf32, #tpu.memory_space<hbm>>) target_semaphore(%run_scoped3A : memref<!tpu.dma_semaphore, #tpu.memory_space<semaphore_mem>>)
      %dma_wait3A = arith.constant 0 : i32
      %dma_wait3A_40 = tpu.memref_slice %arg6[%arg0, %mul3A_8, %dma_wait3A] : memref<2x10000x128xf32, #tpu.memory_space<hbm>> -> memref<1x624x128xf32, #tpu.memory_space<hbm>>
      %dma_wait3A_41 = tpu.memref_squeeze %dma_wait3A_40 : memref<1x624x128xf32, #tpu.memory_space<hbm>> -> memref<624x128xf32, #tpu.memory_space<hbm>>
      %dma_wait3A_42 = arith.constant 0 : i32
      %dma_wait3A_43 = tpu.memref_slice %arg11[%mul3A_8, %dma_wait3A_42] : memref<10000x128xf32, #tpu.memory_space<vmem_shared>> -> memref<624x128xf32, #tpu.memory_space<vmem_shared>>
      tpu.wait_dma2 semaphore(%run_scoped3A : memref<!tpu.dma_semaphore, #tpu.memory_space<semaphore_mem>>) src(%dma_wait3A_43 : memref<624x128xf32, #tpu.memory_space<vmem_shared>>) dst(%dma_wait3A_41 : memref<624x128xf32, #tpu.memory_space<hbm>>)
      tpu.yield
    }) : () -> ()
    %eq3A = arith.constant 15 : i32
    %eq3A_34 = arith.cmpi eq, %arg1, %eq3A : i32
    %convert_element_type3A = arith.extui %eq3A_34 : i1 to i32
    %cond3A = arith.constant 0 : i32
    %cond3A_35 = arith.cmpi ne, %convert_element_type3A, %cond3A : i32
    scf.if %cond3A_35 {
      "tpu.region"() ({
        %run_scoped3A = tpu.sem_alloc : memref<!tpu.dma_semaphore, #tpu.memory_space<semaphore_mem>>
        %dma_start3A = arith.constant 9984 : i32
        %dma_start3A_36 = arith.constant 0 : i32
        %dma_start3A_37 = tpu.memref_slice %arg6[%arg0, %dma_start3A, %dma_start3A_36] : memref<2x10000x128xf32, #tpu.memory_space<hbm>> -> memref<1x16x128xf32, #tpu.memory_space<hbm>>
        %dma_start3A_38 = tpu.memref_squeeze %dma_start3A_37 : memref<1x16x128xf32, #tpu.memory_space<hbm>> -> memref<16x128xf32, #tpu.memory_space<hbm>>
        %dma_start3A_39 = arith.constant 9984 : i32
        %dma_start3A_40 = arith.constant 0 : i32
        %dma_start3A_41 = tpu.memref_slice %arg11[%dma_start3A_39, %dma_start3A_40] : memref<10000x128xf32, #tpu.memory_space<vmem_shared>> -> memref<16x128xf32, #tpu.memory_space<vmem_shared>>
        tpu.enqueue_dma source(%dma_start3A_41 : memref<16x128xf32, #tpu.memory_space<vmem_shared>>) target(%dma_start3A_38 : memref<16x128xf32, #tpu.memory_space<hbm>>) target_semaphore(%run_scoped3A : memref<!tpu.dma_semaphore, #tpu.memory_space<semaphore_mem>>)
        %dma_wait3A = arith.constant 9984 : i32
        %dma_wait3A_42 = arith.constant 0 : i32
        %dma_wait3A_43 = tpu.memref_slice %arg6[%arg0, %dma_wait3A, %dma_wait3A_42] : memref<2x10000x128xf32, #tpu.memory_space<hbm>> -> memref<1x16x128xf32, #tpu.memory_space<hbm>>
        %dma_wait3A_44 = tpu.memref_squeeze %dma_wait3A_43 : memref<1x16x128xf32, #tpu.memory_space<hbm>> -> memref<16x128xf32, #tpu.memory_space<hbm>>
        %dma_wait3A_45 = arith.constant 9984 : i32
        %dma_wait3A_46 = arith.constant 0 : i32
        %dma_wait3A_47 = tpu.memref_slice %arg11[%dma_wait3A_45, %dma_wait3A_46] : memref<10000x128xf32, #tpu.memory_space<vmem_shared>> -> memref<16x128xf32, #tpu.memory_space<vmem_shared>>
        tpu.wait_dma2 semaphore(%run_scoped3A : memref<!tpu.dma_semaphore, #tpu.memory_space<semaphore_mem>>) src(%dma_wait3A_47 : memref<16x128xf32, #tpu.memory_space<vmem_shared>>) dst(%dma_wait3A_44 : memref<16x128xf32, #tpu.memory_space<hbm>>)
        tpu.yield
      }) : () -> ()
    } else {
    }
    return
  }
}

module attributes {stable_mosaic.version = 14 : i64} {
  func.func @_combine_body(%arg0: i32, %arg1: memref<1000x128xf32, #tpu.memory_space<vmem>>, %arg2: memref<1000x128xf32, #tpu.memory_space<vmem>>, %arg3: memref<1000x128xf32, #tpu.memory_space<vmem>>) attributes {dimension_semantics = [#tpu.dimension_semantics<arbitrary>], iteration_bounds = array<i64: 10>, scalar_prefetch = 0 : i64, scratch_operands = 0 : i64, tpu.core_type = #tpu.core_type<tc>, window_params = [{transform_indices = @transform_0, window_bounds = array<i64: 1000, 128>}, {transform_indices = @transform_1, window_bounds = array<i64: 1000, 128>}, {transform_indices = @transform_2, window_bounds = array<i64: 1000, 128>}]} {
    %get3A = arith.constant 0 : index
    %get3A_0 = arith.constant 0 : index
    %get3A_1 = vector.load %arg1[%get3A, %get3A_0] : memref<1000x128xf32, #tpu.memory_space<vmem>>, vector<1000x128xf32>
    %get3A_2 = arith.constant 0 : index
    %get3A_3 = arith.constant 0 : index
    %get3A_4 = vector.load %arg2[%get3A_2, %get3A_3] : memref<1000x128xf32, #tpu.memory_space<vmem>>, vector<1000x128xf32>
    %add3A = arith.addf %get3A_1, %get3A_4 : vector<1000x128xf32>
    %swap3A = arith.constant 0 : index
    %swap3A_5 = arith.constant 0 : index
    %swap3A_6 = vector.load %arg3[%swap3A, %swap3A_5] : memref<1000x128xf32, #tpu.memory_space<vmem>>, vector<1000x128xf32>
    tpu.vector_store %arg3[%swap3A, %swap3A_5], %add3A {strides = array<i32>} : memref<1000x128xf32, #tpu.memory_space<vmem>>, vector<1000x128xf32>,
    return
  }
  func.func @transform_0(%arg0: i32) -> (i32, i32) {
    %c0_i32 = arith.constant 0 : i32
    %c0_i32_0 = arith.constant 0 : i32
    return %arg0, %c0_i32 : i32, i32
  }
  func.func @transform_1(%arg0: i32) -> (i32, i32) {
    %c0_i32 = arith.constant 0 : i32
    %c0_i32_0 = arith.constant 0 : i32
    return %arg0, %c0_i32 : i32, i32
  }
  func.func @transform_2(%arg0: i32) -> (i32, i32) {
    %c0_i32 = arith.constant 0 : i32
    %c0_i32_0 = arith.constant 0 : i32
    return %arg0, %c0_i32 : i32, i32
  }
}

</mosaic_0001>

<sc_bundles>
// kernel: kernel.4.cloned.1.call-start
scs
__scs_entry_jumppad:
0x0: {  	(pc) =	sbr.rel $0x88, $3  }
0x1: {  	(tag) =	ssettag $0x0;
	lr =	simm.s32 $0x1  }
0x2: {  	[smem:$0x3F9D] =	sst lr;
	_ =	strace $0xD0000000  }
0x3: {  	_ = 	snop  }
0x4: {  	_ = 	snop  }
0x5: {  	_ = 	snop  }
0x6: {  	_ = 	snop  }
0x7: {  	_ = 	snop  }
__scs_overlays_trampoline_lowered:
0x8: {  	[smem:$0x3FAC] =	sst s0  }
0x9: {  	[smem:$0x3FAD] =	sst s1  }
0xa: {  	[smem:$0x3FAE] =	sst s2  }
0xb: {  	[smem:$0x3FAF] =	sst s3  }
0xc: {  	[smem:$0x3FB0] =	sst s4  }
0xd: {  	[smem:$0x3FB1] =	sst s5  }
0xe: {  	[smem:$0x3FB2] =	sst s6  }
0xf: {  	[smem:$0x3FB3] =	sst s7  }
0x10: {  	[smem:$0x3FB4] =	sst s8  }
0x11: {  	[smem:$0x3FB5] =	sst s9;
	s0 =	simm.s32 @!p0 $0x0  }
0x12: {  	s1 =	sld [smem:$0x3F9B];
	s0 =	simm.s32 @p0 $0x1  }
0x13: {  	[smem:$0x3FB6] =	sst s0;
	s0 =	simm.s32 @!p1 $0x0  }
0x14: {  	s2 =	sld [smem:$0x3F9A];
	s0 =	simm.s32 @p1 $0x1  }
0x15: {  	[smem:$0x3FB7] =	sst s0;
	s0 =	simm.s32 @!p2 $0x0  }
0x16: {  	s3 =	sld [smem:$0x3FDB];
	s0 =	simm.s32 @p2 $0x1  }
0x17: {  	s4 =	simm.s32 $0x1BF5;
	[smem:$0x3FB9] =	sst s0  }
0x18: {  	s0 =	sld [smem:$0x3F9C];
	_ =	swait.ge [sflag:s4], $0x0  }
0x19: {  	s7 =	sld [smem:$0x3F9D]  }
0x1a: {  	s8 =	sadd.s32 $0xFFFFE003, lr  }
0x1b: {  	s9 =	sadd.s32 $0xFFFFFEF7, lr;
	s5 =	simm.s32 $0xFFFFFFFF;
	p2 =	slt.u32 s8, $0xFFFFF086  }
0x1c: {  	p1 =	slt.u32 s9, $0xF7A;
	s5 =	simm.s32 @!p2 $0x0  }
0x1d: {  	s5 =	simm.s32 @p1 $0x1;
	p0 =	seq.s32 s7, s2  }
0x1e: {  	s7 =	smul.u32 @!p0 $0xF7A, s2;
	p2 =	seq.s32 @!p0 s5, $0x0  }
0x1f: {  	s9 =	smul.u32 $0xF7A, s1;
	s8 =	simm.s32 @!p0 $0x1BF5;
	p2 =	por !p2, p0  }
0x20: {  	[sflag:s8] =	ssyncset.s32 @!p0 $0xFFFFF086;
	s6 =	sadd.s32 @!p0 s3, s7;
	s7 =	simm.s32 @!p0 $0x108  }
0x21: {  	s3 =	sadd.s32 s3, s9;
	s6 =	sadd.s32 @!p0 $0x88, s6;
	s7 =	simm.s32 @p2 $0x1082  }
0x22: {  	[simem:s7], [sflag:s8] =	dma.local @!p0 [hbm:s6], $0xF7A  }
0x23: {  	s9 =	sor.u32 $0xD0000000, s2;
	s6 =	simm.s32 $0x108;
	_ =	swait.ge @!p0 [sflag:s8], $0x0  }
0x24: {  	s3 =	sadd.s32 $0x88, s3;
	s6 =	simm.s32 @!p1 $0x1082;
	[sflag:s4] =	ssyncset.s32 $0xFFFFF086  }
0x25: {  	[simem:s6], [sflag:s4] =	dma.local [hbm:s3], $0xF7A  }
0x26: {  	[smem:$0x3F9D] =	sst s1;
	(tag) =	ssettag s2;
	_ =	strace s9  }
0x27: {  	s1 =	sld [smem:$0x3FAD]  }
0x28: {  	s2 =	sld [smem:$0x3FAE]  }
0x29: {  	s4 =	sld [smem:$0x3FB0]  }
0x2a: {  	p0 =	seq.s32 s5, $0x0;
	s5 =	sld [smem:$0x3FB1]  }
0x2b: {  	s6 =	sld [smem:$0x3FB2]  }
0x2c: {  	s7 =	sld [smem:$0x3FB3]  }
0x2d: {  	s3 =	simm.s32 $0x108;
	s8 =	sld [smem:$0x3FB4]  }
0x2e: {  	s3 =	simm.s32 @!p0 $0x1082;
	s9 =	sld [smem:$0x3FB5]  }
0x2f: {  	lr =	sadd.s32 s0, s3;
	s0 =	sld [smem:$0x3FAC]  }
0x30: {  	s3 =	sld [smem:$0x3FAF]  }
0x31: {  	[smem:$0x3FB8] =	sst s10  }
0x32: {  	s10 =	sld [smem:$0x3FB6];
	_ =	sdelay $0x3  }
0x33: {  	p0 =	seq.s32 s10, $0x1;
	s10 =	sld [smem:$0x3FB8];
	_ =	sdelay $0x3  }
0x34: {  	[smem:$0x3FB8] =	sst s10  }
0x35: {  	s10 =	sld [smem:$0x3FB7];
	_ =	sdelay $0x3  }
0x36: {  	p1 =	seq.s32 s10, $0x1;
	s10 =	sld [smem:$0x3FB8];
	_ =	sdelay $0x3  }
0x37: {  	[smem:$0x3FB8] =	sst s10  }
0x38: {  	s10 =	sld [smem:$0x3FB9]  }
0x39: {  	_ = 	snop;
	(pc) =	sbr.ind lr, $3  }
0x3a: {  	_ = 	snop  }
0x3b: {  	_ = 	snop  }
0x3c: {  	p2 =	seq.s32 s10, $0x1;
	s10 =	sld [smem:$0x3FB8]  }
0x3d: {  	_ =	shalt  }
0x3e: {  	_ =	shalt  }
0x3f: {  	_ =	shalt  }
0x40: {  	_ =	shalt  }
0x41: {  	_ =	shalt  }
0x42: {  	_ =	shalt  }
0x43: {  	_ =	shalt  }
0x44: {  	_ =	shalt  }
0x45: {  	_ =	shalt  }
0x46: {  	_ =	shalt  }
0x47: {  	_ =	shalt  }
0x48: {  	_ =	shalt  }
0x49: {  	_ =	shalt  }
0x4a: {  	_ =	shalt  }
0x4b: {  	_ =	shalt  }
0x4c: {  	_ =	shalt  }
0x4d: {  	_ =	shalt  }
0x4e: {  	_ =	shalt  }
0x4f: {  	_ =	shalt  }
0x50: {  	_ =	shalt  }
0x51: {  	_ =	shalt  }
0x52: {  	_ =	shalt  }
0x53: {  	_ =	shalt  }
0x54: {  	_ =	shalt  }
0x55: {  	_ =	shalt  }
0x56: {  	_ =	shalt  }
0x57: {  	_ =	shalt  }
0x58: {  	_ =	shalt  }
0x59: {  	_ =	shalt  }
0x5a: {  	_ =	shalt  }
0x5b: {  	_ =	shalt  }
0x5c: {  	_ =	shalt  }
0x5d: {  	_ =	shalt  }
0x5e: {  	_ =	shalt  }
0x5f: {  	_ =	shalt  }
0x60: {  	_ =	shalt  }
0x61: {  	_ =	shalt  }
0x62: {  	_ =	shalt  }
0x63: {  	_ =	shalt  }
0x64: {  	_ =	shalt  }
0x65: {  	_ =	shalt  }
0x66: {  	_ =	shalt  }
0x67: {  	_ =	shalt  }
0x68: {  	_ =	shalt  }
0x69: {  	_ =	shalt  }
0x6a: {  	_ =	shalt  }
0x6b: {  	_ =	shalt  }
0x6c: {  	_ =	shalt  }
0x6d: {  	_ =	shalt  }
0x6e: {  	_ =	shalt  }
0x6f: {  	_ =	shalt  }
0x70: {  	_ =	shalt  }
0x71: {  	_ =	shalt  }
0x72: {  	_ =	shalt  }
0x73: {  	_ =	shalt  }
0x74: {  	_ =	shalt  }
0x75: {  	_ =	shalt  }
0x76: {  	_ =	shalt  }
0x77: {  	_ =	shalt  }
0x78: {  	_ =	shalt  }
0x79: {  	_ =	shalt  }
0x7a: {  	_ =	shalt  }
0x7b: {  	_ =	shalt  }
0x7c: {  	_ =	shalt  }
0x7d: {  	_ =	shalt  }
0x7e: {  	_ =	shalt  }
0x7f: {  	_ =	shalt  }
0x80: {  	_ =	shalt  }
0x81: {  	_ =	shalt  }
0x82: {  	_ =	shalt  }
0x83: {  	_ =	shalt  }
0x84: {  	_ =	shalt  }
0x85: {  	_ =	shalt  }
0x86: {  	_ =	shalt  }
0x87: {  	_ =	shalt  }
.Lfunc_end0:
.L_simem_size_0:
called_computation_lowered:
.L_overlay_start_0:
0x88: {  	s2 =	sld [smem:$0x3FD9]  }
0x89: {  	s3 =	sld [smem:$0x3FFE];
	_ =	sdelay $0x1  }
0x8a: {  	s1 =	srdreg.scid  }
0x8b: {  	s0 =	sand.u32 $0x1, s1  }
0x8c: {  	s17 =	sshll.u32 s0, $0xA;
	s2 =	sadd.s32 s3, s2  }
0x8d: {  	s2 =	sadd.s32 s2, s17  }
0x8e: {  	[smem:$0x3FC4] =	sst s2  }
0x8f: {  	_ = 	snop  }
0x90: {  	s2 =	sld [smem:$0x3FC9]  }
0x91: {  	s18 =	sld [smem:$0x3FC8]  }
0x92: {  	s4 =	sld [smem:$0x3FC7]  }
0x93: {  	s5 =	sld [smem:$0x3FC6];
	(tm) =	ssettm $0x1  }
0x94: {  	s6 =	sld [smem:$0x3FFB];
	_ =	sdelay $0x3  }
0x95: {  	_ =	strace s6  }
0x96: {  	s6 =	sld [smem:$0x3FFC];
	_ =	sdelay $0x3  }
0x97: {  	_ =	strace s6  }
0x98: {  	s6 =	sld [smem:$0x3FFD];
	_ =	sdelay $0x3  }
0x99: {  	_ =	strace s6  }
0x9a: {  	_ =	strace $0x8FFFFFFF  }
0x9b: {  	s19 =	sld [smem:$0x3FDB];
	_ =	sdelay $0x1  }
0x9c: {  	s7 =	simm.s32 $_scs_section_size  }
0x9d: {  	s8 =	simm.s32 $_size__tile_overlayer_lowered;
	s9 =	simm.s32 $_tile_overlayer_lowered  }
0x9e: {  	s22 =	simm.s32 $0x1BFF;
	s21 =	sshll.u32 s9, $0x1;
	s6 =	sadd.s32 s7, s19  }
0x9f: {  	s10 =	simm.s32 $0x0;
	s20 =	sshll.u32 s8, $0x1;
	s8 =	sadd.s32 s21, s6  }
0xa0: {  	[timem:s10], [sflag:s22] =	dma.local [hbm:s8], s20  }
0xa1: {  	_ =	swait.ge [sflag:s22], s20  }
0xa2: {  	s7 =	ssub.s32 $0x0, s20;
	[sflag:s22] =	ssyncset.done $0x0  }
0xa3: {  	[sflag:s22] =	ssyncadd.s32 s7;
	_ =	sdelay $0x1  }
0xa4: {  	s23 =	simm.s32 $0x1B8B  }
0xa5: {  	_ =	swait.ge [sflag:s23], $0x1  }
0xa6: {  	[sflag:s23] =	ssyncset.done $0x0  }
0xa7: {  	s25 =	simm.s32 $0x1B8E;
	s24 =	sld [smem:$0x3FFE];
	[sflag:s23] =	ssyncadd.s32 $0xFFFFFFFF  }
0xa8: {  	s26 =	simm.s32 $execute0_lowered;
	[smem:$0x3FD2] =	sst s25  }
0xa9: {  	s8 =	sshll.u32 s26, $0x1;
	_ =	strace $0x80000046;
	[dreg:$0x1] =	wrdreg $0xFFFFFFFF  }
0xaa: {  	s28 =	simm.s32 $_size_execute0_lowered;
	s6 =	sadd.s32 s6, s8;
	[dreg:$0x0] =	wrdreg $0x0  }
0xab: {  	s8 =	sshll.u32 s28, $0x1;
	[dreg:$0x2] =	wrdreg s6  }
0xac: {  	[dreg:$0x3] =	wrdreg s8  }
0xad: {  	[dreg:$0x4] =	wrdreg $0xC0  }
0xae: {  	_ =	task [dreg:s10], $0x5FFFF  }
0xaf: {  	[dreg:$0x1] =	wrdreg $0xFFFFFFFF  }
0xb0: {  	[dreg:$0x0] =	wrdreg $0x60  }
0xb1: {  	[dreg:$0x2] =	wrdreg s2  }
0xb2: {  	[dreg:$0x3] =	wrdreg s18  }
0xb3: {  	[dreg:$0x4] =	wrdreg s4  }
0xb4: {  	[dreg:$0x5] =	wrdreg s5  }
0xb5: {  	[dreg:$0x6] =	wrdreg s24  }
0xb6: {  	[dreg:$0x7] =	wrdreg $0x29800  }
0xb7: {  	[dreg:$0x8] =	wrdreg $0x9  }
0xb8: {  	_ =	task.clear_ibuf [dreg:s10], $0x9FFFF;
	_ =	strace $0x90000046  }
0xb9: {  	s29 =	simm.s32 $0x9;
	_ =	strace $0x80000048  }
0xba: {  	_ =	swait.ge [sflag:s29], $0x1  }
0xbb: {  	[sflag:s29] =	ssyncadd.s32 $0xFFFFFFFF  }
0xbc: {  	_ =	strace $0x90000048  }
0xbd: {  	_ =	sfence  }
0xbe: {  	s30 =	sld [smem:$0x0];
	_ =	sdelay $0x2  }
0xbf: {  	s31 =	sshll.u32 s1, $0xD;
	s1 =	sshrl.u32 s1, $0x2  }
0xc0: {  	s3 =	sand.u32 $0x4000, s31;
	s1 =	sadd.s32 s1, s30  }
0xc1: {  	s0 =	sor.u32 s3, s0;
	s1 =	sshll.u32 s1, $0x11  }
0xc2: {  	s0 =	sor.u32 s1, s0  }
0xc3: {  	s0 =	sadd.s32 $0x8F2B, s0  }
0xc4: {  	[sflag:s0] =	ssyncadd.remote.s32 $0x1  }
0xc5: {  	_ =	sfence.sel $0xFFFF  }
0xc6: {  	[dreg:$0x0] =	wrdreg $0xFFFFFFFF;
	(pc) =	sbr.abs _section_cstart, $3  }
0xc7: {  	[dreg:$0x1] =	wrdreg $0xFFFFFFFF  }
0xc8: {  	_ =	task.clear_ibuf [dreg:s10], $0x2FFFF;
	_ =	strace $0x9FFFFFFF  }
0xc9: {  	(tm) =	ssettm $0x7FFFFFFF  }
tec
execute0_lowered:
.L_overlay_start_1:
0x0: {  	(tag) =	ssettag $0x1  }
0x1: {  	s1 =	rddreg [dreg:$0x0]  }
0x2: {  	s2 =	rddreg [dreg:$0x1]  }
0x3: {  	s3 =	rddreg [dreg:$0x2]  }
0x4: {  	s4 =	rddreg [dreg:$0x3]  }
0x5: {  	s8 =	rddreg [dreg:$0x4]  }
0x6: {  	s6 =	rddreg [dreg:$0x5];
	s7 =	simm.s32 $0x0;
	s9 =	srdreg.scid  }
0x7: {  	s5 =	stileid.u32;
	s21 =	simm.s32 $0x2;
	s22 =	simm.s32 $0x80  }
0x8: {  	s23 =	simm.s32 $0x100;
	s24 =	simm.s32 $0x50;
	s26 =	simm.s32 $0x1  }
0x9: {  	[smem:$0x7FF] =	sst s7;
	s10 =	sand.u32 $0x1, s9;
	s29 =	smul.u32 $0x4E000, s5  }
0xa: {  	s17 =	sadd.s32 $0x600, s8;
	s31 =	sshll.u32 s5, $0x1;
	s20 =	smul.u32 $0x13800, s5  }
0xb: {  	s25 =	sadd.s32 $0x138000, s6;
	p0 =	sne.s32 s5, $0xF;
	_ =	strace $0x80000047  }
0xc: {  	s11 =	ssub.s32 $0x2, s10;
	s16 =	sor.u32 s10, s31;
	s18 =	smul.u32 $0x138800, s10  }
0xd: {  	s25 =	sshrl.u32 @!p0 s25, $0x3;
	s30 =	sshrl.u32 s11, $0x1;
	s9 =	sshrl.u32 s29, $0x2  }
0xe: {  	s16 =	smul.u32 $0x2710, s16;
	s19 =	ssub.s32 s11, s30;
	s8 =	sadd.s32 s9, s6  }
0xf: {  	s20 =	sadd.s32 s20, s18;
	s18 =	sshrl.u32 s18, $0x3;
	s9 =	sadd.s32 $0x2800, s8  }
0x10: {  	s10 =	sadd.s32 $0x5000, s8;
	s11 =	sadd.s32 $0x7800, s8;
	s12 =	sadd.s32 $0xA000, s8  }
0x11: {  	s13 =	sadd.s32 $0xC800, s8;
	s14 =	sadd.s32 $0xF000, s8;
	s15 =	sadd.s32 $0x11800, s8  }
0x12: {  	s20 =	sshrl.u32 s20, $0x3;
	s18 =	sadd.s32 s17, s18;
	s19 =	smax.u32 s19, $0x1  }
0x13: {  	v0 =	vimm.f32 $0.0e+00;
	s17 =	sadd.s32 s17, s20;
	s18 =	sadd.s32 $0x27000, s18;
	s20 =	simm.s32 $0x180  }
.LBB2_1:
0x14: {  	s28 =	simm.s32 $0x0;
	s29 =	simm.s32 $0x200  }
.LBB2_2:
0x15: {  	p1 =	sne.s32 s29, $0x9E00;
	[tilespmem:s28+$0x1F0] =	vst v0  }
0x16: {  	[tilespmem:s28+$0x180] =	vst v0  }
0x17: {  	[tilespmem:s28+$0x190] =	vst v0  }
.Ltmp0:
0x18: {  	[tilespmem:s28+$0x1A0] =	vst v0;
	(pc) =	sbr.rel @p1 .LBB2_2-.Ltmp0, $4  }
0x19: {  	[tilespmem:s28+$0x1B0] =	vst v0  }
0x1a: {  	[tilespmem:s28+$0x1C0] =	vst v0  }
0x1b: {  	[tilespmem:s28+$0x1D0] =	vst v0  }
0x1c: {  	[tilespmem:s28+$0x1E0] =	vst v0;
	s28 =	sshra.s32 s29, $0x2;
	s29 =	sadd.s32 $0x200, s29  }
0x1d: {  	[tilespmem:s28+$0x1F0] =	vst v0  }
0x1e: {  	[tilespmem:s28+$0x180] =	vst v0  }
0x1f: {  	[tilespmem:s28+$0x190] =	vst v0  }
0x20: {  	[tilespmem:s28+$0x1A0] =	vst v0  }
0x21: {  	[tilespmem:s28+$0x1B0] =	vst v0  }
0x22: {  	[tilespmem:s28+$0x1C0] =	vst v0  }
0x23: {  	[tilespmem:s28+$0x1D0] =	vst v0  }
0x24: {  	[tilespmem:s28+$0x1E0] =	vst v0  }
0x25: {  	[spmem:s8] =	stream.linear.scatter [tilespmem:s20], [sflag:$0x2], $0x2800, $0x38;
	[tilespmem:$0x16200] =	vst v63  }
0x26: {  	_ =	swait.ge [sflag:s21], $0x2800  }
0x27: {  	[sflag:s21] =	ssyncset.done $0x0  }
0x28: {  	[sflag:s21] =	ssyncadd.s32 $0xFFFFD800  }
0x29: {  	[spmem:s9] =	stream.linear.scatter [tilespmem:s20], [sflag:$0x2], $0x2800, $0x38;
	[tilespmem:$0x16200] =	vst v63  }
0x2a: {  	_ =	swait.ge [sflag:s21], $0x2800  }
0x2b: {  	[sflag:s21] =	ssyncset.done $0x0  }
0x2c: {  	[sflag:s21] =	ssyncadd.s32 $0xFFFFD800  }
0x2d: {  	[spmem:s10] =	stream.linear.scatter [tilespmem:s20], [sflag:$0x2], $0x2800, $0x38;
	[tilespmem:$0x16200] =	vst v63  }
0x2e: {  	_ =	swait.ge [sflag:s21], $0x2800  }
0x2f: {  	[sflag:s21] =	ssyncset.done $0x0  }
0x30: {  	[sflag:s21] =	ssyncadd.s32 $0xFFFFD800  }
0x31: {  	[spmem:s11] =	stream.linear.scatter [tilespmem:s20], [sflag:$0x2], $0x2800, $0x38;
	[tilespmem:$0x16200] =	vst v63  }
0x32: {  	_ =	swait.ge [sflag:s21], $0x2800  }
0x33: {  	[sflag:s21] =	ssyncset.done $0x0  }
0x34: {  	[sflag:s21] =	ssyncadd.s32 $0xFFFFD800  }
0x35: {  	[spmem:s12] =	stream.linear.scatter [tilespmem:s20], [sflag:$0x2], $0x2800, $0x38;
	[tilespmem:$0x16200] =	vst v63  }
0x36: {  	_ =	swait.ge [sflag:s21], $0x2800  }
0x37: {  	[sflag:s21] =	ssyncset.done $0x0  }
0x38: {  	[sflag:s21] =	ssyncadd.s32 $0xFFFFD800  }
0x39: {  	[spmem:s13] =	stream.linear.scatter [tilespmem:s20], [sflag:$0x2], $0x2800, $0x38;
	[tilespmem:$0x16200] =	vst v63  }
0x3a: {  	_ =	swait.ge [sflag:s21], $0x2800  }
0x3b: {  	[sflag:s21] =	ssyncset.done $0x0  }
0x3c: {  	[sflag:s21] =	ssyncadd.s32 $0xFFFFD800  }
0x3d: {  	[spmem:s14] =	stream.linear.scatter [tilespmem:s20], [sflag:$0x2], $0x2800, $0x38;
	[tilespmem:$0x16200] =	vst v63  }
0x3e: {  	_ =	swait.ge [sflag:s21], $0x2800  }
0x3f: {  	[sflag:s21] =	ssyncset.done $0x0  }
0x40: {  	[sflag:s21] =	ssyncadd.s32 $0xFFFFD800  }
0x41: {  	[spmem:s15] =	stream.linear.scatter [tilespmem:s20], [sflag:$0x2], $0x2800, $0x38;
	[tilespmem:$0x16200] =	vst v63  }
0x42: {  	_ =	swait.ge [sflag:s21], $0x2800  }
0x43: {  	[sflag:s21] =	ssyncset.done $0x0  }
0x44: {  	[sflag:s21] =	ssyncadd.s32 $0xFFFFD800  }
0x45: {  	s28 =	simm.s32 $0x0;
	s29 =	simm.s32 $0x0;
	[bflag:$0x0] =	sbarrier.arrive $0xFFFF  }
.LBB2_4:
0x46: {  	s30 =	smul.u32 $0x50, s29;
	_ =	sdelay $0x1  }
0x47: {  	s30 =	sadd.s32 s16, s30  }
0x48: {  	s30 =	sshrl.u32 s30, $0x3  }
0x49: {  	s31 =	sadd.s32 s3, s30  }
0x4a: {  	[tilespmem:s28], [sflag:$0x2] =	stream.linear.gather [hbm4b:s31+s28], $0x50, $0x38;
	[tilespmem:$0x16200] =	vst v63  }
0x4b: {  	_ =	swait.ge [sflag:s21], $0x50  }
0x4c: {  	[sflag:s21] =	ssyncset.done $0x0  }
0x4d: {  	s31 =	sadd.s32 s2, s30;
	[sflag:s21] =	ssyncadd.s32 $0xFFFFFFB0  }
0x4e: {  	[tilespmem:s22], [sflag:$0x2] =	stream.linear.gather [hbm4b:s31+s28], $0x50, $0x38;
	[tilespmem:$0x16200] =	vst v63  }
0x4f: {  	_ =	swait.ge [sflag:s21], $0x50  }
0x50: {  	[sflag:s21] =	ssyncset.done $0x0  }
0x51: {  	s30 =	sadd.s32 s4, s30;
	[sflag:s21] =	ssyncadd.s32 $0xFFFFFFB0  }
0x52: {  	[tilespmem:s23], [sflag:$0x2] =	stream.linear.gather [hbm4b:s30+s28], $0x50, $0x38;
	[tilespmem:$0x16200] =	vst v63  }
0x53: {  	_ =	swait.ge [sflag:s21], $0x50  }
0x54: {  	[sflag:s21] =	ssyncset.done $0x0  }
0x55: {  	[sflag:s21] =	ssyncadd.s32 $0xFFFFFFB0  }
0x56: {  	[tilespmem:s20], [sflag:$0x1] =	stream.indirect.gather [hbm4b:s1+s24], $0x80, s28, s24, $0xb8;
	[tilespmem:$0x16200] =	vst v63  }
0x57: {  	_ =	swait.ge [sflag:s26], $0x2800  }
0x58: {  	s30 =	simm.s32 $0x0;
	[sflag:s26] =	ssyncset.done $0x0  }
0x59: {  	s30 =	sand.u32 $0x3FFFFFF0, s30;
	[sflag:s26] =	ssyncadd.s32 $0xFFFFD800  }
0x5a: {  	s31 =	simm.s32 $0x0;
	v1 =	vld [tilespmem:s30+$0x100]  }
0x5b: {  	s30 =	sand.u32 $0x3FFFF800, s31  }
0x5c: {  	v3 =	vld [tilespmem:s30+$0x1A0]  }
0x5d: {  	v4 =	vld [tilespmem:s30+$0x1B0]  }
0x5e: {  	v10 =	vld [tilespmem:s30+$0x1E0]  }
0x5f: {  	v11 =	vld [tilespmem:s30+$0x1F0];
	v2 =	vbroadcast v1, $0x0  }
0x60: {  	v12 =	vld [tilespmem:s30+$0x200]  }
0x61: {  	v13 =	vld [tilespmem:s30+$0x210];
	v3 =	vmul.f32 v3, v2  }
0x62: {  	v14 =	vld [tilespmem:s30+$0x220];
	v4 =	vmul.f32 v4, v2  }
0x63: {  	v9 =	vld [tilespmem:s30+$0x230];
	v23 =	vbroadcast v1, $0x1;
	v22 =	vmul.f32 v10, v2;
	[tilespmem:s30+$0x1A0] =	vst v3  }
0x64: {  	v7 =	vld [tilespmem:s30+$0x240];
	v11 =	vmul.f32 v11, v2;
	[tilespmem:s30+$0x1B0] =	vst v4  }
0x65: {  	v8 =	vld [tilespmem:s30+$0x250];
	v12 =	vmul.f32 v12, v23;
	[tilespmem:s30+$0x1E0] =	vst v22  }
0x66: {  	v25 =	vld [tilespmem:s30+$0x270];
	v13 =	vmul.f32 v13, v23;
	[tilespmem:s30+$0x1F0] =	vst v11  }
0x67: {  	v26 =	vld [tilespmem:s30+$0x280];
	v14 =	vmul.f32 v14, v23;
	[tilespmem:s30+$0x200] =	vst v12  }
0x68: {  	v27 =	vld [tilespmem:s30+$0x290];
	v9 =	vmul.f32 v9, v23;
	[tilespmem:s30+$0x210] =	vst v13  }
0x69: {  	v6 =	vld [tilespmem:s30+$0x6F0];
	v7 =	vmul.f32 v7, v23;
	[tilespmem:s30+$0x220] =	vst v14  }
0x6a: {  	v24 =	vld [tilespmem:s30+$0x260];
	v15 =	vbroadcast v1, $0x2;
	v8 =	vmul.f32 v8, v23;
	[tilespmem:s30+$0x230] =	vst v9  }
0x6b: {  	v28 =	vld [tilespmem:s30+$0x2A0];
	v10 =	vmul.f32 v25, v23;
	[tilespmem:s30+$0x240] =	vst v7  }
0x6c: {  	v29 =	vld [tilespmem:s30+$0x2B0];
	v5 =	vbroadcast v1, $0xA;
	v32 =	vmul.f32 v26, v15;
	[tilespmem:s30+$0x250] =	vst v8  }
0x6d: {  	v30 =	vld [tilespmem:s30+$0x2C0];
	v34 =	vmul.f32 v27, v15;
	[tilespmem:s30+$0x270] =	vst v10  }
0x6e: {  	v33 =	vld [tilespmem:s30+$0x2E0];
	v3 =	vmul.f32 v6, v5;
	[tilespmem:s30+$0x280] =	vst v32  }
0x6f: {  	v35 =	vld [tilespmem:s30+$0x2F0];
	v11 =	vmul.f32 v24, v23;
	[tilespmem:s30+$0x290] =	vst v34  }
0x70: {  	v36 =	vld [tilespmem:s30+$0x300];
	v9 =	vmul.f32 v28, v15;
	[tilespmem:s30+$0x6F0] =	vst v3  }
0x71: {  	v31 =	vld [tilespmem:s30+$0x2D0];
	v7 =	vmul.f32 v29, v15;
	[tilespmem:s30+$0x260] =	vst v11  }
0x72: {  	v37 =	vld [tilespmem:s30+$0x310];
	v8 =	vmul.f32 v30, v15;
	[tilespmem:s30+$0x2A0] =	vst v9  }
0x73: {  	v38 =	vld [tilespmem:s30+$0x320];
	v41 =	vbroadcast v1, $0x3;
	v10 =	vmul.f32 v33, v15;
	[tilespmem:s30+$0x2B0] =	vst v7  }
0x74: {  	v39 =	vld [tilespmem:s30+$0x330];
	v12 =	vmul.f32 v35, v15;
	[tilespmem:s30+$0x2C0] =	vst v8  }
0x75: {  	v42 =	vld [tilespmem:s30+$0x350];
	v13 =	vmul.f32 v36, v41;
	[tilespmem:s30+$0x2E0] =	vst v10  }
0x76: {  	v43 =	vld [tilespmem:s30+$0x360];
	v11 =	vmul.f32 v31, v15;
	[tilespmem:s30+$0x2F0] =	vst v12  }
0x77: {  	v44 =	vld [tilespmem:s30+$0x370];
	v9 =	vmul.f32 v37, v41;
	[tilespmem:s30+$0x300] =	vst v13  }
0x78: {  	v40 =	vld [tilespmem:s30+$0x340];
	v7 =	vmul.f32 v38, v41;
	[tilespmem:s30+$0x2D0] =	vst v11  }
0x79: {  	v45 =	vld [tilespmem:s30+$0x380];
	v8 =	vmul.f32 v39, v41;
	[tilespmem:s30+$0x310] =	vst v9  }
0x7a: {  	v46 =	vld [tilespmem:s30+$0x390];
	v10 =	vmul.f32 v42, v41;
	[tilespmem:s30+$0x320] =	vst v7  }
0x7b: {  	v47 =	vld [tilespmem:s30+$0x3A0];
	v12 =	vmul.f32 v43, v41;
	[tilespmem:s30+$0x330] =	vst v8  }
0x7c: {  	v49 =	vld [tilespmem:s30+$0x3C0];
	v50 =	vbroadcast v1, $0x4;
	v13 =	vmul.f32 v44, v41;
	[tilespmem:s30+$0x350] =	vst v10  }
0x7d: {  	v51 =	vld [tilespmem:s30+$0x3D0];
	v11 =	vmul.f32 v40, v41;
	[tilespmem:s30+$0x360] =	vst v12  }
0x7e: {  	v52 =	vld [tilespmem:s30+$0x3E0];
	v9 =	vmul.f32 v45, v50;
	[tilespmem:s30+$0x370] =	vst v13  }
0x7f: {  	v48 =	vld [tilespmem:s30+$0x3B0];
	v7 =	vmul.f32 v46, v50;
	[tilespmem:s30+$0x340] =	vst v11  }
0x80: {  	v53 =	vld [tilespmem:s30+$0x3F0];
	v8 =	vmul.f32 v47, v50;
	[tilespmem:s30+$0x380] =	vst v9  }
0x81: {  	v54 =	vld [tilespmem:s30+$0x400];
	v10 =	vmul.f32 v49, v50;
	[tilespmem:s30+$0x390] =	vst v7  }
0x82: {  	v55 =	vld [tilespmem:s30+$0x410];
	v12 =	vmul.f32 v51, v50;
	[tilespmem:s30+$0x3A0] =	vst v8  }
0x83: {  	v57 =	vld [tilespmem:s30+$0x430];
	v13 =	vmul.f32 v52, v50;
	[tilespmem:s30+$0x3C0] =	vst v10  }
0x84: {  	v58 =	vld [tilespmem:s30+$0x440];
	v59 =	vbroadcast v1, $0x5;
	v11 =	vmul.f32 v48, v50;
	[tilespmem:s30+$0x3D0] =	vst v12  }
0x85: {  	v60 =	vld [tilespmem:s30+$0x450];
	v9 =	vmul.f32 v53, v50;
	[tilespmem:s30+$0x3E0] =	vst v13  }
0x86: {  	v56 =	vld [tilespmem:s30+$0x420];
	v7 =	vmul.f32 v54, v59;
	[tilespmem:s30+$0x3B0] =	vst v11  }
0x87: {  	v61 =	vld [tilespmem:s30+$0x460];
	v8 =	vmul.f32 v55, v59;
	[tilespmem:s30+$0x3F0] =	vst v9  }
0x88: {  	v62 =	vld [tilespmem:s30+$0x470];
	v10 =	vmul.f32 v57, v59;
	[tilespmem:s30+$0x400] =	vst v7  }
0x89: {  	v63 =	vld [tilespmem:s30+$0x480];
	v12 =	vmul.f32 v58, v59;
	[tilespmem:s30+$0x410] =	vst v8  }
0x8a: {  	v19 =	vld [tilespmem:s30+$0x4A0];
	v13 =	vmul.f32 v60, v59;
	[tilespmem:s30+$0x430] =	vst v10  }
0x8b: {  	v20 =	vld [tilespmem:s30+$0x4B0];
	v11 =	vmul.f32 v56, v59;
	[tilespmem:s30+$0x440] =	vst v12  }
0x8c: {  	v21 =	vld [tilespmem:s30+$0x4C0];
	v22 =	vbroadcast v1, $0x6;
	v9 =	vmul.f32 v61, v59;
	[tilespmem:s30+$0x450] =	vst v13  }
0x8d: {  	v18 =	vld [tilespmem:s30+$0x490];
	v7 =	vmul.f32 v62, v59;
	[tilespmem:s30+$0x420] =	vst v11  }
0x8e: {  	v23 =	vld [tilespmem:s30+$0x4D0];
	v8 =	vmul.f32 v63, v22;
	[tilespmem:s30+$0x460] =	vst v9  }
0x8f: {  	v24 =	vld [tilespmem:s30+$0x4E0];
	v10 =	vmul.f32 v19, v22;
	[tilespmem:s30+$0x470] =	vst v7  }
0x90: {  	v25 =	vld [tilespmem:s30+$0x4F0];
	v12 =	vmul.f32 v20, v22;
	[tilespmem:s30+$0x480] =	vst v8  }
0x91: {  	v27 =	vld [tilespmem:s30+$0x510];
	v13 =	vmul.f32 v21, v22;
	[tilespmem:s30+$0x4A0] =	vst v10  }
0x92: {  	v28 =	vld [tilespmem:s30+$0x520];
	v11 =	vmul.f32 v18, v22;
	[tilespmem:s30+$0x4B0] =	vst v12  }
0x93: {  	v29 =	vld [tilespmem:s30+$0x530];
	v9 =	vmul.f32 v23, v22;
	[tilespmem:s30+$0x4C0] =	vst v13  }
0x94: {  	v31 =	vbroadcast v1, $0x7;
	v53 =	vld [tilespmem:s30+$0x680];
	v7 =	vmul.f32 v24, v22;
	[tilespmem:s30+$0x490] =	vst v11  }
0x95: {  	v57 =	vld [tilespmem:s30+$0x6C0];
	v8 =	vmul.f32 v25, v22;
	[tilespmem:s30+$0x4D0] =	vst v9  }
0x96: {  	v58 =	vld [tilespmem:s30+$0x6D0];
	v10 =	vmul.f32 v27, v31;
	[tilespmem:s30+$0x4E0] =	vst v7  }
0x97: {  	v26 =	vld [tilespmem:s30+$0x500];
	v12 =	vmul.f32 v28, v31;
	[tilespmem:s30+$0x4F0] =	vst v8  }
0x98: {  	v30 =	vld [tilespmem:s30+$0x540];
	v13 =	vmul.f32 v29, v31;
	[tilespmem:s30+$0x510] =	vst v10  }
0x99: {  	v32 =	vld [tilespmem:s30+$0x550];
	v59 =	vmul.f32 v53, v5;
	[tilespmem:s30+$0x520] =	vst v12  }
0x9a: {  	v33 =	vld [tilespmem:s30+$0x560];
	v18 =	vmul.f32 v57, v5;
	[tilespmem:s30+$0x530] =	vst v13  }
0x9b: {  	v35 =	vld [tilespmem:s30+$0x580];
	v20 =	vmul.f32 v58, v5;
	[tilespmem:s30+$0x680] =	vst v59  }
0x9c: {  	v36 =	vld [tilespmem:s30+$0x590];
	v11 =	vmul.f32 v26, v31;
	[tilespmem:s30+$0x6C0] =	vst v18  }
0x9d: {  	v37 =	vld [tilespmem:s30+$0x5A0];
	v9 =	vmul.f32 v30, v31;
	[tilespmem:s30+$0x6D0] =	vst v20  }
0x9e: {  	v4 =	vld [tilespmem:s30+$0x700];
	v40 =	vbroadcast v1, $0x8;
	v7 =	vmul.f32 v32, v31;
	[tilespmem:s30+$0x500] =	vst v11  }
0x9f: {  	v6 =	vld [tilespmem:s30+$0x710];
	v8 =	vmul.f32 v33, v31;
	[tilespmem:s30+$0x540] =	vst v9  }
0xa0: {  	v3 =	vld [tilespmem:s30+$0x950];
	v10 =	vmul.f32 v35, v40;
	[tilespmem:s30+$0x550] =	vst v7  }
0xa1: {  	v61 =	vld [tilespmem:s30+$0x180];
	v23 =	vbroadcast v1, $0xB;
	v12 =	vmul.f32 v36, v40;
	[tilespmem:s30+$0x560] =	vst v8  }
0xa2: {  	v34 =	vld [tilespmem:s30+$0x570];
	v13 =	vmul.f32 v37, v40;
	[tilespmem:s30+$0x580] =	vst v10  }
0xa3: {  	v38 =	vld [tilespmem:s30+$0x5B0];
	v27 =	vbroadcast v1, $0xF;
	v4 =	vmul.f32 v4, v23;
	[tilespmem:s30+$0x590] =	vst v12  }
0xa4: {  	v39 =	vld [tilespmem:s30+$0x5C0];
	v6 =	vmul.f32 v6, v23;
	[tilespmem:s30+$0x5A0] =	vst v13  }
0xa5: {  	v41 =	vld [tilespmem:s30+$0x5D0];
	v3 =	vmul.f32 v3, v27;
	[tilespmem:s30+$0x700] =	vst v4  }
0xa6: {  	v43 =	vld [tilespmem:s30+$0x5F0];
	v24 =	vmul.f32 v2, v61;
	[tilespmem:s30+$0x710] =	vst v6  }
0xa7: {  	v44 =	vld [tilespmem:s30+$0x600];
	v11 =	vmul.f32 v34, v31;
	[tilespmem:s30+$0x950] =	vst v3  }
0xa8: {  	v45 =	vld [tilespmem:s30+$0x610];
	v9 =	vmul.f32 v38, v40;
	[tilespmem:s30+$0x180] =	vst v24  }
0xa9: {  	v63 =	vld [tilespmem:s30+$0x1C0];
	v7 =	vmul.f32 v39, v40;
	[tilespmem:s30+$0x570] =	vst v11  }
0xaa: {  	v49 =	vbroadcast v1, $0x9;
	v29 =	vld [tilespmem:s30+$0x770];
	v8 =	vmul.f32 v41, v40;
	[tilespmem:s30+$0x5B0] =	vst v9  }
0xab: {  	v42 =	vld [tilespmem:s30+$0x5E0];
	v10 =	vmul.f32 v43, v40;
	[tilespmem:s30+$0x5C0] =	vst v7  }
0xac: {  	v46 =	vld [tilespmem:s30+$0x620];
	v12 =	vmul.f32 v44, v49;
	[tilespmem:s30+$0x5D0] =	vst v8  }
0xad: {  	v47 =	vld [tilespmem:s30+$0x630];
	v13 =	vmul.f32 v45, v49;
	[tilespmem:s30+$0x5F0] =	vst v10  }
0xae: {  	v48 =	vld [tilespmem:s30+$0x640];
	v3 =	vmul.f32 v63, v2;
	[tilespmem:s30+$0x600] =	vst v12  }
0xaf: {  	v51 =	vld [tilespmem:s30+$0x660];
	v6 =	vmul.f32 v29, v23;
	[tilespmem:s30+$0x610] =	vst v13  }
0xb0: {  	v52 =	vld [tilespmem:s30+$0x670];
	v11 =	vmul.f32 v42, v40;
	[tilespmem:s30+$0x1C0] =	vst v3  }
0xb1: {  	v28 =	vld [tilespmem:s30+$0x760];
	v9 =	vmul.f32 v46, v49;
	[tilespmem:s30+$0x770] =	vst v6  }
0xb2: {  	v26 =	vld [tilespmem:s30+$0x750];
	v7 =	vmul.f32 v47, v49;
	[tilespmem:s30+$0x5E0] =	vst v11  }
0xb3: {  	v30 =	vld [tilespmem:s30+$0x780];
	v8 =	vmul.f32 v48, v49;
	[tilespmem:s30+$0x620] =	vst v9  }
0xb4: {  	v50 =	vld [tilespmem:s30+$0x650];
	v10 =	vmul.f32 v51, v49;
	[tilespmem:s30+$0x630] =	vst v7  }
0xb5: {  	v54 =	vld [tilespmem:s30+$0x690];
	v12 =	vmul.f32 v52, v49;
	[tilespmem:s30+$0x640] =	vst v8  }
0xb6: {  	v55 =	vld [tilespmem:s30+$0x6A0];
	v35 =	vbroadcast v1, $0xC;
	v40 =	vmul.f32 v28, v23;
	[tilespmem:s30+$0x660] =	vst v10  }
0xb7: {  	v56 =	vld [tilespmem:s30+$0x6B0];
	v32 =	vmul.f32 v26, v23;
	[tilespmem:s30+$0x670] =	vst v12  }
0xb8: {  	v60 =	vld [tilespmem:s30+$0x6E0];
	v15 =	vmul.f32 v30, v35;
	[tilespmem:s30+$0x760] =	vst v40  }
0xb9: {  	v62 =	vld [tilespmem:s30+$0x190];
	v11 =	vmul.f32 v50, v49;
	[tilespmem:s30+$0x750] =	vst v32  }
0xba: {  	v19 =	vld [tilespmem:s30+$0x1D0];
	v9 =	vmul.f32 v54, v5;
	[tilespmem:s30+$0x780] =	vst v15  }
0xbb: {  	v33 =	vld [tilespmem:s30+$0x7B0];
	v7 =	vmul.f32 v55, v5;
	[tilespmem:s30+$0x650] =	vst v11  }
0xbc: {  	v61 =	vld [tilespmem:s30+$0x970];
	v8 =	vmul.f32 v56, v5;
	[tilespmem:s30+$0x690] =	vst v9  }
0xbd: {  	v38 =	vld [tilespmem:s30+$0x7F0];
	v5 =	vmul.f32 v60, v5;
	[tilespmem:s30+$0x6A0] =	vst v7  }
0xbe: {  	v21 =	vld [tilespmem:s30+$0x720];
	v12 =	vmul.f32 v62, v2;
	[tilespmem:s30+$0x6B0] =	vst v8  }
0xbf: {  	v22 =	vld [tilespmem:s30+$0x730];
	v2 =	vmul.f32 v19, v2;
	[tilespmem:s30+$0x6E0] =	vst v5  }
0xc0: {  	v25 =	vld [tilespmem:s30+$0x740];
	v62 =	vmul.f32 v33, v35;
	[tilespmem:s30+$0x190] =	vst v12  }
0xc1: {  	v31 =	vld [tilespmem:s30+$0x790];
	v63 =	vmul.f32 v61, v27;
	[tilespmem:s30+$0x1D0] =	vst v2  }
0xc2: {  	v34 =	vld [tilespmem:s30+$0x7C0];
	v15 =	vmul.f32 v38, v35;
	[tilespmem:s30+$0x7B0] =	vst v62  }
0xc3: {  	v41 =	vld [tilespmem:s30+$0x820];
	v7 =	vmul.f32 v21, v23;
	[tilespmem:s30+$0x970] =	vst v63  }
0xc4: {  	v46 =	vld [tilespmem:s30+$0x860];
	v8 =	vmul.f32 v22, v23;
	[tilespmem:s30+$0x7F0] =	vst v15  }
0xc5: {  	v36 =	vld [tilespmem:s30+$0x7D0];
	v5 =	vmul.f32 v25, v23;
	[tilespmem:s30+$0x720] =	vst v7  }
0xc6: {  	v44 =	vbroadcast v1, $0xD;
	v9 =	vmul.f32 v31, v35;
	v2 =	vld [tilespmem:s30+$0x810];
	[tilespmem:s30+$0x730] =	vst v8  }
0xc7: {  	v37 =	vld [tilespmem:s30+$0x7E0];
	v12 =	vmul.f32 v34, v35;
	[tilespmem:s30+$0x740] =	vst v5  }
0xc8: {  	v39 =	vld [tilespmem:s30+$0x800];
	v11 =	vmul.f32 v41, v44;
	[tilespmem:s30+$0x790] =	vst v9  }
0xc9: {  	v42 =	vld [tilespmem:s30+$0x830];
	v51 =	vmul.f32 v46, v44;
	[tilespmem:s30+$0x7C0] =	vst v12  }
0xca: {  	v48 =	vld [tilespmem:s30+$0x890];
	v8 =	vmul.f32 v36, v35;
	[tilespmem:s30+$0x820] =	vst v11  }
0xcb: {  	v49 =	vld [tilespmem:s30+$0x8A0];
	[tilespmem:s30+$0x860] =	vst v51;
	v2 =	vmul.f32 v2, v44  }
0xcc: {  	v50 =	vld [tilespmem:s30+$0x8B0];
	v5 =	vmul.f32 v37, v35;
	[tilespmem:s30+$0x7D0] =	vst v8  }
0xcd: {  	v1 =	vbroadcast v1, $0xE;
	v9 =	vmul.f32 v39, v44;
	[tilespmem:s30+$0x810] =	vst v2;
	v2 =	vld [tilespmem:s30+$0x880]  }
0xce: {  	v60 =	vld [tilespmem:s30+$0x960];
	v12 =	vmul.f32 v42, v44;
	[tilespmem:s30+$0x7E0] =	vst v5  }
0xcf: {  	v45 =	vld [tilespmem:s30+$0x850];
	v11 =	vmul.f32 v48, v1;
	[tilespmem:s30+$0x800] =	vst v9  }
0xd0: {  	v47 =	vld [tilespmem:s30+$0x870];
	v10 =	vmul.f32 v49, v1;
	[tilespmem:s30+$0x830] =	vst v12  }
0xd1: {  	v43 =	vld [tilespmem:s30+$0x840];
	v6 =	vmul.f32 v50, v1;
	[tilespmem:s30+$0x890] =	vst v11  }
0xd2: {  	v55 =	vld [tilespmem:s30+$0x900];
	[tilespmem:s30+$0x8A0] =	vst v10;
	v2 =	vmul.f32 v2, v1  }
0xd3: {  	v57 =	vld [tilespmem:s30+$0x920];
	v4 =	vmul.f32 v60, v27;
	[tilespmem:s30+$0x8B0] =	vst v6  }
0xd4: {  	v5 =	vmul.f32 v45, v44;
	[tilespmem:s30+$0x880] =	vst v2;
	v2 =	vld [tilespmem:s30+$0x8F0]  }
0xd5: {  	v52 =	vld [tilespmem:s30+$0x8C0];
	v9 =	vmul.f32 v47, v44;
	[tilespmem:s30+$0x960] =	vst v4  }
0xd6: {  	v56 =	vld [tilespmem:s30+$0x910];
	v8 =	vmul.f32 v43, v44;
	[tilespmem:s30+$0x850] =	vst v5  }
0xd7: {  	v54 =	vld [tilespmem:s30+$0x8E0];
	v11 =	vmul.f32 v55, v27;
	[tilespmem:s30+$0x870] =	vst v9  }
0xd8: {  	v58 =	vld [tilespmem:s30+$0x930];
	v6 =	vmul.f32 v57, v27;
	[tilespmem:s30+$0x840] =	vst v8  }
0xd9: {  	v53 =	vld [tilespmem:s30+$0x8D0];
	[tilespmem:s30+$0x900] =	vst v11;
	v2 =	vmul.f32 v2, v1  }
0xda: {  	v59 =	vld [tilespmem:s30+$0x940];
	v5 =	vmul.f32 v52, v1;
	[tilespmem:s30+$0x920] =	vst v6  }
0xdb: {  	[tilespmem:s30+$0x8F0] =	vst v2;
	v2 =	vmul.f32 v56, v27  }
0xdc: {  	v3 =	vld [tilespmem:s30+$0x7A0];
	v9 =	vmul.f32 v54, v1;
	[tilespmem:s30+$0x8C0] =	vst v5  }
0xdd: {  	[tilespmem:s30+$0x910] =	vst v2;
	v2 =	vmul.f32 v58, v27  }
0xde: {  	[tilespmem:s30+$0x8E0] =	vst v9;
	v1 =	vmul.f32 v53, v1  }
0xdf: {  	[tilespmem:s30+$0x930] =	vst v2;
	v2 =	vmul.f32 v59, v27  }
0xe0: {  	[tilespmem:s30+$0x8D0] =	vst v1  }
0xe1: {  	s31 =	simm.s32 $0x1;
	[tilespmem:s30+$0x940] =	vst v2;
	v2 =	vmul.f32 v3, v35  }
.LBB2_5:
0xe2: {  	s0 =	sshll.u32 s31, $0x4  }
0xe3: {  	p1 =	sne.s32 s31, $0x4;
	[tilespmem:s30+$0x7A0] =	vst v2;
	s30 =	smov.u32 s31;
	s31 =	sadd.s32 $0x1, s31  }
0xe4: {  	s0 =	sand.u32 $0x3FFFFFF0, s0  }
0xe5: {  	v1 =	vld [tilespmem:s0+$0x100];
	s0 =	sshll.u32 s30, $0xB  }
0xe6: {  	s30 =	sand.u32 $0x3FFFF800, s0  }
0xe7: {  	v8 =	vld [tilespmem:s30+$0x240]  }
0xe8: {  	v9 =	vld [tilespmem:s30+$0x250]  }
0xe9: {  	v10 =	vld [tilespmem:s30+$0x230]  }
0xea: {  	v2 =	vbroadcast v1, $0x0;
	v3 =	vld [tilespmem:s30+$0x1A0];
	v7 =	vbroadcast v1, $0x4  }
0xeb: {  	v5 =	vld [tilespmem:s30+$0x1B0]  }
0xec: {  	v6 =	vld [tilespmem:s30+$0x6F0]  }
0xed: {  	v11 =	vld [tilespmem:s30+$0x1E0]  }
0xee: {  	v12 =	vld [tilespmem:s30+$0x1F0]  }
0xef: {  	v4 =	vbroadcast v1, $0xA;
	v3 =	vmul.f32 v3, v2;
	v13 =	vld [tilespmem:s30+$0x200]  }
0xf0: {  	v5 =	vmul.f32 v5, v2;
	v14 =	vld [tilespmem:s30+$0x210]  }
0xf1: {  	[tilespmem:s30+$0x1A0] =	vst v3;
	v15 =	vld [tilespmem:s30+$0x220];
	v3 =	vmul.f32 v6, v4  }
0xf2: {  	[tilespmem:s30+$0x1B0] =	vst v5;
	v6 =	vmul.f32 v11, v2;
	v11 =	vbroadcast v1, $0x1;
	v5 =	vld [tilespmem:s30+$0x700]  }
0xf3: {  	v12 =	vmul.f32 v12, v2;
	[tilespmem:s30+$0x6F0] =	vst v3;
	v3 =	vld [tilespmem:s30+$0x950]  }
0xf4: {  	[tilespmem:s30+$0x1E0] =	vst v6;
	v13 =	vmul.f32 v13, v11;
	v6 =	vld [tilespmem:s30+$0x710]  }
0xf5: {  	[tilespmem:s30+$0x1F0] =	vst v12;
	v12 =	vmul.f32 v14, v11;
	v14 =	vld [tilespmem:s30+$0x260]  }
0xf6: {  	[tilespmem:s30+$0x200] =	vst v13;
	v13 =	vmul.f32 v15, v11;
	v15 =	vld [tilespmem:s30+$0x270]  }
0xf7: {  	v10 =	vmul.f32 v10, v11;
	[tilespmem:s30+$0x210] =	vst v12;
	v12 =	vld [tilespmem:s30+$0x280]  }
0xf8: {  	v8 =	vmul.f32 v8, v11;
	[tilespmem:s30+$0x220] =	vst v13;
	v13 =	vld [tilespmem:s30+$0x290]  }
0xf9: {  	v9 =	vmul.f32 v9, v11;
	[tilespmem:s30+$0x230] =	vst v10;
	v10 =	vld [tilespmem:s30+$0x2A0]  }
0xfa: {  	[tilespmem:s30+$0x240] =	vst v8;
	v8 =	vmul.f32 v14, v11;
	v14 =	vbroadcast v1, $0x2;
	v16 =	vld [tilespmem:s30+$0x2B0]  }
0xfb: {  	[tilespmem:s30+$0x250] =	vst v9;
	v9 =	vmul.f32 v15, v11;
	v11 =	vld [tilespmem:s30+$0x2C0]  }
0xfc: {  	[tilespmem:s30+$0x260] =	vst v8;
	v8 =	vmul.f32 v12, v14;
	v12 =	vld [tilespmem:s30+$0x2D0]  }
0xfd: {  	[tilespmem:s30+$0x270] =	vst v9;
	v9 =	vmul.f32 v13, v14;
	v13 =	vld [tilespmem:s30+$0x2E0]  }
0xfe: {  	[tilespmem:s30+$0x280] =	vst v8;
	v8 =	vmul.f32 v10, v14;
	v10 =	vld [tilespmem:s30+$0x2F0]  }
0xff: {  	[tilespmem:s30+$0x290] =	vst v9;
	v9 =	vmul.f32 v16, v14;
	v15 =	vld [tilespmem:s30+$0x300]  }
0x100: {  	[tilespmem:s30+$0x2A0] =	vst v8;
	v8 =	vmul.f32 v11, v14;
	v11 =	vld [tilespmem:s30+$0x310]  }
0x101: {  	[tilespmem:s30+$0x2B0] =	vst v9;
	v9 =	vmul.f32 v12, v14;
	v12 =	vld [tilespmem:s30+$0x320]  }
0x102: {  	[tilespmem:s30+$0x2C0] =	vst v8;
	v8 =	vmul.f32 v13, v14;
	v13 =	vbroadcast v1, $0x3;
	v16 =	vld [tilespmem:s30+$0x330]  }
0x103: {  	[tilespmem:s30+$0x2D0] =	vst v9;
	v9 =	vmul.f32 v10, v14;
	v10 =	vld [tilespmem:s30+$0x340]  }
0x104: {  	[tilespmem:s30+$0x2E0] =	vst v8;
	v8 =	vmul.f32 v15, v13;
	v14 =	vld [tilespmem:s30+$0x350]  }
0x105: {  	[tilespmem:s30+$0x2F0] =	vst v9;
	v9 =	vmul.f32 v11, v13;
	v11 =	vld [tilespmem:s30+$0x360]  }
0x106: {  	[tilespmem:s30+$0x300] =	vst v8;
	v8 =	vmul.f32 v12, v13;
	v12 =	vld [tilespmem:s30+$0x370]  }
0x107: {  	[tilespmem:s30+$0x310] =	vst v9;
	v9 =	vmul.f32 v16, v13;
	v15 =	vld [tilespmem:s30+$0x380]  }
0x108: {  	[tilespmem:s30+$0x320] =	vst v8;
	v8 =	vmul.f32 v10, v13;
	v10 =	vld [tilespmem:s30+$0x390]  }
0x109: {  	[tilespmem:s30+$0x330] =	vst v9;
	v9 =	vmul.f32 v14, v13;
	v14 =	vld [tilespmem:s30+$0x3A0]  }
0x10a: {  	[tilespmem:s30+$0x340] =	vst v8;
	v8 =	vmul.f32 v11, v13;
	v11 =	vld [tilespmem:s30+$0x3B0]  }
0x10b: {  	[tilespmem:s30+$0x350] =	vst v9;
	v9 =	vmul.f32 v12, v13;
	v12 =	vld [tilespmem:s30+$0x3C0]  }
0x10c: {  	[tilespmem:s30+$0x360] =	vst v8;
	v8 =	vmul.f32 v15, v7;
	v13 =	vld [tilespmem:s30+$0x3D0]  }
0x10d: {  	[tilespmem:s30+$0x370] =	vst v9;
	v9 =	vmul.f32 v10, v7;
	v10 =	vld [tilespmem:s30+$0x3E0]  }
0x10e: {  	[tilespmem:s30+$0x380] =	vst v8;
	v8 =	vmul.f32 v14, v7;
	v14 =	vld [tilespmem:s30+$0x3F0]  }
0x10f: {  	[tilespmem:s30+$0x390] =	vst v9;
	v9 =	vmul.f32 v11, v7;
	v11 =	vld [tilespmem:s30+$0x400]  }
0x110: {  	[tilespmem:s30+$0x3A0] =	vst v8;
	v8 =	vmul.f32 v12, v7;
	v12 =	vld [tilespmem:s30+$0x410]  }
0x111: {  	[tilespmem:s30+$0x3B0] =	vst v9;
	v9 =	vmul.f32 v13, v7;
	v13 =	vld [tilespmem:s30+$0x420]  }
0x112: {  	[tilespmem:s30+$0x3C0] =	vst v8;
	v8 =	vmul.f32 v10, v7;
	v10 =	vbroadcast v1, $0x5;
	v15 =	vld [tilespmem:s30+$0x430]  }
0x113: {  	[tilespmem:s30+$0x3D0] =	vst v9;
	v7 =	vmul.f32 v14, v7;
	v9 =	vld [tilespmem:s30+$0x440]  }
0x114: {  	[tilespmem:s30+$0x3E0] =	vst v8;
	v8 =	vmul.f32 v11, v10;
	v11 =	vld [tilespmem:s30+$0x450]  }
0x115: {  	[tilespmem:s30+$0x3F0] =	vst v7;
	v7 =	vmul.f32 v12, v10;
	v12 =	vld [tilespmem:s30+$0x460]  }
0x116: {  	[tilespmem:s30+$0x400] =	vst v8;
	v8 =	vmul.f32 v13, v10;
	v13 =	vld [tilespmem:s30+$0x470]  }
0x117: {  	[tilespmem:s30+$0x410] =	vst v7;
	v7 =	vmul.f32 v15, v10;
	v14 =	vld [tilespmem:s30+$0x480]  }
0x118: {  	[tilespmem:s30+$0x420] =	vst v8;
	v8 =	vmul.f32 v9, v10;
	v9 =	vld [tilespmem:s30+$0x490]  }
0x119: {  	[tilespmem:s30+$0x430] =	vst v7;
	v7 =	vmul.f32 v11, v10;
	v11 =	vld [tilespmem:s30+$0x4A0]  }
0x11a: {  	[tilespmem:s30+$0x440] =	vst v8;
	v8 =	vmul.f32 v12, v10;
	v12 =	vbroadcast v1, $0x6;
	v15 =	vld [tilespmem:s30+$0x4B0]  }
0x11b: {  	[tilespmem:s30+$0x450] =	vst v7;
	v7 =	vmul.f32 v13, v10;
	v10 =	vld [tilespmem:s30+$0x4C0]  }
0x11c: {  	[tilespmem:s30+$0x460] =	vst v8;
	v8 =	vmul.f32 v14, v12;
	v13 =	vld [tilespmem:s30+$0x4D0]  }
0x11d: {  	[tilespmem:s30+$0x470] =	vst v7;
	v7 =	vmul.f32 v9, v12;
	v9 =	vld [tilespmem:s30+$0x4E0]  }
0x11e: {  	[tilespmem:s30+$0x480] =	vst v8;
	v8 =	vmul.f32 v11, v12;
	v11 =	vld [tilespmem:s30+$0x4F0]  }
0x11f: {  	[tilespmem:s30+$0x490] =	vst v7;
	v7 =	vmul.f32 v15, v12;
	v14 =	vld [tilespmem:s30+$0x500]  }
0x120: {  	[tilespmem:s30+$0x4A0] =	vst v8;
	v8 =	vmul.f32 v10, v12;
	v10 =	vld [tilespmem:s30+$0x510]  }
0x121: {  	[tilespmem:s30+$0x4B0] =	vst v7;
	v7 =	vmul.f32 v13, v12;
	v13 =	vld [tilespmem:s30+$0x520]  }
0x122: {  	[tilespmem:s30+$0x4C0] =	vst v8;
	v8 =	vmul.f32 v9, v12;
	v9 =	vbroadcast v1, $0x7;
	v15 =	vld [tilespmem:s30+$0x530]  }
0x123: {  	[tilespmem:s30+$0x4D0] =	vst v7;
	v7 =	vmul.f32 v11, v12;
	v11 =	vld [tilespmem:s30+$0x540]  }
0x124: {  	[tilespmem:s30+$0x4E0] =	vst v8;
	v8 =	vmul.f32 v14, v9;
	v12 =	vld [tilespmem:s30+$0x550]  }
0x125: {  	[tilespmem:s30+$0x4F0] =	vst v7;
	v7 =	vmul.f32 v10, v9;
	v10 =	vld [tilespmem:s30+$0x560]  }
0x126: {  	[tilespmem:s30+$0x500] =	vst v8;
	v8 =	vmul.f32 v13, v9;
	v13 =	vld [tilespmem:s30+$0x570]  }
0x127: {  	[tilespmem:s30+$0x510] =	vst v7;
	v7 =	vmul.f32 v15, v9;
	v14 =	vld [tilespmem:s30+$0x580]  }
0x128: {  	[tilespmem:s30+$0x520] =	vst v8;
	v8 =	vmul.f32 v11, v9;
	v11 =	vld [tilespmem:s30+$0x590]  }
0x129: {  	[tilespmem:s30+$0x530] =	vst v7;
	v7 =	vmul.f32 v12, v9;
	v12 =	vld [tilespmem:s30+$0x5A0]  }
0x12a: {  	[tilespmem:s30+$0x540] =	vst v8;
	v8 =	vmul.f32 v10, v9;
	v10 =	vbroadcast v1, $0x8;
	v15 =	vld [tilespmem:s30+$0x5B0]  }
0x12b: {  	[tilespmem:s30+$0x550] =	vst v7;
	v7 =	vmul.f32 v13, v9;
	v9 =	vld [tilespmem:s30+$0x5C0]  }
0x12c: {  	[tilespmem:s30+$0x560] =	vst v8;
	v8 =	vmul.f32 v14, v10;
	v13 =	vld [tilespmem:s30+$0x5D0]  }
0x12d: {  	[tilespmem:s30+$0x570] =	vst v7;
	v7 =	vmul.f32 v11, v10;
	v11 =	vld [tilespmem:s30+$0x5E0]  }
0x12e: {  	[tilespmem:s30+$0x580] =	vst v8;
	v8 =	vmul.f32 v12, v10;
	v12 =	vld [tilespmem:s30+$0x5F0]  }
0x12f: {  	[tilespmem:s30+$0x590] =	vst v7;
	v7 =	vmul.f32 v15, v10;
	v14 =	vld [tilespmem:s30+$0x600]  }
0x130: {  	[tilespmem:s30+$0x5A0] =	vst v8;
	v8 =	vmul.f32 v9, v10;
	v9 =	vld [tilespmem:s30+$0x610]  }
0x131: {  	[tilespmem:s30+$0x5B0] =	vst v7;
	v7 =	vmul.f32 v13, v10;
	v13 =	vld [tilespmem:s30+$0x620]  }
0x132: {  	[tilespmem:s30+$0x5C0] =	vst v8;
	v8 =	vmul.f32 v11, v10;
	v11 =	vbroadcast v1, $0x9;
	v15 =	vld [tilespmem:s30+$0x630]  }
0x133: {  	[tilespmem:s30+$0x5D0] =	vst v7;
	v7 =	vmul.f32 v12, v10;
	v10 =	vld [tilespmem:s30+$0x640]  }
0x134: {  	[tilespmem:s30+$0x5E0] =	vst v8;
	v8 =	vmul.f32 v14, v11;
	v12 =	vld [tilespmem:s30+$0x650]  }
0x135: {  	[tilespmem:s30+$0x5F0] =	vst v7;
	v7 =	vmul.f32 v9, v11;
	v9 =	vld [tilespmem:s30+$0x660]  }
0x136: {  	[tilespmem:s30+$0x600] =	vst v8;
	v8 =	vmul.f32 v13, v11;
	v13 =	vld [tilespmem:s30+$0x670]  }
0x137: {  	[tilespmem:s30+$0x610] =	vst v7;
	v7 =	vmul.f32 v15, v11;
	v14 =	vld [tilespmem:s30+$0x680]  }
0x138: {  	[tilespmem:s30+$0x620] =	vst v8;
	v8 =	vmul.f32 v10, v11;
	v10 =	vld [tilespmem:s30+$0x690]  }
0x139: {  	[tilespmem:s30+$0x630] =	vst v7;
	v7 =	vmul.f32 v12, v11;
	v12 =	vld [tilespmem:s30+$0x6A0]  }
0x13a: {  	[tilespmem:s30+$0x640] =	vst v8;
	v8 =	vmul.f32 v9, v11;
	v9 =	vld [tilespmem:s30+$0x6B0]  }
0x13b: {  	[tilespmem:s30+$0x650] =	vst v7;
	v7 =	vmul.f32 v13, v11;
	v11 =	vld [tilespmem:s30+$0x6C0]  }
0x13c: {  	[tilespmem:s30+$0x660] =	vst v8;
	v8 =	vmul.f32 v14, v4;
	v13 =	vld [tilespmem:s30+$0x6D0]  }
0x13d: {  	[tilespmem:s30+$0x670] =	vst v7;
	v7 =	vmul.f32 v10, v4;
	v10 =	vld [tilespmem:s30+$0x6E0]  }
0x13e: {  	v14 =	vld [tilespmem:s30+$0x180];
	[tilespmem:s30+$0x680] =	vst v8;
	v8 =	vmul.f32 v12, v4  }
0x13f: {  	v12 =	vld [tilespmem:s30+$0x190];
	[tilespmem:s30+$0x690] =	vst v7;
	v7 =	vmul.f32 v9, v4  }
0x140: {  	v9 =	vld [tilespmem:s30+$0x1C0];
	[tilespmem:s30+$0x6A0] =	vst v8;
	v8 =	vmul.f32 v11, v4  }
0x141: {  	v11 =	vld [tilespmem:s30+$0x1D0];
	[tilespmem:s30+$0x6B0] =	vst v7;
	v7 =	vmul.f32 v13, v4  }
0x142: {  	[tilespmem:s30+$0x6C0] =	vst v8;
	v8 =	vmul.f32 v10, v4;
	v10 =	vbroadcast v1, $0xB;
	v13 =	vld [tilespmem:s30+$0x720]  }
0x143: {  	v4 =	vbroadcast v1, $0xF;
	v14 =	vmul.f32 v2, v14;
	[tilespmem:s30+$0x6D0] =	vst v7;
	v7 =	vld [tilespmem:s30+$0x730]  }
0x144: {  	v12 =	vmul.f32 v12, v2;
	[tilespmem:s30+$0x6E0] =	vst v8;
	v5 =	vmul.f32 v5, v10;
	v8 =	vld [tilespmem:s30+$0x740]  }
0x145: {  	v6 =	vmul.f32 v6, v10;
	[tilespmem:s30+$0x180] =	vst v14;
	v9 =	vmul.f32 v9, v2;
	v14 =	vld [tilespmem:s30+$0x750]  }
0x146: {  	v3 =	vmul.f32 v3, v4;
	v11 =	vmul.f32 v11, v2;
	[tilespmem:s30+$0x700] =	vst v5;
	v2 =	vld [tilespmem:s30+$0x760]  }
0x147: {  	[tilespmem:s30+$0x710] =	vst v6;
	v5 =	vmul.f32 v13, v10;
	v6 =	vld [tilespmem:s30+$0x770]  }
0x148: {  	v7 =	vmul.f32 v7, v10;
	v13 =	vld [tilespmem:s30+$0x780];
	[tilespmem:s30+$0x950] =	vst v3  }
0x149: {  	[tilespmem:s30+$0x190] =	vst v12;
	v3 =	vmul.f32 v8, v10;
	v8 =	vld [tilespmem:s30+$0x790]  }
0x14a: {  	[tilespmem:s30+$0x1C0] =	vst v9;
	v9 =	vmul.f32 v14, v10;
	v12 =	vld [tilespmem:s30+$0x7A0]  }
0x14b: {  	v14 =	vbroadcast v1, $0xC;
	[tilespmem:s30+$0x720] =	vst v5;
	v5 =	vmul.f32 v2, v10;
	v15 =	vld [tilespmem:s30+$0x7B0]  }
0x14c: {  	[tilespmem:s30+$0x750] =	vst v9;
	v6 =	vmul.f32 v6, v10;
	v9 =	vld [tilespmem:s30+$0x7C0]  }
0x14d: {  	[tilespmem:s30+$0x730] =	vst v7;
	v2 =	vmul.f32 v13, v14;
	v7 =	vld [tilespmem:s30+$0x7D0]  }
0x14e: {  	[tilespmem:s30+$0x740] =	vst v3;
	v3 =	vmul.f32 v8, v14;
	v8 =	vld [tilespmem:s30+$0x7E0]  }
0x14f: {  	[tilespmem:s30+$0x780] =	vst v2;
	v2 =	vmul.f32 v12, v14;
	v10 =	vld [tilespmem:s30+$0x7F0]  }
0x150: {  	[tilespmem:s30+$0x790] =	vst v3;
	v3 =	vld [tilespmem:s30+$0x800]  }
0x151: {  	[tilespmem:s30+$0x1D0] =	vst v11;
	v9 =	vmul.f32 v9, v14;
	v11 =	vld [tilespmem:s30+$0x810]  }
0x152: {  	[tilespmem:s30+$0x760] =	vst v5;
	v5 =	vmul.f32 v7, v14;
	v7 =	vld [tilespmem:s30+$0x820]  }
0x153: {  	[tilespmem:s30+$0x7C0] =	vst v9;
	v8 =	vmul.f32 v8, v14;
	v9 =	vbroadcast v1, $0xD;
	v12 =	vld [tilespmem:s30+$0x830]  }
0x154: {  	[tilespmem:s30+$0x7D0] =	vst v5;
	v5 =	vmul.f32 v10, v14;
	v10 =	vld [tilespmem:s30+$0x840]  }
0x155: {  	[tilespmem:s30+$0x7E0] =	vst v8;
	v3 =	vmul.f32 v3, v9;
	v8 =	vld [tilespmem:s30+$0x850]  }
0x156: {  	[tilespmem:s30+$0x7F0] =	vst v5;
	v5 =	vmul.f32 v11, v9;
	v11 =	vld [tilespmem:s30+$0x860]  }
0x157: {  	[tilespmem:s30+$0x800] =	vst v3;
	v3 =	vmul.f32 v7, v9;
	v7 =	vld [tilespmem:s30+$0x870]  }
0x158: {  	[tilespmem:s30+$0x810] =	vst v5;
	v5 =	vmul.f32 v12, v9;
	v12 =	vld [tilespmem:s30+$0x880]  }
0x159: {  	[tilespmem:s30+$0x820] =	vst v3;
	v3 =	vmul.f32 v10, v9;
	v10 =	vld [tilespmem:s30+$0x890]  }
0x15a: {  	[tilespmem:s30+$0x830] =	vst v5;
	v5 =	vmul.f32 v8, v9;
	v8 =	vld [tilespmem:s30+$0x8A0]  }
0x15b: {  	v1 =	vbroadcast v1, $0xE;
	[tilespmem:s30+$0x770] =	vst v6;
	v6 =	vmul.f32 v11, v9;
	v11 =	vld [tilespmem:s30+$0x8B0]  }
0x15c: {  	[tilespmem:s30+$0x850] =	vst v5;
	v5 =	vmul.f32 v7, v9;
	v7 =	vld [tilespmem:s30+$0x8C0]  }
0x15d: {  	[tilespmem:s30+$0x860] =	vst v6;
	v6 =	vmul.f32 v12, v1;
	v9 =	vld [tilespmem:s30+$0x8D0]  }
0x15e: {  	[tilespmem:s30+$0x870] =	vst v5;
	v5 =	vmul.f32 v10, v1;
	v10 =	vld [tilespmem:s30+$0x8E0]  }
0x15f: {  	[tilespmem:s30+$0x880] =	vst v6;
	v6 =	vmul.f32 v8, v1;
	v8 =	vld [tilespmem:s30+$0x8F0]  }
0x160: {  	[tilespmem:s30+$0x890] =	vst v5;
	v5 =	vmul.f32 v11, v1;
	v11 =	vld [tilespmem:s30+$0x900]  }
0x161: {  	[tilespmem:s30+$0x8A0] =	vst v6;
	v6 =	vmul.f32 v7, v1;
	v7 =	vld [tilespmem:s30+$0x910]  }
0x162: {  	[tilespmem:s30+$0x8B0] =	vst v5;
	v5 =	vmul.f32 v9, v1;
	v9 =	vld [tilespmem:s30+$0x920]  }
0x163: {  	[tilespmem:s30+$0x8C0] =	vst v6;
	v6 =	vmul.f32 v10, v1;
	v10 =	vld [tilespmem:s30+$0x930]  }
0x164: {  	[tilespmem:s30+$0x840] =	vst v3;
	v1 =	vmul.f32 v8, v1;
	v3 =	vld [tilespmem:s30+$0x940]  }
0x165: {  	[tilespmem:s30+$0x8E0] =	vst v6;
	v6 =	vmul.f32 v11, v4;
	v8 =	vld [tilespmem:s30+$0x960]  }
0x166: {  	[tilespmem:s30+$0x8F0] =	vst v1;
	v1 =	vmul.f32 v7, v4;
	v7 =	vld [tilespmem:s30+$0x970]  }
0x167: {  	[tilespmem:s30+$0x900] =	vst v6;
	v6 =	vmul.f32 v9, v4  }
0x168: {  	[tilespmem:s30+$0x910] =	vst v1;
	v1 =	vmul.f32 v10, v4  }
0x169: {  	v9 =	vmul.f32 v15, v14;
	[tilespmem:s30+$0x920] =	vst v6  }
0x16a: {  	[tilespmem:s30+$0x930] =	vst v1;
	v1 =	vmul.f32 v3, v4  }
.Ltmp1:
0x16b: {  	[tilespmem:s30+$0x7B0] =	vst v9;
	v3 =	vmul.f32 v7, v4;
	(pc) =	sbr.rel @p1 .LBB2_5-.Ltmp1, $4  }
0x16c: {  	[tilespmem:s30+$0x940] =	vst v1  }
0x16d: {  	v1 =	vmul.f32 v8, v4;
	[tilespmem:s30+$0x970] =	vst v3  }
0x16e: {  	[tilespmem:s30+$0x8D0] =	vst v5  }
0x16f: {  	[tilespmem:s30+$0x960] =	vst v1  }
0x170: {  	s29 =	sadd.s32 $0x1, s29  }
0x171: {  	p1 =	sne.s32 s29, $0x7D  }
.Ltmp2:
0x172: {  	[tilespmem:s30+$0x7A0] =	vst v2;
	(pc) =	sbr.rel @p1 .LBB2_4-.Ltmp2, $4  }
0x173: {  	[spmem:s6] =	stream.indirect.scatter.add.f32 [tilespmem:s20], [sflag:$0x2], $0x80, s22, s24, $0xb8;
	[tilespmem:$0x16200] =	vst v63  }
0x174: {  	_ =	swait.ge [sflag:s21], $0x2800  }
0x175: {  	[sflag:s21] =	ssyncset.done $0x0  }
0x176: {  	[sflag:s21] =	ssyncadd.s32 $0xFFFFD800  }
0x177: {  	s0 =	sshll.u32 s5, $0x6  }
0x178: {  	[bflag:$0x0] =	sbarrier.arrive $0xFFFF;
	s28 =	sshrl.u32 s8, $0x3;
	s0 =	sor.u32 $0x1C02, s0  }
0x179: {  	[hbm:s17], [sflag:s0] =	dma.local [spmem:s28], $0x2700  }
0x17a: {  	_ =	swait.ge [sflag:s21], $0x2700  }
0x17b: {  	s7 =	sadd.s32 $0x1, s7;
	[sflag:s21] =	ssyncset.done $0x0  }
0x17c: {  	p1 =	sne.s32 s7, s19;
	[sflag:s21] =	ssyncadd.s32 $0xFFFFD900  }
0x17d: {  	[hbm:s18], [sflag:s0] =	dma.local @!p0 [spmem:s25], $0x100  }
.Ltmp3:
0x17e: {  	_ = 	snop;
	(pc) =	sbr.rel @p1 .LBB2_1-.Ltmp3, $4  }
0x17f: {  	s0 =	simm.s32 @!p0 $0x2  }
0x180: {  	_ =	swait.ge @!p0 [sflag:s0], $0x100  }
0x181: {  	[sflag:s0] =	ssyncset.done @!p0 $0x0  }
0x182: {  	[sflag:s0] =	ssyncadd.s32 @!p0 $0xFFFFFF00  }
0x183: {  	_ =	sfence.sel $0x180000  }
0x184: {  	[bflag:$0x0] =	sbarrier.arrive $0xFFFF  }
0x185: {  	_ =	strace $0x90000047  }
0x186: {  	[bflag:$0x2] =	sbarrier.arrive $0xFFFF  }
0x187: {  	p0 =	sne.s32 s5, $0x0;
	s0 =	rddreg [dreg:$0x6]  }
0x188: {  	s0 =	sadd.s32 @!p0 $0x100000, s0  }
0x189: {  	[sflag:s0] =	ssyncadd.tile.s32 @!p0 $0x1;
	_ =	shalt  }
.Lfunc_end2:
_tile_overlayer_lowered:
.L_overlay_start_2:
0x18a: {  	(tag) =	ssettag $0x2  }
0x18b: {  	s0 =	rddreg [dreg:$0x0];
	s2 =	stileid.u32  }
0x18c: {  	s1 =	rddreg [dreg:$0x1];
	p0 =	sne.s32 s2, $0x0  }
0x18d: {  	s3 =	rddreg [dreg:$0x2];
	[bflag:$0x3] =	sbarrier.arrive $0xFFFF;
	s2 =	simm.s32 @!p0 $0x1C02  }
0x18e: {  	[timem:s3], [sflag:s2] =	dma.local @!p0 [hbm:s0], s1  }
0x18f: {  	s0 =	simm.s32 @!p0 $0x2  }
0x190: {  	_ =	swait.ge @!p0 [sflag:s0], s1  }
0x191: {  	s1 =	ssub.s32 @!p0 $0x0, s1;
	[sflag:s0] =	ssyncset.done @!p0 $0x0  }
0x192: {  	[sflag:s0] =	ssyncadd.s32 @!p0 s1  }
0x193: {  	[bflag:$0x3] =	sbarrier.arrive $0xFFFF  }
0x194: {  	_ =	shalt  }

</sc_bundles>
